<compile_context>
chip_gen: v7x
topology: tpu7x:2x2x1
jax: 0.10.2.dev20260603
libtpu: 0.0.44.dev20260713+nightly
codegen_flags: <defaults>
</compile_context>

<pallas_src>
import dataclasses
import functools

import jax
import jax.numpy as jnp
from jax import lax
from jax.experimental import pallas as pl
from jax.experimental.pallas import tpu as pltpu
from jax.experimental.pallas import tpu_sc as plsc

_CORES = 2
_SUBCORES = 16
_NW = _CORES * _SUBCORES
_CHUNK = 128
_BR = 1000




def _spmm_partials(mat, src, dst, vals, n_chunks):
    NP, D = mat.shape
    nvec = D // 16
    rows_per_tile = NP // _SUBCORES
    mesh = plsc.VectorSubcoreMesh(core_axis_name="c", subcore_axis_name="s")
    cp = pltpu.CompilerParams()
    if "needs_layout_passes" in pltpu.CompilerParams.__dataclass_fields__:
        cp = dataclasses.replace(cp, needs_layout_passes=False)

    @functools.partial(
        pl.kernel,
        compiler_params=cp,
        out_type=jax.ShapeDtypeStruct((_CORES, NP, D), jnp.float32),
        mesh=mesh,
        scratch_types=[
            pltpu.VMEM((n_chunks, _CHUNK), jnp.int32),
            pltpu.VMEM((_CHUNK,), jnp.int32),
            pltpu.VMEM((_CHUNK,), jnp.int32),
            pltpu.VMEM((_CHUNK,), jnp.float32),
            pltpu.VMEM((_CHUNK,), jnp.float32),
            pltpu.VMEM((_CHUNK, D), jnp.float32),
            pltpu.VMEM((_CHUNK, D), jnp.float32),
            pltpu.VMEM_SHARED((NP, D), jnp.float32),
            pltpu.SemaphoreType.DMA,
            pltpu.SemaphoreType.DMA,
            pltpu.SemaphoreType.DMA,
            pltpu.SemaphoreType.DMA,
        ],
    )
    def k(mat_hbm, src_hbm, dst_hbm, vals_hbm, out_hbm,
          src_all, dst_a, dst_b, vals_a, vals_b, rows_a, rows_b, acc,
          sem_a, sem_b, sem_ia, sem_ib):
        cid = lax.axis_index("c")
        sid = lax.axis_index("s")
        wid = sid * _CORES + cid

        pltpu.sync_copy(src_hbm.at[wid], src_all)

        def prefetch(ci, rows, dst_v, vals_v, sem, sem_i):
            ck = lax.rem(ci, n_chunks)
            off = ck * _CHUNK
            pltpu.async_copy(mat_hbm.at[src_all.at[ck]], rows, sem)
            pltpu.async_copy(dst_hbm.at[wid, pl.ds(off, _CHUNK)], dst_v, sem_i)
            pltpu.async_copy(vals_hbm.at[wid, pl.ds(off, _CHUNK)], vals_v, sem_i)

        def wait(rows, dst_v, vals_v, sem, sem_i):
            pltpu.make_async_copy(mat_hbm.at[src_all.at[0]], rows, sem).wait()
            pltpu.make_async_copy(dst_hbm.at[0, pl.ds(0, _CHUNK)], dst_v,
                                  sem_i).wait()
            pltpu.make_async_copy(vals_hbm.at[0, pl.ds(0, _CHUNK)], vals_v,
                                  sem_i).wait()

        prefetch(0, rows_a, dst_a, vals_a, sem_a, sem_ia)

        zeros = jnp.zeros((16,), jnp.float32)

        @pl.loop(0, _CHUNK)
        def _(r):
            for v in range(nvec):
                rows_b[r, pl.ds(v * 16, 16)] = zeros

        base = sid * rows_per_tile
        for i in range(rows_per_tile // _CHUNK):
            pltpu.sync_copy(rows_b, acc.at[pl.ds(base + i * _CHUNK, _CHUNK)])
        plsc.subcore_barrier()

        def scale(rows, vals_v):
            @pl.loop(0, _CHUNK, step=4)
            def _(eb):
                for kk in range(4):
                    e = eb + kk
                    val = plsc.load_gather(
                        vals_v, [jnp.full((16,), e, jnp.int32)])
                    for v in range(nvec):
                        sl = pl.ds(v * 16, 16)
                        rows[e, sl] = rows[e, sl] * val

        @pl.loop(0, n_chunks, step=2)
        def _(ci):
            prefetch(ci + 1, rows_b, dst_b, vals_b, sem_b, sem_ib)
            wait(rows_a, dst_a, vals_a, sem_a, sem_ia)
            scale(rows_a, vals_a)
            pltpu.sync_copy(rows_a, acc.at[dst_a], add=True)
            prefetch(ci + 2, rows_a, dst_a, vals_a, sem_a, sem_ia)
            wait(rows_b, dst_b, vals_b, sem_b, sem_ib)
            scale(rows_b, vals_b)
            pltpu.sync_copy(rows_b, acc.at[dst_b], add=True)

        wait(rows_a, dst_a, vals_a, sem_a, sem_ia)

        plsc.subcore_barrier()
        pltpu.sync_copy(acc.at[pl.ds(base, rows_per_tile)],
                        out_hbm.at[cid, pl.ds(base, rows_per_tile)])

    return k(mat, src, dst, vals)




def _matmul(x, W, out_rows):
    N, K = x.shape
    F = W.shape[1]

    def body(x_ref, w_ref, o_ref):
        o_ref[...] = jnp.dot(x_ref[...], w_ref[...],
                             preferred_element_type=jnp.float32)

    return pl.pallas_call(
        body,
        grid=(N // _BR,),
        in_specs=[pl.BlockSpec((_BR, K), lambda i: (i, 0)),
                  pl.BlockSpec((K, F), lambda i: (0, 0))],
        out_specs=pl.BlockSpec((_BR, F), lambda i: (i, 0)),
        out_shape=jax.ShapeDtypeStruct((out_rows, F), jnp.float32),
    )(x, W)


def _mid(P, b, W, n_rows):
    NP = P.shape[1]
    K = P.shape[2]
    F = W.shape[1]

    def body(p0_ref, p1_ref, b_ref, w_ref, o_ref):
        h = jax.nn.relu(p0_ref[0] + p1_ref[0] + b_ref[...])
        o_ref[...] = jnp.dot(h, w_ref[...], preferred_element_type=jnp.float32)

    return pl.pallas_call(
        body,
        grid=(n_rows // _BR,),
        in_specs=[pl.BlockSpec((1, _BR, K), lambda i: (0, i, 0)),
                  pl.BlockSpec((1, _BR, K), lambda i: (1, i, 0)),
                  pl.BlockSpec((1, K), lambda i: (0, 0)),
                  pl.BlockSpec((K, F), lambda i: (0, 0))],
        out_specs=pl.BlockSpec((_BR, F), lambda i: (i, 0)),
        out_shape=jax.ShapeDtypeStruct((NP, F), jnp.float32),
    )(P, P, b, W)


def _head(Q, b2, Wc1, bc1, Wc2, bc2, Wc3, bc3, Wc4, bc4, n_rows):
    K = Q.shape[2]
    C = Wc4.shape[1]

    def body(p0_ref, p1_ref, b2_ref, w1_ref, b1_ref, w2_ref, bb2_ref,
             w3_ref, b3_ref, w4_ref, b4_ref, o_ref):
        h = p0_ref[0] + p1_ref[0] + b2_ref[...]
        z = jax.nn.relu(jnp.dot(h, w1_ref[...],
                                preferred_element_type=jnp.float32) + b1_ref[...])
        z = jax.nn.relu(jnp.dot(z, w2_ref[...],
                                preferred_element_type=jnp.float32) + bb2_ref[...])
        z = jax.nn.relu(jnp.dot(z, w3_ref[...],
                                preferred_element_type=jnp.float32) + b3_ref[...])
        logits = jnp.dot(z, w4_ref[...],
                         preferred_element_type=jnp.float32) + b4_ref[...]
        m = jnp.max(logits, axis=1, keepdims=True)
        e = jnp.exp(logits - m)
        o_ref[...] = e / jnp.sum(e, axis=1, keepdims=True)

    def full(shape):
        return pl.BlockSpec(shape, lambda i: tuple(0 for _ in shape))

    return pl.pallas_call(
        body,
        grid=(n_rows // _BR,),
        in_specs=[pl.BlockSpec((1, _BR, K), lambda i: (0, i, 0)),
                  pl.BlockSpec((1, _BR, K), lambda i: (1, i, 0)),
                  full((1, K)),
                  full(Wc1.shape), full((1, 2 * K)),
                  full(Wc2.shape), full((1, 2 * K)),
                  full(Wc3.shape), full((1, 2 * K)),
                  full(Wc4.shape), full((1, C))],
        out_specs=pl.BlockSpec((_BR, C), lambda i: (i, 0)),
        out_shape=jax.ShapeDtypeStruct((n_rows, C), jnp.float32),
    )(Q, Q, b2, Wc1, bc1, Wc2, bc2, Wc3, bc3, Wc4, bc4)




def kernel(x, adj_indices, adj_values, W1, b1, W2, b2,
           Wc1, bc1, Wc2, bc2, Wc3, bc3, Wc4, bc4):
    N = x.shape[0]
    NP = -(-N // (_SUBCORES * _CHUNK)) * (_SUBCORES * _CHUNK)
    E = adj_values.shape[0]
    n_chunks = -(-E // (_NW * _CHUNK))
    n_chunks += n_chunks % 2
    E_pad = _NW * n_chunks * _CHUNK

    dst = adj_indices[0]
    src = adj_indices[1]
    pad = E_pad - E
    if pad:
        zi = jnp.zeros((pad,), jnp.int32)
        dst = jnp.concatenate([dst, zi])
        src = jnp.concatenate([src, zi])
        vals = jnp.concatenate([adj_values, jnp.zeros((pad,), jnp.float32)])
    else:
        vals = adj_values
    src = src.reshape(_NW, n_chunks, _CHUNK)
    dst = dst.reshape(_NW, n_chunks * _CHUNK)
    vals = vals.reshape(_NW, n_chunks * _CHUNK)

    M1 = _matmul(x, W1, NP)
    P = _spmm_partials(M1, src, dst, vals, n_chunks)
    M2 = _mid(P, b1[None, :], W2, N)
    Q = _spmm_partials(M2, src, dst, vals, n_chunks)
    return _head(Q, b2[None, :],
                 Wc1, bc1[None, :], Wc2, bc2[None, :],
                 Wc3, bc3[None, :], Wc4, bc4[None, :], N)

# --- scband reference (transcript-rebuilt; emitter-appended) ---
"""Pipeline reference for scband-node-classifier-22325240005082 (READ-ONLY COPY).

The authoritative reference and input builder live on the scoring server;
editing this copy changes nothing except your own understanding.
"""

import jax, jax.numpy as jnp
import numpy as np

N = 10000
E = 320000
D = 128
H = 128
C = 40


def setup_inputs(seed: int = 0) -> dict:
    key = jax.random.key(seed)
    ks = jax.random.split(key, 18)
    x = jax.random.normal(ks[0], (N, D), dtype=jnp.float32)
    adj_indices = jax.random.randint(ks[1], (2, E), 0, N, dtype=jnp.int32)
    adj_values = jax.random.uniform(ks[2], (E,), dtype=jnp.float32) / 32.0

    def lin(k, fan_in, fan_out):
        k1, k2 = jax.random.split(k)
        bound = 1.0 / np.sqrt(fan_in)
        W = jax.random.uniform(k1, (fan_in, fan_out), dtype=jnp.float32, minval=-bound, maxval=bound)
        b = jax.random.uniform(k2, (fan_out,), dtype=jnp.float32, minval=-bound, maxval=bound)
        return W, b

    W1, b1 = lin(ks[3], D, H)
    W2, b2 = lin(ks[4], H, H)
    Wc1, bc1 = lin(ks[5], H, 2 * H)
    Wc2, bc2 = lin(ks[6], 2 * H, 2 * H)
    Wc3, bc3 = lin(ks[7], 2 * H, 2 * H)
    Wc4, bc4 = lin(ks[8], 2 * H, C)
    return {
        "x": x,
        "adj_indices": adj_indices,
        "adj_values": adj_values,
        "W1": W1, "b1": b1, "W2": W2, "b2": b2,
        "Wc1": Wc1, "bc1": bc1, "Wc2": Wc2, "bc2": bc2,
        "Wc3": Wc3, "bc3": bc3, "Wc4": Wc4, "bc4": bc4,
    }


def reference(x, adj_indices, adj_values, W1, b1, W2, b2, Wc1, bc1, Wc2, bc2, Wc3, bc3, Wc4, bc4):
    # spmm(adj, M): out[i] = sum_j A[i, j] * M[j]; adj in COO (row=dst, col=src)
    def spmm(vals, mat):
        gathered = vals[:, None] * jnp.take(mat, adj_indices[1], axis=0)
        return jax.ops.segment_sum(gathered, adj_indices[0], num_segments=N)

    # GCN layer 1: relu(spmm(adj, x @ W1) + b1); dropout is identity in eval
    h = jax.nn.relu(spmm(adj_values, x @ W1) + b1)
    # GCN layer 2 (output layer, no activation)
    h = spmm(adj_values, h @ W2) + b2
    # node classifier MLP
    z = jax.nn.relu(h @ Wc1 + bc1)
    z = jax.nn.relu(z @ Wc2 + bc2)
    z = jax.nn.relu(z @ Wc3 + bc3)
    logits = z @ Wc4 + bc4
    return jax.nn.softmax(logits, axis=1)

if __name__ == "__main__":
    import jax
    _d = setup_inputs()
    print(jax.jit(kernel)(*tuple(_d.values())))

</pallas_src>

<mosaic_0001>
#map = affine_map<(d0, d1) -> (0, 0)>
#map1 = affine_map<(d0, d1) -> (0, 0, 0)>
module attributes {stable_mosaic.version = 14 : i64} {
  func.func @k(%arg0: i32, %arg1: i32, %arg2: memref<10240x128xf32, #tpu.memory_space<hbm>>, %arg3: memref<32x80x128xi32, #tpu.memory_space<hbm>>, %arg4: memref<32x10240xi32, #tpu.memory_space<hbm>>, %arg5: memref<32x10240xf32, #tpu.memory_space<hbm>>, %arg6: memref<2x10240x128xf32, #tpu.memory_space<hbm>>, %arg7: memref<80x128xi32, #tpu.memory_space<vmem>>, %arg8: memref<128xi32, #tpu.memory_space<vmem>>, %arg9: memref<128xi32, #tpu.memory_space<vmem>>, %arg10: memref<128xf32, #tpu.memory_space<vmem>>, %arg11: memref<128xf32, #tpu.memory_space<vmem>>, %arg12: memref<128x128xf32, #tpu.memory_space<vmem>>, %arg13: memref<128x128xf32, #tpu.memory_space<vmem>>, %arg14: memref<10240x128xf32, #tpu.memory_space<vmem_shared>>, %arg15: memref<!tpu.dma_semaphore, #tpu.memory_space<semaphore_mem>>, %arg16: memref<!tpu.dma_semaphore, #tpu.memory_space<semaphore_mem>>, %arg17: memref<!tpu.dma_semaphore, #tpu.memory_space<semaphore_mem>>, %arg18: memref<!tpu.dma_semaphore, #tpu.memory_space<semaphore_mem>>) attributes {dimension_semantics = [#tpu.dimension_semantics<core_parallel>, #tpu.dimension_semantics<subcore_parallel>], iteration_bounds = array<i64: 2, 16>, scalar_prefetch = 0 : i64, scratch_operands = 12 : i64, tpu.core_type = #tpu.core_type<sc_vector_subcore>, window_params = [{transform_indices = #map}, {transform_indices = #map1}, {transform_indices = #map}, {transform_indices = #map}, {transform_indices = #map1}]} {
    %mul3A = arith.constant 2 : i32
    %mul3A_0 = arith.muli %arg1, %mul3A : i32
    %add3A = arith.addi %mul3A_0, %arg0 : i32
    "tpu.region"() ({
      %run_scoped3A = tpu.sem_alloc : memref<!tpu.dma_semaphore, #tpu.memory_space<semaphore_mem>>
      %dma_start3A_61 = arith.constant 0 : i32
      %dma_start3A_62 = arith.constant 0 : i32
      %dma_start3A_63 = tpu.memref_slice %arg3[%add3A, %dma_start3A_61, %dma_start3A_62] : memref<32x80x128xi32, #tpu.memory_space<hbm>> -> memref<1x80x128xi32, #tpu.memory_space<hbm>>
      %dma_start3A_64 = tpu.memref_squeeze %dma_start3A_63 : memref<1x80x128xi32, #tpu.memory_space<hbm>> -> memref<80x128xi32, #tpu.memory_space<hbm>>
      %dma_start3A_65 = arith.constant 0 : i32
      %dma_start3A_66 = arith.constant 0 : i32
      %dma_start3A_67 = tpu.memref_slice %arg3[%add3A, %dma_start3A_65, %dma_start3A_66] : memref<32x80x128xi32, #tpu.memory_space<hbm>> -> memref<1x80x128xi32, #tpu.memory_space<hbm>>
      %dma_start3A_68 = tpu.memref_squeeze %dma_start3A_67 : memref<1x80x128xi32, #tpu.memory_space<hbm>> -> memref<80x128xi32, #tpu.memory_space<hbm>>
      tpu.enqueue_dma source(%dma_start3A_68 : memref<80x128xi32, #tpu.memory_space<hbm>>) target(%arg7 : memref<80x128xi32, #tpu.memory_space<vmem>>) target_semaphore(%run_scoped3A : memref<!tpu.dma_semaphore, #tpu.memory_space<semaphore_mem>>)
      %dma_wait3A_69 = arith.constant 0 : i32
      %dma_wait3A_70 = arith.constant 0 : i32
      %dma_wait3A_71 = tpu.memref_slice %arg3[%add3A, %dma_wait3A_69, %dma_wait3A_70] : memref<32x80x128xi32, #tpu.memory_space<hbm>> -> memref<1x80x128xi32, #tpu.memory_space<hbm>>
      %dma_wait3A_72 = tpu.memref_squeeze %dma_wait3A_71 : memref<1x80x128xi32, #tpu.memory_space<hbm>> -> memref<80x128xi32, #tpu.memory_space<hbm>>
      %dma_wait3A_73 = arith.constant 0 : i32
      %dma_wait3A_74 = arith.constant 0 : i32
      %dma_wait3A_75 = tpu.memref_slice %arg3[%add3A, %dma_wait3A_73, %dma_wait3A_74] : memref<32x80x128xi32, #tpu.memory_space<hbm>> -> memref<1x80x128xi32, #tpu.memory_space<hbm>>
      %dma_wait3A_76 = tpu.memref_squeeze %dma_wait3A_75 : memref<1x80x128xi32, #tpu.memory_space<hbm>> -> memref<80x128xi32, #tpu.memory_space<hbm>>
      tpu.wait_dma2 semaphore(%run_scoped3A : memref<!tpu.dma_semaphore, #tpu.memory_space<semaphore_mem>>) src(%dma_wait3A_76 : memref<80x128xi32, #tpu.memory_space<hbm>>) dst(%arg7 : memref<80x128xi32, #tpu.memory_space<vmem>>)
      tpu.yield
    }) : () -> ()
    %rem3A = arith.constant 0 : i32
    %rem3A_1 = arith.constant 80 : i32
    %rem3A_2 = arith.remsi %rem3A, %rem3A_1 : i32
    %mul3A_3 = arith.constant 128 : i32
    %mul3A_4 = arith.muli %rem3A_2, %mul3A_3 : i32
    %dma_start3A = arith.constant 0 : i32
    %dma_start3A_5 = tpu.memref_slice %arg7[%rem3A_2, %dma_start3A] : memref<80x128xi32, #tpu.memory_space<vmem>> -> memref<1x128xi32, #tpu.memory_space<vmem>>
    %dma_start3A_6 = tpu.memref_squeeze %dma_start3A_5 : memref<1x128xi32, #tpu.memory_space<vmem>> -> memref<128xi32, #tpu.memory_space<vmem>>
    %dma_start3A_7 = arith.constant 0 : i32
    %dma_start3A_8 = arith.constant 0 : i32
    %dma_start3A_9 = tpu.memref_slice %arg2[%dma_start3A_7, %dma_start3A_8] : memref<10240x128xf32, #tpu.memory_space<hbm>> -> memref<10240x128xf32, #tpu.memory_space<hbm>>
    tpu.enqueue_indirect_dma source(%dma_start3A_9 : memref<10240x128xf32, #tpu.memory_space<hbm>>) target(%arg12 : memref<128x128xf32, #tpu.memory_space<vmem>>) offsets(%dma_start3A_6 : memref<128xi32, #tpu.memory_space<vmem>>) semaphore(%arg15 : memref<!tpu.dma_semaphore, #tpu.memory_space<semaphore_mem>>)
    %dma_start3A_10 = tpu.memref_slice %arg4[%add3A, %mul3A_4] : memref<32x10240xi32, #tpu.memory_space<hbm>> -> memref<1x128xi32, #tpu.memory_space<hbm>>
    %dma_start3A_11 = tpu.memref_squeeze %dma_start3A_10 : memref<1x128xi32, #tpu.memory_space<hbm>> -> memref<128xi32, #tpu.memory_space<hbm>>
    %dma_start3A_12 = tpu.memref_slice %arg4[%add3A, %mul3A_4] : memref<32x10240xi32, #tpu.memory_space<hbm>> -> memref<1x128xi32, #tpu.memory_space<hbm>>
    %dma_start3A_13 = tpu.memref_squeeze %dma_start3A_12 : memref<1x128xi32, #tpu.memory_space<hbm>> -> memref<128xi32, #tpu.memory_space<hbm>>
    tpu.enqueue_dma source(%dma_start3A_13 : memref<128xi32, #tpu.memory_space<hbm>>) target(%arg8 : memref<128xi32, #tpu.memory_space<vmem>>) target_semaphore(%arg17 : memref<!tpu.dma_semaphore, #tpu.memory_space<semaphore_mem>>)
    %dma_start3A_14 = tpu.memref_slice %arg5[%add3A, %mul3A_4] : memref<32x10240xf32, #tpu.memory_space<hbm>> -> memref<1x128xf32, #tpu.memory_space<hbm>>
    %dma_start3A_15 = tpu.memref_squeeze %dma_start3A_14 : memref<1x128xf32, #tpu.memory_space<hbm>> -> memref<128xf32, #tpu.memory_space<hbm>>
    %dma_start3A_16 = tpu.memref_slice %arg5[%add3A, %mul3A_4] : memref<32x10240xf32, #tpu.memory_space<hbm>> -> memref<1x128xf32, #tpu.memory_space<hbm>>
    %dma_start3A_17 = tpu.memref_squeeze %dma_start3A_16 : memref<1x128xf32, #tpu.memory_space<hbm>> -> memref<128xf32, #tpu.memory_space<hbm>>
    tpu.enqueue_dma source(%dma_start3A_17 : memref<128xf32, #tpu.memory_space<hbm>>) target(%arg10 : memref<128xf32, #tpu.memory_space<vmem>>) target_semaphore(%arg17 : memref<!tpu.dma_semaphore, #tpu.memory_space<semaphore_mem>>)
    %broadcast_in_dim3A = arith.constant 0.000000e+00 : f32
    %broadcast_in_dim3A_18 = vector.broadcast %broadcast_in_dim3A : f32 to vector<16xf32>
    %scan3A = arith.constant 0 : i32
    %scan3A_19 = arith.constant 128 : i32
    %scan3A_20 = arith.addi %scan3A, %scan3A_19 : i32
    %scan3A_21 = arith.constant 1 : i32
    scf.for %scan3A_61 = %scan3A to %scan3A_20 step %scan3A_21  : i32 {
      %mul3A_62 = arith.constant 1 : i32
      %mul3A_63 = arith.muli %scan3A_61, %mul3A_62 : i32
      %add3A_64 = arith.constant 0 : i32
      %add3A_65 = arith.addi %add3A_64, %mul3A_63 : i32
      %swap3A = arith.index_cast %add3A_65 : i32 to index
      %swap3A_66 = arith.constant 0 : index
      %swap3A_67 = tpu.vector_load %arg13[%swap3A, %swap3A_66] {strides = array<i32>} : memref<128x128xf32, #tpu.memory_space<vmem>>, vector<16xf32>,
      tpu.vector_store %arg13[%swap3A, %swap3A_66], %broadcast_in_dim3A_18 {strides = array<i32>} : memref<128x128xf32, #tpu.memory_space<vmem>>, vector<16xf32>,
      %swap3A_68 = arith.index_cast %add3A_65 : i32 to index
      %swap3A_69 = arith.constant 16 : index
      %swap3A_70 = tpu.vector_load %arg13[%swap3A_68, %swap3A_69] {strides = array<i32>} : memref<128x128xf32, #tpu.memory_space<vmem>>, vector<16xf32>,
      tpu.vector_store %arg13[%swap3A_68, %swap3A_69], %broadcast_in_dim3A_18 {strides = array<i32>} : memref<128x128xf32, #tpu.memory_space<vmem>>, vector<16xf32>,
      %swap3A_71 = arith.index_cast %add3A_65 : i32 to index
      %swap3A_72 = arith.constant 32 : index
      %swap3A_73 = tpu.vector_load %arg13[%swap3A_71, %swap3A_72] {strides = array<i32>} : memref<128x128xf32, #tpu.memory_space<vmem>>, vector<16xf32>,
      tpu.vector_store %arg13[%swap3A_71, %swap3A_72], %broadcast_in_dim3A_18 {strides = array<i32>} : memref<128x128xf32, #tpu.memory_space<vmem>>, vector<16xf32>,
      %swap3A_74 = arith.index_cast %add3A_65 : i32 to index
      %swap3A_75 = arith.constant 48 : index
      %swap3A_76 = tpu.vector_load %arg13[%swap3A_74, %swap3A_75] {strides = array<i32>} : memref<128x128xf32, #tpu.memory_space<vmem>>, vector<16xf32>,
      tpu.vector_store %arg13[%swap3A_74, %swap3A_75], %broadcast_in_dim3A_18 {strides = array<i32>} : memref<128x128xf32, #tpu.memory_space<vmem>>, vector<16xf32>,
      %swap3A_77 = arith.index_cast %add3A_65 : i32 to index
      %swap3A_78 = arith.constant 64 : index
      %swap3A_79 = tpu.vector_load %arg13[%swap3A_77, %swap3A_78] {strides = array<i32>} : memref<128x128xf32, #tpu.memory_space<vmem>>, vector<16xf32>,
      tpu.vector_store %arg13[%swap3A_77, %swap3A_78], %broadcast_in_dim3A_18 {strides = array<i32>} : memref<128x128xf32, #tpu.memory_space<vmem>>, vector<16xf32>,
      %swap3A_80 = arith.index_cast %add3A_65 : i32 to index
      %swap3A_81 = arith.constant 80 : index
      %swap3A_82 = tpu.vector_load %arg13[%swap3A_80, %swap3A_81] {strides = array<i32>} : memref<128x128xf32, #tpu.memory_space<vmem>>, vector<16xf32>,
      tpu.vector_store %arg13[%swap3A_80, %swap3A_81], %broadcast_in_dim3A_18 {strides = array<i32>} : memref<128x128xf32, #tpu.memory_space<vmem>>, vector<16xf32>,
      %swap3A_83 = arith.index_cast %add3A_65 : i32 to index
      %swap3A_84 = arith.constant 96 : index
      %swap3A_85 = tpu.vector_load %arg13[%swap3A_83, %swap3A_84] {strides = array<i32>} : memref<128x128xf32, #tpu.memory_space<vmem>>, vector<16xf32>,
      tpu.vector_store %arg13[%swap3A_83, %swap3A_84], %broadcast_in_dim3A_18 {strides = array<i32>} : memref<128x128xf32, #tpu.memory_space<vmem>>, vector<16xf32>,
      %swap3A_86 = arith.index_cast %add3A_65 : i32 to index
      %swap3A_87 = arith.constant 112 : index
      %swap3A_88 = tpu.vector_load %arg13[%swap3A_86, %swap3A_87] {strides = array<i32>} : memref<128x128xf32, #tpu.memory_space<vmem>>, vector<16xf32>,
      tpu.vector_store %arg13[%swap3A_86, %swap3A_87], %broadcast_in_dim3A_18 {strides = array<i32>} : memref<128x128xf32, #tpu.memory_space<vmem>>, vector<16xf32>,
    }
    %scan3A_22 = arith.constant 128 : i32
    %mul3A_23 = arith.constant 640 : i32
    %mul3A_24 = arith.muli %arg1, %mul3A_23 : i32
    %add3A_25 = arith.constant 0 : i32
    %add3A_26 = arith.addi %mul3A_24, %add3A_25 : i32
    "tpu.region"() ({
      %run_scoped3A = tpu.sem_alloc : memref<!tpu.dma_semaphore, #tpu.memory_space<semaphore_mem>>
      %dma_start3A_61 = arith.constant 0 : i32
      %dma_start3A_62 = tpu.memref_slice %arg14[%add3A_26, %dma_start3A_61] : memref<10240x128xf32, #tpu.memory_space<vmem_shared>> -> memref<128x128xf32, #tpu.memory_space<vmem_shared>>
      %dma_start3A_63 = arith.constant 0 : i32
      %dma_start3A_64 = tpu.memref_slice %arg14[%add3A_26, %dma_start3A_63] : memref<10240x128xf32, #tpu.memory_space<vmem_shared>> -> memref<128x128xf32, #tpu.memory_space<vmem_shared>>
      tpu.enqueue_dma source(%arg13 : memref<128x128xf32, #tpu.memory_space<vmem>>) target(%dma_start3A_64 : memref<128x128xf32, #tpu.memory_space<vmem_shared>>) target_semaphore(%run_scoped3A : memref<!tpu.dma_semaphore, #tpu.memory_space<semaphore_mem>>)
      %dma_wait3A_65 = arith.constant 0 : i32
      %dma_wait3A_66 = tpu.memref_slice %arg14[%add3A_26, %dma_wait3A_65] : memref<10240x128xf32, #tpu.memory_space<vmem_shared>> -> memref<128x128xf32, #tpu.memory_space<vmem_shared>>
      %dma_wait3A_67 = arith.constant 0 : i32
      %dma_wait3A_68 = tpu.memref_slice %arg14[%add3A_26, %dma_wait3A_67] : memref<10240x128xf32, #tpu.memory_space<vmem_shared>> -> memref<128x128xf32, #tpu.memory_space<vmem_shared>>
      tpu.wait_dma2 semaphore(%run_scoped3A : memref<!tpu.dma_semaphore, #tpu.memory_space<semaphore_mem>>) src(%arg13 : memref<128x128xf32, #tpu.memory_space<vmem>>) dst(%dma_wait3A_68 : memref<128x128xf32, #tpu.memory_space<vmem_shared>>)
      tpu.yield
    }) : () -> ()
    %add3A_27 = arith.constant 128 : i32
    %add3A_28 = arith.addi %mul3A_24, %add3A_27 : i32
    "tpu.region"() ({
      %run_scoped3A = tpu.sem_alloc : memref<!tpu.dma_semaphore, #tpu.memory_space<semaphore_mem>>
      %dma_start3A_61 = arith.constant 0 : i32
      %dma_start3A_62 = tpu.memref_slice %arg14[%add3A_28, %dma_start3A_61] : memref<10240x128xf32, #tpu.memory_space<vmem_shared>> -> memref<128x128xf32, #tpu.memory_space<vmem_shared>>
      %dma_start3A_63 = arith.constant 0 : i32
      %dma_start3A_64 = tpu.memref_slice %arg14[%add3A_28, %dma_start3A_63] : memref<10240x128xf32, #tpu.memory_space<vmem_shared>> -> memref<128x128xf32, #tpu.memory_space<vmem_shared>>
      tpu.enqueue_dma source(%arg13 : memref<128x128xf32, #tpu.memory_space<vmem>>) target(%dma_start3A_64 : memref<128x128xf32, #tpu.memory_space<vmem_shared>>) target_semaphore(%run_scoped3A : memref<!tpu.dma_semaphore, #tpu.memory_space<semaphore_mem>>)
      %dma_wait3A_65 = arith.constant 0 : i32
      %dma_wait3A_66 = tpu.memref_slice %arg14[%add3A_28, %dma_wait3A_65] : memref<10240x128xf32, #tpu.memory_space<vmem_shared>> -> memref<128x128xf32, #tpu.memory_space<vmem_shared>>
      %dma_wait3A_67 = arith.constant 0 : i32
      %dma_wait3A_68 = tpu.memref_slice %arg14[%add3A_28, %dma_wait3A_67] : memref<10240x128xf32, #tpu.memory_space<vmem_shared>> -> memref<128x128xf32, #tpu.memory_space<vmem_shared>>
      tpu.wait_dma2 semaphore(%run_scoped3A : memref<!tpu.dma_semaphore, #tpu.memory_space<semaphore_mem>>) src(%arg13 : memref<128x128xf32, #tpu.memory_space<vmem>>) dst(%dma_wait3A_68 : memref<128x128xf32, #tpu.memory_space<vmem_shared>>)
      tpu.yield
    }) : () -> ()
    %add3A_29 = arith.constant 256 : i32
    %add3A_30 = arith.addi %mul3A_24, %add3A_29 : i32
    "tpu.region"() ({
      %run_scoped3A = tpu.sem_alloc : memref<!tpu.dma_semaphore, #tpu.memory_space<semaphore_mem>>
      %dma_start3A_61 = arith.constant 0 : i32
      %dma_start3A_62 = tpu.memref_slice %arg14[%add3A_30, %dma_start3A_61] : memref<10240x128xf32, #tpu.memory_space<vmem_shared>> -> memref<128x128xf32, #tpu.memory_space<vmem_shared>>
      %dma_start3A_63 = arith.constant 0 : i32
      %dma_start3A_64 = tpu.memref_slice %arg14[%add3A_30, %dma_start3A_63] : memref<10240x128xf32, #tpu.memory_space<vmem_shared>> -> memref<128x128xf32, #tpu.memory_space<vmem_shared>>
      tpu.enqueue_dma source(%arg13 : memref<128x128xf32, #tpu.memory_space<vmem>>) target(%dma_start3A_64 : memref<128x128xf32, #tpu.memory_space<vmem_shared>>) target_semaphore(%run_scoped3A : memref<!tpu.dma_semaphore, #tpu.memory_space<semaphore_mem>>)
      %dma_wait3A_65 = arith.constant 0 : i32
      %dma_wait3A_66 = tpu.memref_slice %arg14[%add3A_30, %dma_wait3A_65] : memref<10240x128xf32, #tpu.memory_space<vmem_shared>> -> memref<128x128xf32, #tpu.memory_space<vmem_shared>>
      %dma_wait3A_67 = arith.constant 0 : i32
      %dma_wait3A_68 = tpu.memref_slice %arg14[%add3A_30, %dma_wait3A_67] : memref<10240x128xf32, #tpu.memory_space<vmem_shared>> -> memref<128x128xf32, #tpu.memory_space<vmem_shared>>
      tpu.wait_dma2 semaphore(%run_scoped3A : memref<!tpu.dma_semaphore, #tpu.memory_space<semaphore_mem>>) src(%arg13 : memref<128x128xf32, #tpu.memory_space<vmem>>) dst(%dma_wait3A_68 : memref<128x128xf32, #tpu.memory_space<vmem_shared>>)
      tpu.yield
    }) : () -> ()
    %add3A_31 = arith.constant 384 : i32
    %add3A_32 = arith.addi %mul3A_24, %add3A_31 : i32
    "tpu.region"() ({
      %run_scoped3A = tpu.sem_alloc : memref<!tpu.dma_semaphore, #tpu.memory_space<semaphore_mem>>
      %dma_start3A_61 = arith.constant 0 : i32
      %dma_start3A_62 = tpu.memref_slice %arg14[%add3A_32, %dma_start3A_61] : memref<10240x128xf32, #tpu.memory_space<vmem_shared>> -> memref<128x128xf32, #tpu.memory_space<vmem_shared>>
      %dma_start3A_63 = arith.constant 0 : i32
      %dma_start3A_64 = tpu.memref_slice %arg14[%add3A_32, %dma_start3A_63] : memref<10240x128xf32, #tpu.memory_space<vmem_shared>> -> memref<128x128xf32, #tpu.memory_space<vmem_shared>>
      tpu.enqueue_dma source(%arg13 : memref<128x128xf32, #tpu.memory_space<vmem>>) target(%dma_start3A_64 : memref<128x128xf32, #tpu.memory_space<vmem_shared>>) target_semaphore(%run_scoped3A : memref<!tpu.dma_semaphore, #tpu.memory_space<semaphore_mem>>)
      %dma_wait3A_65 = arith.constant 0 : i32
      %dma_wait3A_66 = tpu.memref_slice %arg14[%add3A_32, %dma_wait3A_65] : memref<10240x128xf32, #tpu.memory_space<vmem_shared>> -> memref<128x128xf32, #tpu.memory_space<vmem_shared>>
      %dma_wait3A_67 = arith.constant 0 : i32
      %dma_wait3A_68 = tpu.memref_slice %arg14[%add3A_32, %dma_wait3A_67] : memref<10240x128xf32, #tpu.memory_space<vmem_shared>> -> memref<128x128xf32, #tpu.memory_space<vmem_shared>>
      tpu.wait_dma2 semaphore(%run_scoped3A : memref<!tpu.dma_semaphore, #tpu.memory_space<semaphore_mem>>) src(%arg13 : memref<128x128xf32, #tpu.memory_space<vmem>>) dst(%dma_wait3A_68 : memref<128x128xf32, #tpu.memory_space<vmem_shared>>)
      tpu.yield
    }) : () -> ()
    %add3A_33 = arith.constant 512 : i32
    %add3A_34 = arith.addi %mul3A_24, %add3A_33 : i32
    "tpu.region"() ({
      %run_scoped3A = tpu.sem_alloc : memref<!tpu.dma_semaphore, #tpu.memory_space<semaphore_mem>>
      %dma_start3A_61 = arith.constant 0 : i32
      %dma_start3A_62 = tpu.memref_slice %arg14[%add3A_34, %dma_start3A_61] : memref<10240x128xf32, #tpu.memory_space<vmem_shared>> -> memref<128x128xf32, #tpu.memory_space<vmem_shared>>
      %dma_start3A_63 = arith.constant 0 : i32
      %dma_start3A_64 = tpu.memref_slice %arg14[%add3A_34, %dma_start3A_63] : memref<10240x128xf32, #tpu.memory_space<vmem_shared>> -> memref<128x128xf32, #tpu.memory_space<vmem_shared>>
      tpu.enqueue_dma source(%arg13 : memref<128x128xf32, #tpu.memory_space<vmem>>) target(%dma_start3A_64 : memref<128x128xf32, #tpu.memory_space<vmem_shared>>) target_semaphore(%run_scoped3A : memref<!tpu.dma_semaphore, #tpu.memory_space<semaphore_mem>>)
      %dma_wait3A_65 = arith.constant 0 : i32
      %dma_wait3A_66 = tpu.memref_slice %arg14[%add3A_34, %dma_wait3A_65] : memref<10240x128xf32, #tpu.memory_space<vmem_shared>> -> memref<128x128xf32, #tpu.memory_space<vmem_shared>>
      %dma_wait3A_67 = arith.constant 0 : i32
      %dma_wait3A_68 = tpu.memref_slice %arg14[%add3A_34, %dma_wait3A_67] : memref<10240x128xf32, #tpu.memory_space<vmem_shared>> -> memref<128x128xf32, #tpu.memory_space<vmem_shared>>
      tpu.wait_dma2 semaphore(%run_scoped3A : memref<!tpu.dma_semaphore, #tpu.memory_space<semaphore_mem>>) src(%arg13 : memref<128x128xf32, #tpu.memory_space<vmem>>) dst(%dma_wait3A_68 : memref<128x128xf32, #tpu.memory_space<vmem_shared>>)
      tpu.yield
    }) : () -> ()
    %barrier3A = arith.constant 0 : index
    tpu.barrier barrier_id(%barrier3A)
    %scan3A_35 = arith.constant 0 : i32
    %scan3A_36 = arith.constant 40 : i32
    %scan3A_37 = arith.addi %scan3A_35, %scan3A_36 : i32
    %scan3A_38 = arith.constant 1 : i32
    scf.for %scan3A_61 = %scan3A_35 to %scan3A_37 step %scan3A_38  : i32 {
      %mul3A_62 = arith.constant 2 : i32
      %mul3A_63 = arith.muli %scan3A_61, %mul3A_62 : i32
      %add3A_64 = arith.constant 0 : i32
      %add3A_65 = arith.addi %add3A_64, %mul3A_63 : i32
      %add3A_66 = arith.constant 1 : i32
      %add3A_67 = arith.addi %add3A_65, %add3A_66 : i32
      %rem3A_68 = arith.constant 80 : i32
      %rem3A_69 = arith.remsi %add3A_67, %rem3A_68 : i32
      %mul3A_70 = arith.constant 128 : i32
      %mul3A_71 = arith.muli %rem3A_69, %mul3A_70 : i32
      %dma_start3A_72 = arith.constant 0 : i32
      %dma_start3A_73 = tpu.memref_slice %arg7[%rem3A_69, %dma_start3A_72] : memref<80x128xi32, #tpu.memory_space<vmem>> -> memref<1x128xi32, #tpu.memory_space<vmem>>
      %dma_start3A_74 = tpu.memref_squeeze %dma_start3A_73 : memref<1x128xi32, #tpu.memory_space<vmem>> -> memref<128xi32, #tpu.memory_space<vmem>>
      %dma_start3A_75 = arith.constant 0 : i32
      %dma_start3A_76 = arith.constant 0 : i32
      %dma_start3A_77 = tpu.memref_slice %arg2[%dma_start3A_75, %dma_start3A_76] : memref<10240x128xf32, #tpu.memory_space<hbm>> -> memref<10240x128xf32, #tpu.memory_space<hbm>>
      tpu.enqueue_indirect_dma source(%dma_start3A_77 : memref<10240x128xf32, #tpu.memory_space<hbm>>) target(%arg13 : memref<128x128xf32, #tpu.memory_space<vmem>>) offsets(%dma_start3A_74 : memref<128xi32, #tpu.memory_space<vmem>>) semaphore(%arg16 : memref<!tpu.dma_semaphore, #tpu.memory_space<semaphore_mem>>)
      %dma_start3A_78 = tpu.memref_slice %arg4[%add3A, %mul3A_71] : memref<32x10240xi32, #tpu.memory_space<hbm>> -> memref<1x128xi32, #tpu.memory_space<hbm>>
      %dma_start3A_79 = tpu.memref_squeeze %dma_start3A_78 : memref<1x128xi32, #tpu.memory_space<hbm>> -> memref<128xi32, #tpu.memory_space<hbm>>
      %dma_start3A_80 = tpu.memref_slice %arg4[%add3A, %mul3A_71] : memref<32x10240xi32, #tpu.memory_space<hbm>> -> memref<1x128xi32, #tpu.memory_space<hbm>>
      %dma_start3A_81 = tpu.memref_squeeze %dma_start3A_80 : memref<1x128xi32, #tpu.memory_space<hbm>> -> memref<128xi32, #tpu.memory_space<hbm>>
      tpu.enqueue_dma source(%dma_start3A_81 : memref<128xi32, #tpu.memory_space<hbm>>) target(%arg9 : memref<128xi32, #tpu.memory_space<vmem>>) target_semaphore(%arg18 : memref<!tpu.dma_semaphore, #tpu.memory_space<semaphore_mem>>)
      %dma_start3A_82 = tpu.memref_slice %arg5[%add3A, %mul3A_71] : memref<32x10240xf32, #tpu.memory_space<hbm>> -> memref<1x128xf32, #tpu.memory_space<hbm>>
      %dma_start3A_83 = tpu.memref_squeeze %dma_start3A_82 : memref<1x128xf32, #tpu.memory_space<hbm>> -> memref<128xf32, #tpu.memory_space<hbm>>
      %dma_start3A_84 = tpu.memref_slice %arg5[%add3A, %mul3A_71] : memref<32x10240xf32, #tpu.memory_space<hbm>> -> memref<1x128xf32, #tpu.memory_space<hbm>>
      %dma_start3A_85 = tpu.memref_squeeze %dma_start3A_84 : memref<1x128xf32, #tpu.memory_space<hbm>> -> memref<128xf32, #tpu.memory_space<hbm>>
      tpu.enqueue_dma source(%dma_start3A_85 : memref<128xf32, #tpu.memory_space<hbm>>) target(%arg11 : memref<128xf32, #tpu.memory_space<vmem>>) target_semaphore(%arg18 : memref<!tpu.dma_semaphore, #tpu.memory_space<semaphore_mem>>)
      %dma_wait3A_86 = arith.constant 0 : i32
      %dma_wait3A_87 = arith.constant 0 : i32
      %dma_wait3A_88 = tpu.memref_slice %arg7[%dma_wait3A_86, %dma_wait3A_87] : memref<80x128xi32, #tpu.memory_space<vmem>> -> memref<1x128xi32, #tpu.memory_space<vmem>>
      %dma_wait3A_89 = tpu.memref_squeeze %dma_wait3A_88 : memref<1x128xi32, #tpu.memory_space<vmem>> -> memref<128xi32, #tpu.memory_space<vmem>>
      %dma_wait3A_90 = arith.constant 0 : i32
      %dma_wait3A_91 = arith.constant 0 : i32
      %dma_wait3A_92 = tpu.memref_slice %arg2[%dma_wait3A_90, %dma_wait3A_91] : memref<10240x128xf32, #tpu.memory_space<hbm>> -> memref<10240x128xf32, #tpu.memory_space<hbm>>
      tpu.wait_indirect_dma semaphore(%arg15 : memref<!tpu.dma_semaphore, #tpu.memory_space<semaphore_mem>>) src(%dma_wait3A_92 : memref<10240x128xf32, #tpu.memory_space<hbm>>) dst(%arg12 : memref<128x128xf32, #tpu.memory_space<vmem>>)
      %dma_wait3A_93 = arith.constant 0 : i32
      %dma_wait3A_94 = arith.constant 0 : i32
      %dma_wait3A_95 = tpu.memref_slice %arg4[%dma_wait3A_93, %dma_wait3A_94] : memref<32x10240xi32, #tpu.memory_space<hbm>> -> memref<1x128xi32, #tpu.memory_space<hbm>>
      %dma_wait3A_96 = tpu.memref_squeeze %dma_wait3A_95 : memref<1x128xi32, #tpu.memory_space<hbm>> -> memref<128xi32, #tpu.memory_space<hbm>>
      %dma_wait3A_97 = arith.constant 0 : i32
      %dma_wait3A_98 = tpu.memref_slice %arg4[%dma_wait3A_93, %dma_wait3A_97] : memref<32x10240xi32, #tpu.memory_space<hbm>> -> memref<1x128xi32, #tpu.memory_space<hbm>>
      %dma_wait3A_99 = tpu.memref_squeeze %dma_wait3A_98 : memref<1x128xi32, #tpu.memory_space<hbm>> -> memref<128xi32, #tpu.memory_space<hbm>>
      tpu.wait_dma2 semaphore(%arg17 : memref<!tpu.dma_semaphore, #tpu.memory_space<semaphore_mem>>) src(%dma_wait3A_99 : memref<128xi32, #tpu.memory_space<hbm>>) dst(%arg8 : memref<128xi32, #tpu.memory_space<vmem>>)
      %dma_wait3A_100 = arith.constant 0 : i32
      %dma_wait3A_101 = arith.constant 0 : i32
      %dma_wait3A_102 = tpu.memref_slice %arg5[%dma_wait3A_100, %dma_wait3A_101] : memref<32x10240xf32, #tpu.memory_space<hbm>> -> memref<1x128xf32, #tpu.memory_space<hbm>>
      %dma_wait3A_103 = tpu.memref_squeeze %dma_wait3A_102 : memref<1x128xf32, #tpu.memory_space<hbm>> -> memref<128xf32, #tpu.memory_space<hbm>>
      %dma_wait3A_104 = arith.constant 0 : i32
      %dma_wait3A_105 = tpu.memref_slice %arg5[%dma_wait3A_100, %dma_wait3A_104] : memref<32x10240xf32, #tpu.memory_space<hbm>> -> memref<1x128xf32, #tpu.memory_space<hbm>>
      %dma_wait3A_106 = tpu.memref_squeeze %dma_wait3A_105 : memref<1x128xf32, #tpu.memory_space<hbm>> -> memref<128xf32, #tpu.memory_space<hbm>>
      tpu.wait_dma2 semaphore(%arg17 : memref<!tpu.dma_semaphore, #tpu.memory_space<semaphore_mem>>) src(%dma_wait3A_106 : memref<128xf32, #tpu.memory_space<hbm>>) dst(%arg10 : memref<128xf32, #tpu.memory_space<vmem>>)
      %scan3A_107 = arith.constant 0 : i32
      %scan3A_108 = arith.constant 32 : i32
      %scan3A_109 = arith.addi %scan3A_107, %scan3A_108 : i32
      %scan3A_110 = arith.constant 1 : i32
      scf.for %scan3A_158 = %scan3A_107 to %scan3A_109 step %scan3A_110  : i32 {
        %mul3A_159 = arith.constant 4 : i32
        %mul3A_160 = arith.muli %scan3A_158, %mul3A_159 : i32
        %add3A_161 = arith.constant 0 : i32
        %add3A_162 = arith.addi %add3A_161, %mul3A_160 : i32
        %add3A_163 = arith.constant 0 : i32
        %add3A_164 = arith.addi %add3A_162, %add3A_163 : i32
        %broadcast_in_dim3A_165 = vector.broadcast %add3A_164 : i32 to vector<16xi32>
        %gather3A = tpu.vector_load_idx %arg10[%broadcast_in_dim3A_165] : memref<128xf32, #tpu.memory_space<vmem>>[vector<16xi32>], vector<16xf32>,
        %get3A = arith.index_cast %add3A_164 : i32 to index
        %get3A_166 = arith.constant 0 : index
        %get3A_167 = tpu.vector_load %arg12[%get3A, %get3A_166] {strides = array<i32>} : memref<128x128xf32, #tpu.memory_space<vmem>>, vector<16xf32>,
        %mul3A_168 = arith.mulf %get3A_167, %gather3A : vector<16xf32>
        %swap3A = arith.index_cast %add3A_164 : i32 to index
        %swap3A_169 = arith.constant 0 : index
        %swap3A_170 = tpu.vector_load %arg12[%swap3A, %swap3A_169] {strides = array<i32>} : memref<128x128xf32, #tpu.memory_space<vmem>>, vector<16xf32>,
        tpu.vector_store %arg12[%swap3A, %swap3A_169], %mul3A_168 {strides = array<i32>} : memref<128x128xf32, #tpu.memory_space<vmem>>, vector<16xf32>,
        %get3A_171 = arith.index_cast %add3A_164 : i32 to index
        %get3A_172 = arith.constant 16 : index
        %get3A_173 = tpu.vector_load %arg12[%get3A_171, %get3A_172] {strides = array<i32>} : memref<128x128xf32, #tpu.memory_space<vmem>>, vector<16xf32>,
        %mul3A_174 = arith.mulf %get3A_173, %gather3A : vector<16xf32>
        %swap3A_175 = arith.index_cast %add3A_164 : i32 to index
        %swap3A_176 = arith.constant 16 : index
        %swap3A_177 = tpu.vector_load %arg12[%swap3A_175, %swap3A_176] {strides = array<i32>} : memref<128x128xf32, #tpu.memory_space<vmem>>, vector<16xf32>,
        tpu.vector_store %arg12[%swap3A_175, %swap3A_176], %mul3A_174 {strides = array<i32>} : memref<128x128xf32, #tpu.memory_space<vmem>>, vector<16xf32>,
        %get3A_178 = arith.index_cast %add3A_164 : i32 to index
        %get3A_179 = arith.constant 32 : index
        %get3A_180 = tpu.vector_load %arg12[%get3A_178, %get3A_179] {strides = array<i32>} : memref<128x128xf32, #tpu.memory_space<vmem>>, vector<16xf32>,
        %mul3A_181 = arith.mulf %get3A_180, %gather3A : vector<16xf32>
        %swap3A_182 = arith.index_cast %add3A_164 : i32 to index
        %swap3A_183 = arith.constant 32 : index
        %swap3A_184 = tpu.vector_load %arg12[%swap3A_182, %swap3A_183] {strides = array<i32>} : memref<128x128xf32, #tpu.memory_space<vmem>>, vector<16xf32>,
        tpu.vector_store %arg12[%swap3A_182, %swap3A_183], %mul3A_181 {strides = array<i32>} : memref<128x128xf32, #tpu.memory_space<vmem>>, vector<16xf32>,
        %get3A_185 = arith.index_cast %add3A_164 : i32 to index
        %get3A_186 = arith.constant 48 : index
        %get3A_187 = tpu.vector_load %arg12[%get3A_185, %get3A_186] {strides = array<i32>} : memref<128x128xf32, #tpu.memory_space<vmem>>, vector<16xf32>,
        %mul3A_188 = arith.mulf %get3A_187, %gather3A : vector<16xf32>
        %swap3A_189 = arith.index_cast %add3A_164 : i32 to index
        %swap3A_190 = arith.constant 48 : index
        %swap3A_191 = tpu.vector_load %arg12[%swap3A_189, %swap3A_190] {strides = array<i32>} : memref<128x128xf32, #tpu.memory_space<vmem>>, vector<16xf32>,
        tpu.vector_store %arg12[%swap3A_189, %swap3A_190], %mul3A_188 {strides = array<i32>} : memref<128x128xf32, #tpu.memory_space<vmem>>, vector<16xf32>,
        %get3A_192 = arith.index_cast %add3A_164 : i32 to index
        %get3A_193 = arith.constant 64 : index
        %get3A_194 = tpu.vector_load %arg12[%get3A_192, %get3A_193] {strides = array<i32>} : memref<128x128xf32, #tpu.memory_space<vmem>>, vector<16xf32>,
        %mul3A_195 = arith.mulf %get3A_194, %gather3A : vector<16xf32>
        %swap3A_196 = arith.index_cast %add3A_164 : i32 to index
        %swap3A_197 = arith.constant 64 : index
        %swap3A_198 = tpu.vector_load %arg12[%swap3A_196, %swap3A_197] {strides = array<i32>} : memref<128x128xf32, #tpu.memory_space<vmem>>, vector<16xf32>,
        tpu.vector_store %arg12[%swap3A_196, %swap3A_197], %mul3A_195 {strides = array<i32>} : memref<128x128xf32, #tpu.memory_space<vmem>>, vector<16xf32>,
        %get3A_199 = arith.index_cast %add3A_164 : i32 to index
        %get3A_200 = arith.constant 80 : index
        %get3A_201 = tpu.vector_load %arg12[%get3A_199, %get3A_200] {strides = array<i32>} : memref<128x128xf32, #tpu.memory_space<vmem>>, vector<16xf32>,
        %mul3A_202 = arith.mulf %get3A_201, %gather3A : vector<16xf32>
        %swap3A_203 = arith.index_cast %add3A_164 : i32 to index
        %swap3A_204 = arith.constant 80 : index
        %swap3A_205 = tpu.vector_load %arg12[%swap3A_203, %swap3A_204] {strides = array<i32>} : memref<128x128xf32, #tpu.memory_space<vmem>>, vector<16xf32>,
        tpu.vector_store %arg12[%swap3A_203, %swap3A_204], %mul3A_202 {strides = array<i32>} : memref<128x128xf32, #tpu.memory_space<vmem>>, vector<16xf32>,
        %get3A_206 = arith.index_cast %add3A_164 : i32 to index
        %get3A_207 = arith.constant 96 : index
        %get3A_208 = tpu.vector_load %arg12[%get3A_206, %get3A_207] {strides = array<i32>} : memref<128x128xf32, #tpu.memory_space<vmem>>, vector<16xf32>,
        %mul3A_209 = arith.mulf %get3A_208, %gather3A : vector<16xf32>
        %swap3A_210 = arith.index_cast %add3A_164 : i32 to index
        %swap3A_211 = arith.constant 96 : index
        %swap3A_212 = tpu.vector_load %arg12[%swap3A_210, %swap3A_211] {strides = array<i32>} : memref<128x128xf32, #tpu.memory_space<vmem>>, vector<16xf32>,
        tpu.vector_store %arg12[%swap3A_210, %swap3A_211], %mul3A_209 {strides = array<i32>} : memref<128x128xf32, #tpu.memory_space<vmem>>, vector<16xf32>,
        %get3A_213 = arith.index_cast %add3A_164 : i32 to index
        %get3A_214 = arith.constant 112 : index
        %get3A_215 = tpu.vector_load %arg12[%get3A_213, %get3A_214] {strides = array<i32>} : memref<128x128xf32, #tpu.memory_space<vmem>>, vector<16xf32>,
        %mul3A_216 = arith.mulf %get3A_215, %gather3A : vector<16xf32>
        %swap3A_217 = arith.index_cast %add3A_164 : i32 to index
        %swap3A_218 = arith.constant 112 : index
        %swap3A_219 = tpu.vector_load %arg12[%swap3A_217, %swap3A_218] {strides = array<i32>} : memref<128x128xf32, #tpu.memory_space<vmem>>, vector<16xf32>,
        tpu.vector_store %arg12[%swap3A_217, %swap3A_218], %mul3A_216 {strides = array<i32>} : memref<128x128xf32, #tpu.memory_space<vmem>>, vector<16xf32>,
        %add3A_220 = arith.constant 1 : i32
        %add3A_221 = arith.addi %add3A_162, %add3A_220 : i32
        %broadcast_in_dim3A_222 = vector.broadcast %add3A_221 : i32 to vector<16xi32>
        %gather3A_223 = tpu.vector_load_idx %arg10[%broadcast_in_dim3A_222] : memref<128xf32, #tpu.memory_space<vmem>>[vector<16xi32>], vector<16xf32>,
        %get3A_224 = arith.index_cast %add3A_221 : i32 to index
        %get3A_225 = arith.constant 0 : index
        %get3A_226 = tpu.vector_load %arg12[%get3A_224, %get3A_225] {strides = array<i32>} : memref<128x128xf32, #tpu.memory_space<vmem>>, vector<16xf32>,
        %mul3A_227 = arith.mulf %get3A_226, %gather3A_223 : vector<16xf32>
        %swap3A_228 = arith.index_cast %add3A_221 : i32 to index
        %swap3A_229 = arith.constant 0 : index
        %swap3A_230 = tpu.vector_load %arg12[%swap3A_228, %swap3A_229] {strides = array<i32>} : memref<128x128xf32, #tpu.memory_space<vmem>>, vector<16xf32>,
        tpu.vector_store %arg12[%swap3A_228, %swap3A_229], %mul3A_227 {strides = array<i32>} : memref<128x128xf32, #tpu.memory_space<vmem>>, vector<16xf32>,
        %get3A_231 = arith.index_cast %add3A_221 : i32 to index
        %get3A_232 = arith.constant 16 : index
        %get3A_233 = tpu.vector_load %arg12[%get3A_231, %get3A_232] {strides = array<i32>} : memref<128x128xf32, #tpu.memory_space<vmem>>, vector<16xf32>,
        %mul3A_234 = arith.mulf %get3A_233, %gather3A_223 : vector<16xf32>
        %swap3A_235 = arith.index_cast %add3A_221 : i32 to index
        %swap3A_236 = arith.constant 16 : index
        %swap3A_237 = tpu.vector_load %arg12[%swap3A_235, %swap3A_236] {strides = array<i32>} : memref<128x128xf32, #tpu.memory_space<vmem>>, vector<16xf32>,
        tpu.vector_store %arg12[%swap3A_235, %swap3A_236], %mul3A_234 {strides = array<i32>} : memref<128x128xf32, #tpu.memory_space<vmem>>, vector<16xf32>,
        %get3A_238 = arith.index_cast %add3A_221 : i32 to index
        %get3A_239 = arith.constant 32 : index
        %get3A_240 = tpu.vector_load %arg12[%get3A_238, %get3A_239] {strides = array<i32>} : memref<128x128xf32, #tpu.memory_space<vmem>>, vector<16xf32>,
        %mul3A_241 = arith.mulf %get3A_240, %gather3A_223 : vector<16xf32>
        %swap3A_242 = arith.index_cast %add3A_221 : i32 to index
        %swap3A_243 = arith.constant 32 : index
        %swap3A_244 = tpu.vector_load %arg12[%swap3A_242, %swap3A_243] {strides = array<i32>} : memref<128x128xf32, #tpu.memory_space<vmem>>, vector<16xf32>,
        tpu.vector_store %arg12[%swap3A_242, %swap3A_243], %mul3A_241 {strides = array<i32>} : memref<128x128xf32, #tpu.memory_space<vmem>>, vector<16xf32>,
        %get3A_245 = arith.index_cast %add3A_221 : i32 to index
        %get3A_246 = arith.constant 48 : index
        %get3A_247 = tpu.vector_load %arg12[%get3A_245, %get3A_246] {strides = array<i32>} : memref<128x128xf32, #tpu.memory_space<vmem>>, vector<16xf32>,
        %mul3A_248 = arith.mulf %get3A_247, %gather3A_223 : vector<16xf32>
        %swap3A_249 = arith.index_cast %add3A_221 : i32 to index
        %swap3A_250 = arith.constant 48 : index
        %swap3A_251 = tpu.vector_load %arg12[%swap3A_249, %swap3A_250] {strides = array<i32>} : memref<128x128xf32, #tpu.memory_space<vmem>>, vector<16xf32>,
        tpu.vector_store %arg12[%swap3A_249, %swap3A_250], %mul3A_248 {strides = array<i32>} : memref<128x128xf32, #tpu.memory_space<vmem>>, vector<16xf32>,
        %get3A_252 = arith.index_cast %add3A_221 : i32 to index
        %get3A_253 = arith.constant 64 : index
        %get3A_254 = tpu.vector_load %arg12[%get3A_252, %get3A_253] {strides = array<i32>} : memref<128x128xf32, #tpu.memory_space<vmem>>, vector<16xf32>,
        %mul3A_255 = arith.mulf %get3A_254, %gather3A_223 : vector<16xf32>
        %swap3A_256 = arith.index_cast %add3A_221 : i32 to index
        %swap3A_257 = arith.constant 64 : index
        %swap3A_258 = tpu.vector_load %arg12[%swap3A_256, %swap3A_257] {strides = array<i32>} : memref<128x128xf32, #tpu.memory_space<vmem>>, vector<16xf32>,
        tpu.vector_store %arg12[%swap3A_256, %swap3A_257], %mul3A_255 {strides = array<i32>} : memref<128x128xf32, #tpu.memory_space<vmem>>, vector<16xf32>,
        %get3A_259 = arith.index_cast %add3A_221 : i32 to index
        %get3A_260 = arith.constant 80 : index
        %get3A_261 = tpu.vector_load %arg12[%get3A_259, %get3A_260] {strides = array<i32>} : memref<128x128xf32, #tpu.memory_space<vmem>>, vector<16xf32>,
        %mul3A_262 = arith.mulf %get3A_261, %gather3A_223 : vector<16xf32>
        %swap3A_263 = arith.index_cast %add3A_221 : i32 to index
        %swap3A_264 = arith.constant 80 : index
        %swap3A_265 = tpu.vector_load %arg12[%swap3A_263, %swap3A_264] {strides = array<i32>} : memref<128x128xf32, #tpu.memory_space<vmem>>, vector<16xf32>,
        tpu.vector_store %arg12[%swap3A_263, %swap3A_264], %mul3A_262 {strides = array<i32>} : memref<128x128xf32, #tpu.memory_space<vmem>>, vector<16xf32>,
        %get3A_266 = arith.index_cast %add3A_221 : i32 to index
        %get3A_267 = arith.constant 96 : index
        %get3A_268 = tpu.vector_load %arg12[%get3A_266, %get3A_267] {strides = array<i32>} : memref<128x128xf32, #tpu.memory_space<vmem>>, vector<16xf32>,
        %mul3A_269 = arith.mulf %get3A_268, %gather3A_223 : vector<16xf32>
        %swap3A_270 = arith.index_cast %add3A_221 : i32 to index
        %swap3A_271 = arith.constant 96 : index
        %swap3A_272 = tpu.vector_load %arg12[%swap3A_270, %swap3A_271] {strides = array<i32>} : memref<128x128xf32, #tpu.memory_space<vmem>>, vector<16xf32>,
        tpu.vector_store %arg12[%swap3A_270, %swap3A_271], %mul3A_269 {strides = array<i32>} : memref<128x128xf32, #tpu.memory_space<vmem>>, vector<16xf32>,
        %get3A_273 = arith.index_cast %add3A_221 : i32 to index
        %get3A_274 = arith.constant 112 : index
        %get3A_275 = tpu.vector_load %arg12[%get3A_273, %get3A_274] {strides = array<i32>} : memref<128x128xf32, #tpu.memory_space<vmem>>, vector<16xf32>,
        %mul3A_276 = arith.mulf %get3A_275, %gather3A_223 : vector<16xf32>
        %swap3A_277 = arith.index_cast %add3A_221 : i32 to index
        %swap3A_278 = arith.constant 112 : index
        %swap3A_279 = tpu.vector_load %arg12[%swap3A_277, %swap3A_278] {strides = array<i32>} : memref<128x128xf32, #tpu.memory_space<vmem>>, vector<16xf32>,
        tpu.vector_store %arg12[%swap3A_277, %swap3A_278], %mul3A_276 {strides = array<i32>} : memref<128x128xf32, #tpu.memory_space<vmem>>, vector<16xf32>,
        %add3A_280 = arith.constant 2 : i32
        %add3A_281 = arith.addi %add3A_162, %add3A_280 : i32
        %broadcast_in_dim3A_282 = vector.broadcast %add3A_281 : i32 to vector<16xi32>
        %gather3A_283 = tpu.vector_load_idx %arg10[%broadcast_in_dim3A_282] : memref<128xf32, #tpu.memory_space<vmem>>[vector<16xi32>], vector<16xf32>,
        %get3A_284 = arith.index_cast %add3A_281 : i32 to index
        %get3A_285 = arith.constant 0 : index
        %get3A_286 = tpu.vector_load %arg12[%get3A_284, %get3A_285] {strides = array<i32>} : memref<128x128xf32, #tpu.memory_space<vmem>>, vector<16xf32>,
        %mul3A_287 = arith.mulf %get3A_286, %gather3A_283 : vector<16xf32>
        %swap3A_288 = arith.index_cast %add3A_281 : i32 to index
        %swap3A_289 = arith.constant 0 : index
        %swap3A_290 = tpu.vector_load %arg12[%swap3A_288, %swap3A_289] {strides = array<i32>} : memref<128x128xf32, #tpu.memory_space<vmem>>, vector<16xf32>,
        tpu.vector_store %arg12[%swap3A_288, %swap3A_289], %mul3A_287 {strides = array<i32>} : memref<128x128xf32, #tpu.memory_space<vmem>>, vector<16xf32>,
        %get3A_291 = arith.index_cast %add3A_281 : i32 to index
        %get3A_292 = arith.constant 16 : index
        %get3A_293 = tpu.vector_load %arg12[%get3A_291, %get3A_292] {strides = array<i32>} : memref<128x128xf32, #tpu.memory_space<vmem>>, vector<16xf32>,
        %mul3A_294 = arith.mulf %get3A_293, %gather3A_283 : vector<16xf32>
        %swap3A_295 = arith.index_cast %add3A_281 : i32 to index
        %swap3A_296 = arith.constant 16 : index
        %swap3A_297 = tpu.vector_load %arg12[%swap3A_295, %swap3A_296] {strides = array<i32>} : memref<128x128xf32, #tpu.memory_space<vmem>>, vector<16xf32>,
        tpu.vector_store %arg12[%swap3A_295, %swap3A_296], %mul3A_294 {strides = array<i32>} : memref<128x128xf32, #tpu.memory_space<vmem>>, vector<16xf32>,
        %get3A_298 = arith.index_cast %add3A_281 : i32 to index
        %get3A_299 = arith.constant 32 : index
        %get3A_300 = tpu.vector_load %arg12[%get3A_298, %get3A_299] {strides = array<i32>} : memref<128x128xf32, #tpu.memory_space<vmem>>, vector<16xf32>,
        %mul3A_301 = arith.mulf %get3A_300, %gather3A_283 : vector<16xf32>
        %swap3A_302 = arith.index_cast %add3A_281 : i32 to index
        %swap3A_303 = arith.constant 32 : index
        %swap3A_304 = tpu.vector_load %arg12[%swap3A_302, %swap3A_303] {strides = array<i32>} : memref<128x128xf32, #tpu.memory_space<vmem>>, vector<16xf32>,
        tpu.vector_store %arg12[%swap3A_302, %swap3A_303], %mul3A_301 {strides = array<i32>} : memref<128x128xf32, #tpu.memory_space<vmem>>, vector<16xf32>,
        %get3A_305 = arith.index_cast %add3A_281 : i32 to index
        %get3A_306 = arith.constant 48 : index
        %get3A_307 = tpu.vector_load %arg12[%get3A_305, %get3A_306] {strides = array<i32>} : memref<128x128xf32, #tpu.memory_space<vmem>>, vector<16xf32>,
        %mul3A_308 = arith.mulf %get3A_307, %gather3A_283 : vector<16xf32>
        %swap3A_309 = arith.index_cast %add3A_281 : i32 to index
        %swap3A_310 = arith.constant 48 : index
        %swap3A_311 = tpu.vector_load %arg12[%swap3A_309, %swap3A_310] {strides = array<i32>} : memref<128x128xf32, #tpu.memory_space<vmem>>, vector<16xf32>,
        tpu.vector_store %arg12[%swap3A_309, %swap3A_310], %mul3A_308 {strides = array<i32>} : memref<128x128xf32, #tpu.memory_space<vmem>>, vector<16xf32>,
        %get3A_312 = arith.index_cast %add3A_281 : i32 to index
        %get3A_313 = arith.constant 64 : index
        %get3A_314 = tpu.vector_load %arg12[%get3A_312, %get3A_313] {strides = array<i32>} : memref<128x128xf32, #tpu.memory_space<vmem>>, vector<16xf32>,
        %mul3A_315 = arith.mulf %get3A_314, %gather3A_283 : vector<16xf32>
        %swap3A_316 = arith.index_cast %add3A_281 : i32 to index
        %swap3A_317 = arith.constant 64 : index
        %swap3A_318 = tpu.vector_load %arg12[%swap3A_316, %swap3A_317] {strides = array<i32>} : memref<128x128xf32, #tpu.memory_space<vmem>>, vector<16xf32>,
        tpu.vector_store %arg12[%swap3A_316, %swap3A_317], %mul3A_315 {strides = array<i32>} : memref<128x128xf32, #tpu.memory_space<vmem>>, vector<16xf32>,
        %get3A_319 = arith.index_cast %add3A_281 : i32 to index
        %get3A_320 = arith.constant 80 : index
        %get3A_321 = tpu.vector_load %arg12[%get3A_319, %get3A_320] {strides = array<i32>} : memref<128x128xf32, #tpu.memory_space<vmem>>, vector<16xf32>,
        %mul3A_322 = arith.mulf %get3A_321, %gather3A_283 : vector<16xf32>
        %swap3A_323 = arith.index_cast %add3A_281 : i32 to index
        %swap3A_324 = arith.constant 80 : index
        %swap3A_325 = tpu.vector_load %arg12[%swap3A_323, %swap3A_324] {strides = array<i32>} : memref<128x128xf32, #tpu.memory_space<vmem>>, vector<16xf32>,
        tpu.vector_store %arg12[%swap3A_323, %swap3A_324], %mul3A_322 {strides = array<i32>} : memref<128x128xf32, #tpu.memory_space<vmem>>, vector<16xf32>,
        %get3A_326 = arith.index_cast %add3A_281 : i32 to index
        %get3A_327 = arith.constant 96 : index
        %get3A_328 = tpu.vector_load %arg12[%get3A_326, %get3A_327] {strides = array<i32>} : memref<128x128xf32, #tpu.memory_space<vmem>>, vector<16xf32>,
        %mul3A_329 = arith.mulf %get3A_328, %gather3A_283 : vector<16xf32>
        %swap3A_330 = arith.index_cast %add3A_281 : i32 to index
        %swap3A_331 = arith.constant 96 : index
        %swap3A_332 = tpu.vector_load %arg12[%swap3A_330, %swap3A_331] {strides = array<i32>} : memref<128x128xf32, #tpu.memory_space<vmem>>, vector<16xf32>,
        tpu.vector_store %arg12[%swap3A_330, %swap3A_331], %mul3A_329 {strides = array<i32>} : memref<128x128xf32, #tpu.memory_space<vmem>>, vector<16xf32>,
        %get3A_333 = arith.index_cast %add3A_281 : i32 to index
        %get3A_334 = arith.constant 112 : index
        %get3A_335 = tpu.vector_load %arg12[%get3A_333, %get3A_334] {strides = array<i32>} : memref<128x128xf32, #tpu.memory_space<vmem>>, vector<16xf32>,
        %mul3A_336 = arith.mulf %get3A_335, %gather3A_283 : vector<16xf32>
        %swap3A_337 = arith.index_cast %add3A_281 : i32 to index
        %swap3A_338 = arith.constant 112 : index
        %swap3A_339 = tpu.vector_load %arg12[%swap3A_337, %swap3A_338] {strides = array<i32>} : memref<128x128xf32, #tpu.memory_space<vmem>>, vector<16xf32>,
        tpu.vector_store %arg12[%swap3A_337, %swap3A_338], %mul3A_336 {strides = array<i32>} : memref<128x128xf32, #tpu.memory_space<vmem>>, vector<16xf32>,
        %add3A_340 = arith.constant 3 : i32
        %add3A_341 = arith.addi %add3A_162, %add3A_340 : i32
        %broadcast_in_dim3A_342 = vector.broadcast %add3A_341 : i32 to vector<16xi32>
        %gather3A_343 = tpu.vector_load_idx %arg10[%broadcast_in_dim3A_342] : memref<128xf32, #tpu.memory_space<vmem>>[vector<16xi32>], vector<16xf32>,
        %get3A_344 = arith.index_cast %add3A_341 : i32 to index
        %get3A_345 = arith.constant 0 : index
        %get3A_346 = tpu.vector_load %arg12[%get3A_344, %get3A_345] {strides = array<i32>} : memref<128x128xf32, #tpu.memory_space<vmem>>, vector<16xf32>,
        %mul3A_347 = arith.mulf %get3A_346, %gather3A_343 : vector<16xf32>
        %swap3A_348 = arith.index_cast %add3A_341 : i32 to index
        %swap3A_349 = arith.constant 0 : index
        %swap3A_350 = tpu.vector_load %arg12[%swap3A_348, %swap3A_349] {strides = array<i32>} : memref<128x128xf32, #tpu.memory_space<vmem>>, vector<16xf32>,
        tpu.vector_store %arg12[%swap3A_348, %swap3A_349], %mul3A_347 {strides = array<i32>} : memref<128x128xf32, #tpu.memory_space<vmem>>, vector<16xf32>,
        %get3A_351 = arith.index_cast %add3A_341 : i32 to index
        %get3A_352 = arith.constant 16 : index
        %get3A_353 = tpu.vector_load %arg12[%get3A_351, %get3A_352] {strides = array<i32>} : memref<128x128xf32, #tpu.memory_space<vmem>>, vector<16xf32>,
        %mul3A_354 = arith.mulf %get3A_353, %gather3A_343 : vector<16xf32>
        %swap3A_355 = arith.index_cast %add3A_341 : i32 to index
        %swap3A_356 = arith.constant 16 : index
        %swap3A_357 = tpu.vector_load %arg12[%swap3A_355, %swap3A_356] {strides = array<i32>} : memref<128x128xf32, #tpu.memory_space<vmem>>, vector<16xf32>,
        tpu.vector_store %arg12[%swap3A_355, %swap3A_356], %mul3A_354 {strides = array<i32>} : memref<128x128xf32, #tpu.memory_space<vmem>>, vector<16xf32>,
        %get3A_358 = arith.index_cast %add3A_341 : i32 to index
        %get3A_359 = arith.constant 32 : index
        %get3A_360 = tpu.vector_load %arg12[%get3A_358, %get3A_359] {strides = array<i32>} : memref<128x128xf32, #tpu.memory_space<vmem>>, vector<16xf32>,
        %mul3A_361 = arith.mulf %get3A_360, %gather3A_343 : vector<16xf32>
        %swap3A_362 = arith.index_cast %add3A_341 : i32 to index
        %swap3A_363 = arith.constant 32 : index
        %swap3A_364 = tpu.vector_load %arg12[%swap3A_362, %swap3A_363] {strides = array<i32>} : memref<128x128xf32, #tpu.memory_space<vmem>>, vector<16xf32>,
        tpu.vector_store %arg12[%swap3A_362, %swap3A_363], %mul3A_361 {strides = array<i32>} : memref<128x128xf32, #tpu.memory_space<vmem>>, vector<16xf32>,
        %get3A_365 = arith.index_cast %add3A_341 : i32 to index
        %get3A_366 = arith.constant 48 : index
        %get3A_367 = tpu.vector_load %arg12[%get3A_365, %get3A_366] {strides = array<i32>} : memref<128x128xf32, #tpu.memory_space<vmem>>, vector<16xf32>,
        %mul3A_368 = arith.mulf %get3A_367, %gather3A_343 : vector<16xf32>
        %swap3A_369 = arith.index_cast %add3A_341 : i32 to index
        %swap3A_370 = arith.constant 48 : index
        %swap3A_371 = tpu.vector_load %arg12[%swap3A_369, %swap3A_370] {strides = array<i32>} : memref<128x128xf32, #tpu.memory_space<vmem>>, vector<16xf32>,
        tpu.vector_store %arg12[%swap3A_369, %swap3A_370], %mul3A_368 {strides = array<i32>} : memref<128x128xf32, #tpu.memory_space<vmem>>, vector<16xf32>,
        %get3A_372 = arith.index_cast %add3A_341 : i32 to index
        %get3A_373 = arith.constant 64 : index
        %get3A_374 = tpu.vector_load %arg12[%get3A_372, %get3A_373] {strides = array<i32>} : memref<128x128xf32, #tpu.memory_space<vmem>>, vector<16xf32>,
        %mul3A_375 = arith.mulf %get3A_374, %gather3A_343 : vector<16xf32>
        %swap3A_376 = arith.index_cast %add3A_341 : i32 to index
        %swap3A_377 = arith.constant 64 : index
        %swap3A_378 = tpu.vector_load %arg12[%swap3A_376, %swap3A_377] {strides = array<i32>} : memref<128x128xf32, #tpu.memory_space<vmem>>, vector<16xf32>,
        tpu.vector_store %arg12[%swap3A_376, %swap3A_377], %mul3A_375 {strides = array<i32>} : memref<128x128xf32, #tpu.memory_space<vmem>>, vector<16xf32>,
        %get3A_379 = arith.index_cast %add3A_341 : i32 to index
        %get3A_380 = arith.constant 80 : index
        %get3A_381 = tpu.vector_load %arg12[%get3A_379, %get3A_380] {strides = array<i32>} : memref<128x128xf32, #tpu.memory_space<vmem>>, vector<16xf32>,
        %mul3A_382 = arith.mulf %get3A_381, %gather3A_343 : vector<16xf32>
        %swap3A_383 = arith.index_cast %add3A_341 : i32 to index
        %swap3A_384 = arith.constant 80 : index
        %swap3A_385 = tpu.vector_load %arg12[%swap3A_383, %swap3A_384] {strides = array<i32>} : memref<128x128xf32, #tpu.memory_space<vmem>>, vector<16xf32>,
        tpu.vector_store %arg12[%swap3A_383, %swap3A_384], %mul3A_382 {strides = array<i32>} : memref<128x128xf32, #tpu.memory_space<vmem>>, vector<16xf32>,
        %get3A_386 = arith.index_cast %add3A_341 : i32 to index
        %get3A_387 = arith.constant 96 : index
        %get3A_388 = tpu.vector_load %arg12[%get3A_386, %get3A_387] {strides = array<i32>} : memref<128x128xf32, #tpu.memory_space<vmem>>, vector<16xf32>,
        %mul3A_389 = arith.mulf %get3A_388, %gather3A_343 : vector<16xf32>
        %swap3A_390 = arith.index_cast %add3A_341 : i32 to index
        %swap3A_391 = arith.constant 96 : index
        %swap3A_392 = tpu.vector_load %arg12[%swap3A_390, %swap3A_391] {strides = array<i32>} : memref<128x128xf32, #tpu.memory_space<vmem>>, vector<16xf32>,
        tpu.vector_store %arg12[%swap3A_390, %swap3A_391], %mul3A_389 {strides = array<i32>} : memref<128x128xf32, #tpu.memory_space<vmem>>, vector<16xf32>,
        %get3A_393 = arith.index_cast %add3A_341 : i32 to index
        %get3A_394 = arith.constant 112 : index
        %get3A_395 = tpu.vector_load %arg12[%get3A_393, %get3A_394] {strides = array<i32>} : memref<128x128xf32, #tpu.memory_space<vmem>>, vector<16xf32>,
        %mul3A_396 = arith.mulf %get3A_395, %gather3A_343 : vector<16xf32>
        %swap3A_397 = arith.index_cast %add3A_341 : i32 to index
        %swap3A_398 = arith.constant 112 : index
        %swap3A_399 = tpu.vector_load %arg12[%swap3A_397, %swap3A_398] {strides = array<i32>} : memref<128x128xf32, #tpu.memory_space<vmem>>, vector<16xf32>,
        tpu.vector_store %arg12[%swap3A_397, %swap3A_398], %mul3A_396 {strides = array<i32>} : memref<128x128xf32, #tpu.memory_space<vmem>>, vector<16xf32>,
      }
      %scan3A_111 = arith.constant 32 : i32
      "tpu.region"() ({
        %run_scoped3A = tpu.sem_alloc : memref<!tpu.dma_semaphore, #tpu.memory_space<semaphore_mem>>
        %dma_start3A_158 = arith.constant 0 : i32
        %dma_start3A_159 = arith.constant 0 : i32
        %dma_start3A_160 = tpu.memref_slice %arg14[%dma_start3A_158, %dma_start3A_159] : memref<10240x128xf32, #tpu.memory_space<vmem_shared>> -> memref<10240x128xf32, #tpu.memory_space<vmem_shared>>
        tpu.enqueue_indirect_dma source(%arg12 : memref<128x128xf32, #tpu.memory_space<vmem>>) target(%dma_start3A_160 : memref<10240x128xf32, #tpu.memory_space<vmem_shared>>) offsets(%arg8 : memref<128xi32, #tpu.memory_space<vmem>>) semaphore(%run_scoped3A : memref<!tpu.dma_semaphore, #tpu.memory_space<semaphore_mem>>) {add = true}
        %dma_wait3A_161 = arith.constant 0 : i32
        %dma_wait3A_162 = arith.constant 0 : i32
        %dma_wait3A_163 = tpu.memref_slice %arg14[%dma_wait3A_161, %dma_wait3A_162] : memref<10240x128xf32, #tpu.memory_space<vmem_shared>> -> memref<10240x128xf32, #tpu.memory_space<vmem_shared>>
        tpu.wait_indirect_dma semaphore(%run_scoped3A : memref<!tpu.dma_semaphore, #tpu.memory_space<semaphore_mem>>) src(%arg12 : memref<128x128xf32, #tpu.memory_space<vmem>>) dst(%dma_wait3A_163 : memref<10240x128xf32, #tpu.memory_space<vmem_shared>>)
        tpu.yield
      }) : () -> ()
      %add3A_112 = arith.constant 2 : i32
      %add3A_113 = arith.addi %add3A_65, %add3A_112 : i32
      %rem3A_114 = arith.constant 80 : i32
      %rem3A_115 = arith.remsi %add3A_113, %rem3A_114 : i32
      %mul3A_116 = arith.constant 128 : i32
      %mul3A_117 = arith.muli %rem3A_115, %mul3A_116 : i32
      %dma_start3A_118 = arith.constant 0 : i32
      %dma_start3A_119 = tpu.memref_slice %arg7[%rem3A_115, %dma_start3A_118] : memref<80x128xi32, #tpu.memory_space<vmem>> -> memref<1x128xi32, #tpu.memory_space<vmem>>
      %dma_start3A_120 = tpu.memref_squeeze %dma_start3A_119 : memref<1x128xi32, #tpu.memory_space<vmem>> -> memref<128xi32, #tpu.memory_space<vmem>>
      %dma_start3A_121 = arith.constant 0 : i32
      %dma_start3A_122 = arith.constant 0 : i32
      %dma_start3A_123 = tpu.memref_slice %arg2[%dma_start3A_121, %dma_start3A_122] : memref<10240x128xf32, #tpu.memory_space<hbm>> -> memref<10240x128xf32, #tpu.memory_space<hbm>>
      tpu.enqueue_indirect_dma source(%dma_start3A_123 : memref<10240x128xf32, #tpu.memory_space<hbm>>) target(%arg12 : memref<128x128xf32, #tpu.memory_space<vmem>>) offsets(%dma_start3A_120 : memref<128xi32, #tpu.memory_space<vmem>>) semaphore(%arg15 : memref<!tpu.dma_semaphore, #tpu.memory_space<semaphore_mem>>)
      %dma_start3A_124 = tpu.memref_slice %arg4[%add3A, %mul3A_117] : memref<32x10240xi32, #tpu.memory_space<hbm>> -> memref<1x128xi32, #tpu.memory_space<hbm>>
      %dma_start3A_125 = tpu.memref_squeeze %dma_start3A_124 : memref<1x128xi32, #tpu.memory_space<hbm>> -> memref<128xi32, #tpu.memory_space<hbm>>
      %dma_start3A_126 = tpu.memref_slice %arg4[%add3A, %mul3A_117] : memref<32x10240xi32, #tpu.memory_space<hbm>> -> memref<1x128xi32, #tpu.memory_space<hbm>>
      %dma_start3A_127 = tpu.memref_squeeze %dma_start3A_126 : memref<1x128xi32, #tpu.memory_space<hbm>> -> memref<128xi32, #tpu.memory_space<hbm>>
      tpu.enqueue_dma source(%dma_start3A_127 : memref<128xi32, #tpu.memory_space<hbm>>) target(%arg8 : memref<128xi32, #tpu.memory_space<vmem>>) target_semaphore(%arg17 : memref<!tpu.dma_semaphore, #tpu.memory_space<semaphore_mem>>)
      %dma_start3A_128 = tpu.memref_slice %arg5[%add3A, %mul3A_117] : memref<32x10240xf32, #tpu.memory_space<hbm>> -> memref<1x128xf32, #tpu.memory_space<hbm>>
      %dma_start3A_129 = tpu.memref_squeeze %dma_start3A_128 : memref<1x128xf32, #tpu.memory_space<hbm>> -> memref<128xf32, #tpu.memory_space<hbm>>
      %dma_start3A_130 = tpu.memref_slice %arg5[%add3A, %mul3A_117] : memref<32x10240xf32, #tpu.memory_space<hbm>> -> memref<1x128xf32, #tpu.memory_space<hbm>>
      %dma_start3A_131 = tpu.memref_squeeze %dma_start3A_130 : memref<1x128xf32, #tpu.memory_space<hbm>> -> memref<128xf32, #tpu.memory_space<hbm>>
      tpu.enqueue_dma source(%dma_start3A_131 : memref<128xf32, #tpu.memory_space<hbm>>) target(%arg10 : memref<128xf32, #tpu.memory_space<vmem>>) target_semaphore(%arg17 : memref<!tpu.dma_semaphore, #tpu.memory_space<semaphore_mem>>)
      %dma_wait3A_132 = arith.constant 0 : i32
      %dma_wait3A_133 = arith.constant 0 : i32
      %dma_wait3A_134 = tpu.memref_slice %arg7[%dma_wait3A_132, %dma_wait3A_133] : memref<80x128xi32, #tpu.memory_space<vmem>> -> memref<1x128xi32, #tpu.memory_space<vmem>>
      %dma_wait3A_135 = tpu.memref_squeeze %dma_wait3A_134 : memref<1x128xi32, #tpu.memory_space<vmem>> -> memref<128xi32, #tpu.memory_space<vmem>>
      %dma_wait3A_136 = arith.constant 0 : i32
      %dma_wait3A_137 = arith.constant 0 : i32
      %dma_wait3A_138 = tpu.memref_slice %arg2[%dma_wait3A_136, %dma_wait3A_137] : memref<10240x128xf32, #tpu.memory_space<hbm>> -> memref<10240x128xf32, #tpu.memory_space<hbm>>
      tpu.wait_indirect_dma semaphore(%arg16 : memref<!tpu.dma_semaphore, #tpu.memory_space<semaphore_mem>>) src(%dma_wait3A_138 : memref<10240x128xf32, #tpu.memory_space<hbm>>) dst(%arg13 : memref<128x128xf32, #tpu.memory_space<vmem>>)
      %dma_wait3A_139 = arith.constant 0 : i32
      %dma_wait3A_140 = arith.constant 0 : i32
      %dma_wait3A_141 = tpu.memref_slice %arg4[%dma_wait3A_139, %dma_wait3A_140] : memref<32x10240xi32, #tpu.memory_space<hbm>> -> memref<1x128xi32, #tpu.memory_space<hbm>>
      %dma_wait3A_142 = tpu.memref_squeeze %dma_wait3A_141 : memref<1x128xi32, #tpu.memory_space<hbm>> -> memref<128xi32, #tpu.memory_space<hbm>>
      %dma_wait3A_143 = arith.constant 0 : i32
      %dma_wait3A_144 = tpu.memref_slice %arg4[%dma_wait3A_139, %dma_wait3A_143] : memref<32x10240xi32, #tpu.memory_space<hbm>> -> memref<1x128xi32, #tpu.memory_space<hbm>>
      %dma_wait3A_145 = tpu.memref_squeeze %dma_wait3A_144 : memref<1x128xi32, #tpu.memory_space<hbm>> -> memref<128xi32, #tpu.memory_space<hbm>>
      tpu.wait_dma2 semaphore(%arg18 : memref<!tpu.dma_semaphore, #tpu.memory_space<semaphore_mem>>) src(%dma_wait3A_145 : memref<128xi32, #tpu.memory_space<hbm>>) dst(%arg9 : memref<128xi32, #tpu.memory_space<vmem>>)
      %dma_wait3A_146 = arith.constant 0 : i32
      %dma_wait3A_147 = arith.constant 0 : i32
      %dma_wait3A_148 = tpu.memref_slice %arg5[%dma_wait3A_146, %dma_wait3A_147] : memref<32x10240xf32, #tpu.memory_space<hbm>> -> memref<1x128xf32, #tpu.memory_space<hbm>>
      %dma_wait3A_149 = tpu.memref_squeeze %dma_wait3A_148 : memref<1x128xf32, #tpu.memory_space<hbm>> -> memref<128xf32, #tpu.memory_space<hbm>>
      %dma_wait3A_150 = arith.constant 0 : i32
      %dma_wait3A_151 = tpu.memref_slice %arg5[%dma_wait3A_146, %dma_wait3A_150] : memref<32x10240xf32, #tpu.memory_space<hbm>> -> memref<1x128xf32, #tpu.memory_space<hbm>>
      %dma_wait3A_152 = tpu.memref_squeeze %dma_wait3A_151 : memref<1x128xf32, #tpu.memory_space<hbm>> -> memref<128xf32, #tpu.memory_space<hbm>>
      tpu.wait_dma2 semaphore(%arg18 : memref<!tpu.dma_semaphore, #tpu.memory_space<semaphore_mem>>) src(%dma_wait3A_152 : memref<128xf32, #tpu.memory_space<hbm>>) dst(%arg11 : memref<128xf32, #tpu.memory_space<vmem>>)
      %scan3A_153 = arith.constant 0 : i32
      %scan3A_154 = arith.constant 32 : i32
      %scan3A_155 = arith.addi %scan3A_153, %scan3A_154 : i32
      %scan3A_156 = arith.constant 1 : i32
      scf.for %scan3A_158 = %scan3A_153 to %scan3A_155 step %scan3A_156  : i32 {
        %mul3A_159 = arith.constant 4 : i32
        %mul3A_160 = arith.muli %scan3A_158, %mul3A_159 : i32
        %add3A_161 = arith.constant 0 : i32
        %add3A_162 = arith.addi %add3A_161, %mul3A_160 : i32
        %add3A_163 = arith.constant 0 : i32
        %add3A_164 = arith.addi %add3A_162, %add3A_163 : i32
        %broadcast_in_dim3A_165 = vector.broadcast %add3A_164 : i32 to vector<16xi32>
        %gather3A = tpu.vector_load_idx %arg11[%broadcast_in_dim3A_165] : memref<128xf32, #tpu.memory_space<vmem>>[vector<16xi32>], vector<16xf32>,
        %get3A = arith.index_cast %add3A_164 : i32 to index
        %get3A_166 = arith.constant 0 : index
        %get3A_167 = tpu.vector_load %arg13[%get3A, %get3A_166] {strides = array<i32>} : memref<128x128xf32, #tpu.memory_space<vmem>>, vector<16xf32>,
        %mul3A_168 = arith.mulf %get3A_167, %gather3A : vector<16xf32>
        %swap3A = arith.index_cast %add3A_164 : i32 to index
        %swap3A_169 = arith.constant 0 : index
        %swap3A_170 = tpu.vector_load %arg13[%swap3A, %swap3A_169] {strides = array<i32>} : memref<128x128xf32, #tpu.memory_space<vmem>>, vector<16xf32>,
        tpu.vector_store %arg13[%swap3A, %swap3A_169], %mul3A_168 {strides = array<i32>} : memref<128x128xf32, #tpu.memory_space<vmem>>, vector<16xf32>,
        %get3A_171 = arith.index_cast %add3A_164 : i32 to index
        %get3A_172 = arith.constant 16 : index
        %get3A_173 = tpu.vector_load %arg13[%get3A_171, %get3A_172] {strides = array<i32>} : memref<128x128xf32, #tpu.memory_space<vmem>>, vector<16xf32>,
        %mul3A_174 = arith.mulf %get3A_173, %gather3A : vector<16xf32>
        %swap3A_175 = arith.index_cast %add3A_164 : i32 to index
        %swap3A_176 = arith.constant 16 : index
        %swap3A_177 = tpu.vector_load %arg13[%swap3A_175, %swap3A_176] {strides = array<i32>} : memref<128x128xf32, #tpu.memory_space<vmem>>, vector<16xf32>,
        tpu.vector_store %arg13[%swap3A_175, %swap3A_176], %mul3A_174 {strides = array<i32>} : memref<128x128xf32, #tpu.memory_space<vmem>>, vector<16xf32>,
        %get3A_178 = arith.index_cast %add3A_164 : i32 to index
        %get3A_179 = arith.constant 32 : index
        %get3A_180 = tpu.vector_load %arg13[%get3A_178, %get3A_179] {strides = array<i32>} : memref<128x128xf32, #tpu.memory_space<vmem>>, vector<16xf32>,
        %mul3A_181 = arith.mulf %get3A_180, %gather3A : vector<16xf32>
        %swap3A_182 = arith.index_cast %add3A_164 : i32 to index
        %swap3A_183 = arith.constant 32 : index
        %swap3A_184 = tpu.vector_load %arg13[%swap3A_182, %swap3A_183] {strides = array<i32>} : memref<128x128xf32, #tpu.memory_space<vmem>>, vector<16xf32>,
        tpu.vector_store %arg13[%swap3A_182, %swap3A_183], %mul3A_181 {strides = array<i32>} : memref<128x128xf32, #tpu.memory_space<vmem>>, vector<16xf32>,
        %get3A_185 = arith.index_cast %add3A_164 : i32 to index
        %get3A_186 = arith.constant 48 : index
        %get3A_187 = tpu.vector_load %arg13[%get3A_185, %get3A_186] {strides = array<i32>} : memref<128x128xf32, #tpu.memory_space<vmem>>, vector<16xf32>,
        %mul3A_188 = arith.mulf %get3A_187, %gather3A : vector<16xf32>
        %swap3A_189 = arith.index_cast %add3A_164 : i32 to index
        %swap3A_190 = arith.constant 48 : index
        %swap3A_191 = tpu.vector_load %arg13[%swap3A_189, %swap3A_190] {strides = array<i32>} : memref<128x128xf32, #tpu.memory_space<vmem>>, vector<16xf32>,
        tpu.vector_store %arg13[%swap3A_189, %swap3A_190], %mul3A_188 {strides = array<i32>} : memref<128x128xf32, #tpu.memory_space<vmem>>, vector<16xf32>,
        %get3A_192 = arith.index_cast %add3A_164 : i32 to index
        %get3A_193 = arith.constant 64 : index
        %get3A_194 = tpu.vector_load %arg13[%get3A_192, %get3A_193] {strides = array<i32>} : memref<128x128xf32, #tpu.memory_space<vmem>>, vector<16xf32>,
        %mul3A_195 = arith.mulf %get3A_194, %gather3A : vector<16xf32>
        %swap3A_196 = arith.index_cast %add3A_164 : i32 to index
        %swap3A_197 = arith.constant 64 : index
        %swap3A_198 = tpu.vector_load %arg13[%swap3A_196, %swap3A_197] {strides = array<i32>} : memref<128x128xf32, #tpu.memory_space<vmem>>, vector<16xf32>,
        tpu.vector_store %arg13[%swap3A_196, %swap3A_197], %mul3A_195 {strides = array<i32>} : memref<128x128xf32, #tpu.memory_space<vmem>>, vector<16xf32>,
        %get3A_199 = arith.index_cast %add3A_164 : i32 to index
        %get3A_200 = arith.constant 80 : index
        %get3A_201 = tpu.vector_load %arg13[%get3A_199, %get3A_200] {strides = array<i32>} : memref<128x128xf32, #tpu.memory_space<vmem>>, vector<16xf32>,
        %mul3A_202 = arith.mulf %get3A_201, %gather3A : vector<16xf32>
        %swap3A_203 = arith.index_cast %add3A_164 : i32 to index
        %swap3A_204 = arith.constant 80 : index
        %swap3A_205 = tpu.vector_load %arg13[%swap3A_203, %swap3A_204] {strides = array<i32>} : memref<128x128xf32, #tpu.memory_space<vmem>>, vector<16xf32>,
        tpu.vector_store %arg13[%swap3A_203, %swap3A_204], %mul3A_202 {strides = array<i32>} : memref<128x128xf32, #tpu.memory_space<vmem>>, vector<16xf32>,
        %get3A_206 = arith.index_cast %add3A_164 : i32 to index
        %get3A_207 = arith.constant 96 : index
        %get3A_208 = tpu.vector_load %arg13[%get3A_206, %get3A_207] {strides = array<i32>} : memref<128x128xf32, #tpu.memory_space<vmem>>, vector<16xf32>,
        %mul3A_209 = arith.mulf %get3A_208, %gather3A : vector<16xf32>
        %swap3A_210 = arith.index_cast %add3A_164 : i32 to index
        %swap3A_211 = arith.constant 96 : index
        %swap3A_212 = tpu.vector_load %arg13[%swap3A_210, %swap3A_211] {strides = array<i32>} : memref<128x128xf32, #tpu.memory_space<vmem>>, vector<16xf32>,
        tpu.vector_store %arg13[%swap3A_210, %swap3A_211], %mul3A_209 {strides = array<i32>} : memref<128x128xf32, #tpu.memory_space<vmem>>, vector<16xf32>,
        %get3A_213 = arith.index_cast %add3A_164 : i32 to index
        %get3A_214 = arith.constant 112 : index
        %get3A_215 = tpu.vector_load %arg13[%get3A_213, %get3A_214] {strides = array<i32>} : memref<128x128xf32, #tpu.memory_space<vmem>>, vector<16xf32>,
        %mul3A_216 = arith.mulf %get3A_215, %gather3A : vector<16xf32>
        %swap3A_217 = arith.index_cast %add3A_164 : i32 to index
        %swap3A_218 = arith.constant 112 : index
        %swap3A_219 = tpu.vector_load %arg13[%swap3A_217, %swap3A_218] {strides = array<i32>} : memref<128x128xf32, #tpu.memory_space<vmem>>, vector<16xf32>,
        tpu.vector_store %arg13[%swap3A_217, %swap3A_218], %mul3A_216 {strides = array<i32>} : memref<128x128xf32, #tpu.memory_space<vmem>>, vector<16xf32>,
        %add3A_220 = arith.constant 1 : i32
        %add3A_221 = arith.addi %add3A_162, %add3A_220 : i32
        %broadcast_in_dim3A_222 = vector.broadcast %add3A_221 : i32 to vector<16xi32>
        %gather3A_223 = tpu.vector_load_idx %arg11[%broadcast_in_dim3A_222] : memref<128xf32, #tpu.memory_space<vmem>>[vector<16xi32>], vector<16xf32>,
        %get3A_224 = arith.index_cast %add3A_221 : i32 to index
        %get3A_225 = arith.constant 0 : index
        %get3A_226 = tpu.vector_load %arg13[%get3A_224, %get3A_225] {strides = array<i32>} : memref<128x128xf32, #tpu.memory_space<vmem>>, vector<16xf32>,
        %mul3A_227 = arith.mulf %get3A_226, %gather3A_223 : vector<16xf32>
        %swap3A_228 = arith.index_cast %add3A_221 : i32 to index
        %swap3A_229 = arith.constant 0 : index
        %swap3A_230 = tpu.vector_load %arg13[%swap3A_228, %swap3A_229] {strides = array<i32>} : memref<128x128xf32, #tpu.memory_space<vmem>>, vector<16xf32>,
        tpu.vector_store %arg13[%swap3A_228, %swap3A_229], %mul3A_227 {strides = array<i32>} : memref<128x128xf32, #tpu.memory_space<vmem>>, vector<16xf32>,
        %get3A_231 = arith.index_cast %add3A_221 : i32 to index
        %get3A_232 = arith.constant 16 : index
        %get3A_233 = tpu.vector_load %arg13[%get3A_231, %get3A_232] {strides = array<i32>} : memref<128x128xf32, #tpu.memory_space<vmem>>, vector<16xf32>,
        %mul3A_234 = arith.mulf %get3A_233, %gather3A_223 : vector<16xf32>
        %swap3A_235 = arith.index_cast %add3A_221 : i32 to index
        %swap3A_236 = arith.constant 16 : index
        %swap3A_237 = tpu.vector_load %arg13[%swap3A_235, %swap3A_236] {strides = array<i32>} : memref<128x128xf32, #tpu.memory_space<vmem>>, vector<16xf32>,
        tpu.vector_store %arg13[%swap3A_235, %swap3A_236], %mul3A_234 {strides = array<i32>} : memref<128x128xf32, #tpu.memory_space<vmem>>, vector<16xf32>,
        %get3A_238 = arith.index_cast %add3A_221 : i32 to index
        %get3A_239 = arith.constant 32 : index
        %get3A_240 = tpu.vector_load %arg13[%get3A_238, %get3A_239] {strides = array<i32>} : memref<128x128xf32, #tpu.memory_space<vmem>>, vector<16xf32>,
        %mul3A_241 = arith.mulf %get3A_240, %gather3A_223 : vector<16xf32>
        %swap3A_242 = arith.index_cast %add3A_221 : i32 to index
        %swap3A_243 = arith.constant 32 : index
        %swap3A_244 = tpu.vector_load %arg13[%swap3A_242, %swap3A_243] {strides = array<i32>} : memref<128x128xf32, #tpu.memory_space<vmem>>, vector<16xf32>,
        tpu.vector_store %arg13[%swap3A_242, %swap3A_243], %mul3A_241 {strides = array<i32>} : memref<128x128xf32, #tpu.memory_space<vmem>>, vector<16xf32>,
        %get3A_245 = arith.index_cast %add3A_221 : i32 to index
        %get3A_246 = arith.constant 48 : index
        %get3A_247 = tpu.vector_load %arg13[%get3A_245, %get3A_246] {strides = array<i32>} : memref<128x128xf32, #tpu.memory_space<vmem>>, vector<16xf32>,
        %mul3A_248 = arith.mulf %get3A_247, %gather3A_223 : vector<16xf32>
        %swap3A_249 = arith.index_cast %add3A_221 : i32 to index
        %swap3A_250 = arith.constant 48 : index
        %swap3A_251 = tpu.vector_load %arg13[%swap3A_249, %swap3A_250] {strides = array<i32>} : memref<128x128xf32, #tpu.memory_space<vmem>>, vector<16xf32>,
        tpu.vector_store %arg13[%swap3A_249, %swap3A_250], %mul3A_248 {strides = array<i32>} : memref<128x128xf32, #tpu.memory_space<vmem>>, vector<16xf32>,
        %get3A_252 = arith.index_cast %add3A_221 : i32 to index
        %get3A_253 = arith.constant 64 : index
        %get3A_254 = tpu.vector_load %arg13[%get3A_252, %get3A_253] {strides = array<i32>} : memref<128x128xf32, #tpu.memory_space<vmem>>, vector<16xf32>,
        %mul3A_255 = arith.mulf %get3A_254, %gather3A_223 : vector<16xf32>
        %swap3A_256 = arith.index_cast %add3A_221 : i32 to index
        %swap3A_257 = arith.constant 64 : index
        %swap3A_258 = tpu.vector_load %arg13[%swap3A_256, %swap3A_257] {strides = array<i32>} : memref<128x128xf32, #tpu.memory_space<vmem>>, vector<16xf32>,
        tpu.vector_store %arg13[%swap3A_256, %swap3A_257], %mul3A_255 {strides = array<i32>} : memref<128x128xf32, #tpu.memory_space<vmem>>, vector<16xf32>,
        %get3A_259 = arith.index_cast %add3A_221 : i32 to index
        %get3A_260 = arith.constant 80 : index
        %get3A_261 = tpu.vector_load %arg13[%get3A_259, %get3A_260] {strides = array<i32>} : memref<128x128xf32, #tpu.memory_space<vmem>>, vector<16xf32>,
        %mul3A_262 = arith.mulf %get3A_261, %gather3A_223 : vector<16xf32>
        %swap3A_263 = arith.index_cast %add3A_221 : i32 to index
        %swap3A_264 = arith.constant 80 : index
        %swap3A_265 = tpu.vector_load %arg13[%swap3A_263, %swap3A_264] {strides = array<i32>} : memref<128x128xf32, #tpu.memory_space<vmem>>, vector<16xf32>,
        tpu.vector_store %arg13[%swap3A_263, %swap3A_264], %mul3A_262 {strides = array<i32>} : memref<128x128xf32, #tpu.memory_space<vmem>>, vector<16xf32>,
        %get3A_266 = arith.index_cast %add3A_221 : i32 to index
        %get3A_267 = arith.constant 96 : index
        %get3A_268 = tpu.vector_load %arg13[%get3A_266, %get3A_267] {strides = array<i32>} : memref<128x128xf32, #tpu.memory_space<vmem>>, vector<16xf32>,
        %mul3A_269 = arith.mulf %get3A_268, %gather3A_223 : vector<16xf32>
        %swap3A_270 = arith.index_cast %add3A_221 : i32 to index
        %swap3A_271 = arith.constant 96 : index
        %swap3A_272 = tpu.vector_load %arg13[%swap3A_270, %swap3A_271] {strides = array<i32>} : memref<128x128xf32, #tpu.memory_space<vmem>>, vector<16xf32>,
        tpu.vector_store %arg13[%swap3A_270, %swap3A_271], %mul3A_269 {strides = array<i32>} : memref<128x128xf32, #tpu.memory_space<vmem>>, vector<16xf32>,
        %get3A_273 = arith.index_cast %add3A_221 : i32 to index
        %get3A_274 = arith.constant 112 : index
        %get3A_275 = tpu.vector_load %arg13[%get3A_273, %get3A_274] {strides = array<i32>} : memref<128x128xf32, #tpu.memory_space<vmem>>, vector<16xf32>,
        %mul3A_276 = arith.mulf %get3A_275, %gather3A_223 : vector<16xf32>
        %swap3A_277 = arith.index_cast %add3A_221 : i32 to index
        %swap3A_278 = arith.constant 112 : index
        %swap3A_279 = tpu.vector_load %arg13[%swap3A_277, %swap3A_278] {strides = array<i32>} : memref<128x128xf32, #tpu.memory_space<vmem>>, vector<16xf32>,
        tpu.vector_store %arg13[%swap3A_277, %swap3A_278], %mul3A_276 {strides = array<i32>} : memref<128x128xf32, #tpu.memory_space<vmem>>, vector<16xf32>,
        %add3A_280 = arith.constant 2 : i32
        %add3A_281 = arith.addi %add3A_162, %add3A_280 : i32
        %broadcast_in_dim3A_282 = vector.broadcast %add3A_281 : i32 to vector<16xi32>
        %gather3A_283 = tpu.vector_load_idx %arg11[%broadcast_in_dim3A_282] : memref<128xf32, #tpu.memory_space<vmem>>[vector<16xi32>], vector<16xf32>,
        %get3A_284 = arith.index_cast %add3A_281 : i32 to index
        %get3A_285 = arith.constant 0 : index
        %get3A_286 = tpu.vector_load %arg13[%get3A_284, %get3A_285] {strides = array<i32>} : memref<128x128xf32, #tpu.memory_space<vmem>>, vector<16xf32>,
        %mul3A_287 = arith.mulf %get3A_286, %gather3A_283 : vector<16xf32>
        %swap3A_288 = arith.index_cast %add3A_281 : i32 to index
        %swap3A_289 = arith.constant 0 : index
        %swap3A_290 = tpu.vector_load %arg13[%swap3A_288, %swap3A_289] {strides = array<i32>} : memref<128x128xf32, #tpu.memory_space<vmem>>, vector<16xf32>,
        tpu.vector_store %arg13[%swap3A_288, %swap3A_289], %mul3A_287 {strides = array<i32>} : memref<128x128xf32, #tpu.memory_space<vmem>>, vector<16xf32>,
        %get3A_291 = arith.index_cast %add3A_281 : i32 to index
        %get3A_292 = arith.constant 16 : index
        %get3A_293 = tpu.vector_load %arg13[%get3A_291, %get3A_292] {strides = array<i32>} : memref<128x128xf32, #tpu.memory_space<vmem>>, vector<16xf32>,
        %mul3A_294 = arith.mulf %get3A_293, %gather3A_283 : vector<16xf32>
        %swap3A_295 = arith.index_cast %add3A_281 : i32 to index
        %swap3A_296 = arith.constant 16 : index
        %swap3A_297 = tpu.vector_load %arg13[%swap3A_295, %swap3A_296] {strides = array<i32>} : memref<128x128xf32, #tpu.memory_space<vmem>>, vector<16xf32>,
        tpu.vector_store %arg13[%swap3A_295, %swap3A_296], %mul3A_294 {strides = array<i32>} : memref<128x128xf32, #tpu.memory_space<vmem>>, vector<16xf32>,
        %get3A_298 = arith.index_cast %add3A_281 : i32 to index
        %get3A_299 = arith.constant 32 : index
        %get3A_300 = tpu.vector_load %arg13[%get3A_298, %get3A_299] {strides = array<i32>} : memref<128x128xf32, #tpu.memory_space<vmem>>, vector<16xf32>,
        %mul3A_301 = arith.mulf %get3A_300, %gather3A_283 : vector<16xf32>
        %swap3A_302 = arith.index_cast %add3A_281 : i32 to index
        %swap3A_303 = arith.constant 32 : index
        %swap3A_304 = tpu.vector_load %arg13[%swap3A_302, %swap3A_303] {strides = array<i32>} : memref<128x128xf32, #tpu.memory_space<vmem>>, vector<16xf32>,
        tpu.vector_store %arg13[%swap3A_302, %swap3A_303], %mul3A_301 {strides = array<i32>} : memref<128x128xf32, #tpu.memory_space<vmem>>, vector<16xf32>,
        %get3A_305 = arith.index_cast %add3A_281 : i32 to index
        %get3A_306 = arith.constant 48 : index
        %get3A_307 = tpu.vector_load %arg13[%get3A_305, %get3A_306] {strides = array<i32>} : memref<128x128xf32, #tpu.memory_space<vmem>>, vector<16xf32>,
        %mul3A_308 = arith.mulf %get3A_307, %gather3A_283 : vector<16xf32>
        %swap3A_309 = arith.index_cast %add3A_281 : i32 to index
        %swap3A_310 = arith.constant 48 : index
        %swap3A_311 = tpu.vector_load %arg13[%swap3A_309, %swap3A_310] {strides = array<i32>} : memref<128x128xf32, #tpu.memory_space<vmem>>, vector<16xf32>,
        tpu.vector_store %arg13[%swap3A_309, %swap3A_310], %mul3A_308 {strides = array<i32>} : memref<128x128xf32, #tpu.memory_space<vmem>>, vector<16xf32>,
        %get3A_312 = arith.index_cast %add3A_281 : i32 to index
        %get3A_313 = arith.constant 64 : index
        %get3A_314 = tpu.vector_load %arg13[%get3A_312, %get3A_313] {strides = array<i32>} : memref<128x128xf32, #tpu.memory_space<vmem>>, vector<16xf32>,
        %mul3A_315 = arith.mulf %get3A_314, %gather3A_283 : vector<16xf32>
        %swap3A_316 = arith.index_cast %add3A_281 : i32 to index
        %swap3A_317 = arith.constant 64 : index
        %swap3A_318 = tpu.vector_load %arg13[%swap3A_316, %swap3A_317] {strides = array<i32>} : memref<128x128xf32, #tpu.memory_space<vmem>>, vector<16xf32>,
        tpu.vector_store %arg13[%swap3A_316, %swap3A_317], %mul3A_315 {strides = array<i32>} : memref<128x128xf32, #tpu.memory_space<vmem>>, vector<16xf32>,
        %get3A_319 = arith.index_cast %add3A_281 : i32 to index
        %get3A_320 = arith.constant 80 : index
        %get3A_321 = tpu.vector_load %arg13[%get3A_319, %get3A_320] {strides = array<i32>} : memref<128x128xf32, #tpu.memory_space<vmem>>, vector<16xf32>,
        %mul3A_322 = arith.mulf %get3A_321, %gather3A_283 : vector<16xf32>
        %swap3A_323 = arith.index_cast %add3A_281 : i32 to index
        %swap3A_324 = arith.constant 80 : index
        %swap3A_325 = tpu.vector_load %arg13[%swap3A_323, %swap3A_324] {strides = array<i32>} : memref<128x128xf32, #tpu.memory_space<vmem>>, vector<16xf32>,
        tpu.vector_store %arg13[%swap3A_323, %swap3A_324], %mul3A_322 {strides = array<i32>} : memref<128x128xf32, #tpu.memory_space<vmem>>, vector<16xf32>,
        %get3A_326 = arith.index_cast %add3A_281 : i32 to index
        %get3A_327 = arith.constant 96 : index
        %get3A_328 = tpu.vector_load %arg13[%get3A_326, %get3A_327] {strides = array<i32>} : memref<128x128xf32, #tpu.memory_space<vmem>>, vector<16xf32>,
        %mul3A_329 = arith.mulf %get3A_328, %gather3A_283 : vector<16xf32>
        %swap3A_330 = arith.index_cast %add3A_281 : i32 to index
        %swap3A_331 = arith.constant 96 : index
        %swap3A_332 = tpu.vector_load %arg13[%swap3A_330, %swap3A_331] {strides = array<i32>} : memref<128x128xf32, #tpu.memory_space<vmem>>, vector<16xf32>,
        tpu.vector_store %arg13[%swap3A_330, %swap3A_331], %mul3A_329 {strides = array<i32>} : memref<128x128xf32, #tpu.memory_space<vmem>>, vector<16xf32>,
        %get3A_333 = arith.index_cast %add3A_281 : i32 to index
        %get3A_334 = arith.constant 112 : index
        %get3A_335 = tpu.vector_load %arg13[%get3A_333, %get3A_334] {strides = array<i32>} : memref<128x128xf32, #tpu.memory_space<vmem>>, vector<16xf32>,
        %mul3A_336 = arith.mulf %get3A_335, %gather3A_283 : vector<16xf32>
        %swap3A_337 = arith.index_cast %add3A_281 : i32 to index
        %swap3A_338 = arith.constant 112 : index
        %swap3A_339 = tpu.vector_load %arg13[%swap3A_337, %swap3A_338] {strides = array<i32>} : memref<128x128xf32, #tpu.memory_space<vmem>>, vector<16xf32>,
        tpu.vector_store %arg13[%swap3A_337, %swap3A_338], %mul3A_336 {strides = array<i32>} : memref<128x128xf32, #tpu.memory_space<vmem>>, vector<16xf32>,
        %add3A_340 = arith.constant 3 : i32
        %add3A_341 = arith.addi %add3A_162, %add3A_340 : i32
        %broadcast_in_dim3A_342 = vector.broadcast %add3A_341 : i32 to vector<16xi32>
        %gather3A_343 = tpu.vector_load_idx %arg11[%broadcast_in_dim3A_342] : memref<128xf32, #tpu.memory_space<vmem>>[vector<16xi32>], vector<16xf32>,
        %get3A_344 = arith.index_cast %add3A_341 : i32 to index
        %get3A_345 = arith.constant 0 : index
        %get3A_346 = tpu.vector_load %arg13[%get3A_344, %get3A_345] {strides = array<i32>} : memref<128x128xf32, #tpu.memory_space<vmem>>, vector<16xf32>,
        %mul3A_347 = arith.mulf %get3A_346, %gather3A_343 : vector<16xf32>
        %swap3A_348 = arith.index_cast %add3A_341 : i32 to index
        %swap3A_349 = arith.constant 0 : index
        %swap3A_350 = tpu.vector_load %arg13[%swap3A_348, %swap3A_349] {strides = array<i32>} : memref<128x128xf32, #tpu.memory_space<vmem>>, vector<16xf32>,
        tpu.vector_store %arg13[%swap3A_348, %swap3A_349], %mul3A_347 {strides = array<i32>} : memref<128x128xf32, #tpu.memory_space<vmem>>, vector<16xf32>,
        %get3A_351 = arith.index_cast %add3A_341 : i32 to index
        %get3A_352 = arith.constant 16 : index
        %get3A_353 = tpu.vector_load %arg13[%get3A_351, %get3A_352] {strides = array<i32>} : memref<128x128xf32, #tpu.memory_space<vmem>>, vector<16xf32>,
        %mul3A_354 = arith.mulf %get3A_353, %gather3A_343 : vector<16xf32>
        %swap3A_355 = arith.index_cast %add3A_341 : i32 to index
        %swap3A_356 = arith.constant 16 : index
        %swap3A_357 = tpu.vector_load %arg13[%swap3A_355, %swap3A_356] {strides = array<i32>} : memref<128x128xf32, #tpu.memory_space<vmem>>, vector<16xf32>,
        tpu.vector_store %arg13[%swap3A_355, %swap3A_356], %mul3A_354 {strides = array<i32>} : memref<128x128xf32, #tpu.memory_space<vmem>>, vector<16xf32>,
        %get3A_358 = arith.index_cast %add3A_341 : i32 to index
        %get3A_359 = arith.constant 32 : index
        %get3A_360 = tpu.vector_load %arg13[%get3A_358, %get3A_359] {strides = array<i32>} : memref<128x128xf32, #tpu.memory_space<vmem>>, vector<16xf32>,
        %mul3A_361 = arith.mulf %get3A_360, %gather3A_343 : vector<16xf32>
        %swap3A_362 = arith.index_cast %add3A_341 : i32 to index
        %swap3A_363 = arith.constant 32 : index
        %swap3A_364 = tpu.vector_load %arg13[%swap3A_362, %swap3A_363] {strides = array<i32>} : memref<128x128xf32, #tpu.memory_space<vmem>>, vector<16xf32>,
        tpu.vector_store %arg13[%swap3A_362, %swap3A_363], %mul3A_361 {strides = array<i32>} : memref<128x128xf32, #tpu.memory_space<vmem>>, vector<16xf32>,
        %get3A_365 = arith.index_cast %add3A_341 : i32 to index
        %get3A_366 = arith.constant 48 : index
        %get3A_367 = tpu.vector_load %arg13[%get3A_365, %get3A_366] {strides = array<i32>} : memref<128x128xf32, #tpu.memory_space<vmem>>, vector<16xf32>,
        %mul3A_368 = arith.mulf %get3A_367, %gather3A_343 : vector<16xf32>
        %swap3A_369 = arith.index_cast %add3A_341 : i32 to index
        %swap3A_370 = arith.constant 48 : index
        %swap3A_371 = tpu.vector_load %arg13[%swap3A_369, %swap3A_370] {strides = array<i32>} : memref<128x128xf32, #tpu.memory_space<vmem>>, vector<16xf32>,
        tpu.vector_store %arg13[%swap3A_369, %swap3A_370], %mul3A_368 {strides = array<i32>} : memref<128x128xf32, #tpu.memory_space<vmem>>, vector<16xf32>,
        %get3A_372 = arith.index_cast %add3A_341 : i32 to index
        %get3A_373 = arith.constant 64 : index
        %get3A_374 = tpu.vector_load %arg13[%get3A_372, %get3A_373] {strides = array<i32>} : memref<128x128xf32, #tpu.memory_space<vmem>>, vector<16xf32>,
        %mul3A_375 = arith.mulf %get3A_374, %gather3A_343 : vector<16xf32>
        %swap3A_376 = arith.index_cast %add3A_341 : i32 to index
        %swap3A_377 = arith.constant 64 : index
        %swap3A_378 = tpu.vector_load %arg13[%swap3A_376, %swap3A_377] {strides = array<i32>} : memref<128x128xf32, #tpu.memory_space<vmem>>, vector<16xf32>,
        tpu.vector_store %arg13[%swap3A_376, %swap3A_377], %mul3A_375 {strides = array<i32>} : memref<128x128xf32, #tpu.memory_space<vmem>>, vector<16xf32>,
        %get3A_379 = arith.index_cast %add3A_341 : i32 to index
        %get3A_380 = arith.constant 80 : index
        %get3A_381 = tpu.vector_load %arg13[%get3A_379, %get3A_380] {strides = array<i32>} : memref<128x128xf32, #tpu.memory_space<vmem>>, vector<16xf32>,
        %mul3A_382 = arith.mulf %get3A_381, %gather3A_343 : vector<16xf32>
        %swap3A_383 = arith.index_cast %add3A_341 : i32 to index
        %swap3A_384 = arith.constant 80 : index
        %swap3A_385 = tpu.vector_load %arg13[%swap3A_383, %swap3A_384] {strides = array<i32>} : memref<128x128xf32, #tpu.memory_space<vmem>>, vector<16xf32>,
        tpu.vector_store %arg13[%swap3A_383, %swap3A_384], %mul3A_382 {strides = array<i32>} : memref<128x128xf32, #tpu.memory_space<vmem>>, vector<16xf32>,
        %get3A_386 = arith.index_cast %add3A_341 : i32 to index
        %get3A_387 = arith.constant 96 : index
        %get3A_388 = tpu.vector_load %arg13[%get3A_386, %get3A_387] {strides = array<i32>} : memref<128x128xf32, #tpu.memory_space<vmem>>, vector<16xf32>,
        %mul3A_389 = arith.mulf %get3A_388, %gather3A_343 : vector<16xf32>
        %swap3A_390 = arith.index_cast %add3A_341 : i32 to index
        %swap3A_391 = arith.constant 96 : index
        %swap3A_392 = tpu.vector_load %arg13[%swap3A_390, %swap3A_391] {strides = array<i32>} : memref<128x128xf32, #tpu.memory_space<vmem>>, vector<16xf32>,
        tpu.vector_store %arg13[%swap3A_390, %swap3A_391], %mul3A_389 {strides = array<i32>} : memref<128x128xf32, #tpu.memory_space<vmem>>, vector<16xf32>,
        %get3A_393 = arith.index_cast %add3A_341 : i32 to index
        %get3A_394 = arith.constant 112 : index
        %get3A_395 = tpu.vector_load %arg13[%get3A_393, %get3A_394] {strides = array<i32>} : memref<128x128xf32, #tpu.memory_space<vmem>>, vector<16xf32>,
        %mul3A_396 = arith.mulf %get3A_395, %gather3A_343 : vector<16xf32>
        %swap3A_397 = arith.index_cast %add3A_341 : i32 to index
        %swap3A_398 = arith.constant 112 : index
        %swap3A_399 = tpu.vector_load %arg13[%swap3A_397, %swap3A_398] {strides = array<i32>} : memref<128x128xf32, #tpu.memory_space<vmem>>, vector<16xf32>,
        tpu.vector_store %arg13[%swap3A_397, %swap3A_398], %mul3A_396 {strides = array<i32>} : memref<128x128xf32, #tpu.memory_space<vmem>>, vector<16xf32>,
      }
      %scan3A_157 = arith.constant 32 : i32
      "tpu.region"() ({
        %run_scoped3A = tpu.sem_alloc : memref<!tpu.dma_semaphore, #tpu.memory_space<semaphore_mem>>
        %dma_start3A_158 = arith.constant 0 : i32
        %dma_start3A_159 = arith.constant 0 : i32
        %dma_start3A_160 = tpu.memref_slice %arg14[%dma_start3A_158, %dma_start3A_159] : memref<10240x128xf32, #tpu.memory_space<vmem_shared>> -> memref<10240x128xf32, #tpu.memory_space<vmem_shared>>
        tpu.enqueue_indirect_dma source(%arg13 : memref<128x128xf32, #tpu.memory_space<vmem>>) target(%dma_start3A_160 : memref<10240x128xf32, #tpu.memory_space<vmem_shared>>) offsets(%arg9 : memref<128xi32, #tpu.memory_space<vmem>>) semaphore(%run_scoped3A : memref<!tpu.dma_semaphore, #tpu.memory_space<semaphore_mem>>) {add = true}
        %dma_wait3A_161 = arith.constant 0 : i32
        %dma_wait3A_162 = arith.constant 0 : i32
        %dma_wait3A_163 = tpu.memref_slice %arg14[%dma_wait3A_161, %dma_wait3A_162] : memref<10240x128xf32, #tpu.memory_space<vmem_shared>> -> memref<10240x128xf32, #tpu.memory_space<vmem_shared>>
        tpu.wait_indirect_dma semaphore(%run_scoped3A : memref<!tpu.dma_semaphore, #tpu.memory_space<semaphore_mem>>) src(%arg13 : memref<128x128xf32, #tpu.memory_space<vmem>>) dst(%dma_wait3A_163 : memref<10240x128xf32, #tpu.memory_space<vmem_shared>>)
        tpu.yield
      }) : () -> ()
    }
    %scan3A_39 = arith.constant 40 : i32
    %dma_wait3A = arith.constant 0 : i32
    %dma_wait3A_40 = arith.constant 0 : i32
    %dma_wait3A_41 = tpu.memref_slice %arg7[%dma_wait3A, %dma_wait3A_40] : memref<80x128xi32, #tpu.memory_space<vmem>> -> memref<1x128xi32, #tpu.memory_space<vmem>>
    %dma_wait3A_42 = tpu.memref_squeeze %dma_wait3A_41 : memref<1x128xi32, #tpu.memory_space<vmem>> -> memref<128xi32, #tpu.memory_space<vmem>>
    %dma_wait3A_43 = arith.constant 0 : i32
    %dma_wait3A_44 = arith.constant 0 : i32
    %dma_wait3A_45 = tpu.memref_slice %arg2[%dma_wait3A_43, %dma_wait3A_44] : memref<10240x128xf32, #tpu.memory_space<hbm>> -> memref<10240x128xf32, #tpu.memory_space<hbm>>
    tpu.wait_indirect_dma semaphore(%arg15 : memref<!tpu.dma_semaphore, #tpu.memory_space<semaphore_mem>>) src(%dma_wait3A_45 : memref<10240x128xf32, #tpu.memory_space<hbm>>) dst(%arg12 : memref<128x128xf32, #tpu.memory_space<vmem>>)
    %dma_wait3A_46 = arith.constant 0 : i32
    %dma_wait3A_47 = arith.constant 0 : i32
    %dma_wait3A_48 = tpu.memref_slice %arg4[%dma_wait3A_46, %dma_wait3A_47] : memref<32x10240xi32, #tpu.memory_space<hbm>> -> memref<1x128xi32, #tpu.memory_space<hbm>>
    %dma_wait3A_49 = tpu.memref_squeeze %dma_wait3A_48 : memref<1x128xi32, #tpu.memory_space<hbm>> -> memref<128xi32, #tpu.memory_space<hbm>>
    %dma_wait3A_50 = arith.constant 0 : i32
    %dma_wait3A_51 = tpu.memref_slice %arg4[%dma_wait3A_46, %dma_wait3A_50] : memref<32x10240xi32, #tpu.memory_space<hbm>> -> memref<1x128xi32, #tpu.memory_space<hbm>>
    %dma_wait3A_52 = tpu.memref_squeeze %dma_wait3A_51 : memref<1x128xi32, #tpu.memory_space<hbm>> -> memref<128xi32, #tpu.memory_space<hbm>>
    tpu.wait_dma2 semaphore(%arg17 : memref<!tpu.dma_semaphore, #tpu.memory_space<semaphore_mem>>) src(%dma_wait3A_52 : memref<128xi32, #tpu.memory_space<hbm>>) dst(%arg8 : memref<128xi32, #tpu.memory_space<vmem>>)
    %dma_wait3A_53 = arith.constant 0 : i32
    %dma_wait3A_54 = arith.constant 0 : i32
    %dma_wait3A_55 = tpu.memref_slice %arg5[%dma_wait3A_53, %dma_wait3A_54] : memref<32x10240xf32, #tpu.memory_space<hbm>> -> memref<1x128xf32, #tpu.memory_space<hbm>>
    %dma_wait3A_56 = tpu.memref_squeeze %dma_wait3A_55 : memref<1x128xf32, #tpu.memory_space<hbm>> -> memref<128xf32, #tpu.memory_space<hbm>>
    %dma_wait3A_57 = arith.constant 0 : i32
    %dma_wait3A_58 = tpu.memref_slice %arg5[%dma_wait3A_53, %dma_wait3A_57] : memref<32x10240xf32, #tpu.memory_space<hbm>> -> memref<1x128xf32, #tpu.memory_space<hbm>>
    %dma_wait3A_59 = tpu.memref_squeeze %dma_wait3A_58 : memref<1x128xf32, #tpu.memory_space<hbm>> -> memref<128xf32, #tpu.memory_space<hbm>>
    tpu.wait_dma2 semaphore(%arg17 : memref<!tpu.dma_semaphore, #tpu.memory_space<semaphore_mem>>) src(%dma_wait3A_59 : memref<128xf32, #tpu.memory_space<hbm>>) dst(%arg10 : memref<128xf32, #tpu.memory_space<vmem>>)
    %barrier3A_60 = arith.constant 0 : index
    tpu.barrier barrier_id(%barrier3A_60)
    "tpu.region"() ({
      %run_scoped3A = tpu.sem_alloc : memref<!tpu.dma_semaphore, #tpu.memory_space<semaphore_mem>>
      %dma_start3A_61 = arith.constant 0 : i32
      %dma_start3A_62 = tpu.memref_slice %arg6[%arg0, %mul3A_24, %dma_start3A_61] : memref<2x10240x128xf32, #tpu.memory_space<hbm>> -> memref<1x640x128xf32, #tpu.memory_space<hbm>>
      %dma_start3A_63 = tpu.memref_squeeze %dma_start3A_62 : memref<1x640x128xf32, #tpu.memory_space<hbm>> -> memref<640x128xf32, #tpu.memory_space<hbm>>
      %dma_start3A_64 = arith.constant 0 : i32
      %dma_start3A_65 = tpu.memref_slice %arg14[%mul3A_24, %dma_start3A_64] : memref<10240x128xf32, #tpu.memory_space<vmem_shared>> -> memref<640x128xf32, #tpu.memory_space<vmem_shared>>
      tpu.enqueue_dma source(%dma_start3A_65 : memref<640x128xf32, #tpu.memory_space<vmem_shared>>) target(%dma_start3A_63 : memref<640x128xf32, #tpu.memory_space<hbm>>) target_semaphore(%run_scoped3A : memref<!tpu.dma_semaphore, #tpu.memory_space<semaphore_mem>>)
      %dma_wait3A_66 = arith.constant 0 : i32
      %dma_wait3A_67 = tpu.memref_slice %arg6[%arg0, %mul3A_24, %dma_wait3A_66] : memref<2x10240x128xf32, #tpu.memory_space<hbm>> -> memref<1x640x128xf32, #tpu.memory_space<hbm>>
      %dma_wait3A_68 = tpu.memref_squeeze %dma_wait3A_67 : memref<1x640x128xf32, #tpu.memory_space<hbm>> -> memref<640x128xf32, #tpu.memory_space<hbm>>
      %dma_wait3A_69 = arith.constant 0 : i32
      %dma_wait3A_70 = tpu.memref_slice %arg14[%mul3A_24, %dma_wait3A_69] : memref<10240x128xf32, #tpu.memory_space<vmem_shared>> -> memref<640x128xf32, #tpu.memory_space<vmem_shared>>
      tpu.wait_dma2 semaphore(%run_scoped3A : memref<!tpu.dma_semaphore, #tpu.memory_space<semaphore_mem>>) src(%dma_wait3A_70 : memref<640x128xf32, #tpu.memory_space<vmem_shared>>) dst(%dma_wait3A_68 : memref<640x128xf32, #tpu.memory_space<hbm>>)
      tpu.yield
    }) : () -> ()
    return
  }
}

#map = affine_map<(d0, d1) -> (0, 0)>
#map1 = affine_map<(d0, d1) -> (0, 0, 0)>
module attributes {stable_mosaic.version = 14 : i64} {
  func.func @k(%arg0: i32, %arg1: i32, %arg2: memref<10240x128xf32, #tpu.memory_space<hbm>>, %arg3: memref<32x80x128xi32, #tpu.memory_space<hbm>>, %arg4: memref<32x10240xi32, #tpu.memory_space<hbm>>, %arg5: memref<32x10240xf32, #tpu.memory_space<hbm>>, %arg6: memref<2x10240x128xf32, #tpu.memory_space<hbm>>, %arg7: memref<80x128xi32, #tpu.memory_space<vmem>>, %arg8: memref<128xi32, #tpu.memory_space<vmem>>, %arg9: memref<128xi32, #tpu.memory_space<vmem>>, %arg10: memref<128xf32, #tpu.memory_space<vmem>>, %arg11: memref<128xf32, #tpu.memory_space<vmem>>, %arg12: memref<128x128xf32, #tpu.memory_space<vmem>>, %arg13: memref<128x128xf32, #tpu.memory_space<vmem>>, %arg14: memref<10240x128xf32, #tpu.memory_space<vmem_shared>>, %arg15: memref<!tpu.dma_semaphore, #tpu.memory_space<semaphore_mem>>, %arg16: memref<!tpu.dma_semaphore, #tpu.memory_space<semaphore_mem>>, %arg17: memref<!tpu.dma_semaphore, #tpu.memory_space<semaphore_mem>>, %arg18: memref<!tpu.dma_semaphore, #tpu.memory_space<semaphore_mem>>) attributes {dimension_semantics = [#tpu.dimension_semantics<core_parallel>, #tpu.dimension_semantics<subcore_parallel>], iteration_bounds = array<i64: 2, 16>, scalar_prefetch = 0 : i64, scratch_operands = 12 : i64, tpu.core_type = #tpu.core_type<sc_vector_subcore>, window_params = [{transform_indices = #map}, {transform_indices = #map1}, {transform_indices = #map}, {transform_indices = #map}, {transform_indices = #map1}]} {
    %mul3A = arith.constant 2 : i32
    %mul3A_0 = arith.muli %arg1, %mul3A : i32
    %add3A = arith.addi %mul3A_0, %arg0 : i32
    "tpu.region"() ({
      %run_scoped3A = tpu.sem_alloc : memref<!tpu.dma_semaphore, #tpu.memory_space<semaphore_mem>>
      %dma_start3A_61 = arith.constant 0 : i32
      %dma_start3A_62 = arith.constant 0 : i32
      %dma_start3A_63 = tpu.memref_slice %arg3[%add3A, %dma_start3A_61, %dma_start3A_62] : memref<32x80x128xi32, #tpu.memory_space<hbm>> -> memref<1x80x128xi32, #tpu.memory_space<hbm>>
      %dma_start3A_64 = tpu.memref_squeeze %dma_start3A_63 : memref<1x80x128xi32, #tpu.memory_space<hbm>> -> memref<80x128xi32, #tpu.memory_space<hbm>>
      %dma_start3A_65 = arith.constant 0 : i32
      %dma_start3A_66 = arith.constant 0 : i32
      %dma_start3A_67 = tpu.memref_slice %arg3[%add3A, %dma_start3A_65, %dma_start3A_66] : memref<32x80x128xi32, #tpu.memory_space<hbm>> -> memref<1x80x128xi32, #tpu.memory_space<hbm>>
      %dma_start3A_68 = tpu.memref_squeeze %dma_start3A_67 : memref<1x80x128xi32, #tpu.memory_space<hbm>> -> memref<80x128xi32, #tpu.memory_space<hbm>>
      tpu.enqueue_dma source(%dma_start3A_68 : memref<80x128xi32, #tpu.memory_space<hbm>>) target(%arg7 : memref<80x128xi32, #tpu.memory_space<vmem>>) target_semaphore(%run_scoped3A : memref<!tpu.dma_semaphore, #tpu.memory_space<semaphore_mem>>)
      %dma_wait3A_69 = arith.constant 0 : i32
      %dma_wait3A_70 = arith.constant 0 : i32
      %dma_wait3A_71 = tpu.memref_slice %arg3[%add3A, %dma_wait3A_69, %dma_wait3A_70] : memref<32x80x128xi32, #tpu.memory_space<hbm>> -> memref<1x80x128xi32, #tpu.memory_space<hbm>>
      %dma_wait3A_72 = tpu.memref_squeeze %dma_wait3A_71 : memref<1x80x128xi32, #tpu.memory_space<hbm>> -> memref<80x128xi32, #tpu.memory_space<hbm>>
      %dma_wait3A_73 = arith.constant 0 : i32
      %dma_wait3A_74 = arith.constant 0 : i32
      %dma_wait3A_75 = tpu.memref_slice %arg3[%add3A, %dma_wait3A_73, %dma_wait3A_74] : memref<32x80x128xi32, #tpu.memory_space<hbm>> -> memref<1x80x128xi32, #tpu.memory_space<hbm>>
      %dma_wait3A_76 = tpu.memref_squeeze %dma_wait3A_75 : memref<1x80x128xi32, #tpu.memory_space<hbm>> -> memref<80x128xi32, #tpu.memory_space<hbm>>
      tpu.wait_dma2 semaphore(%run_scoped3A : memref<!tpu.dma_semaphore, #tpu.memory_space<semaphore_mem>>) src(%dma_wait3A_76 : memref<80x128xi32, #tpu.memory_space<hbm>>) dst(%arg7 : memref<80x128xi32, #tpu.memory_space<vmem>>)
      tpu.yield
    }) : () -> ()
    %rem3A = arith.constant 0 : i32
    %rem3A_1 = arith.constant 80 : i32
    %rem3A_2 = arith.remsi %rem3A, %rem3A_1 : i32
    %mul3A_3 = arith.constant 128 : i32
    %mul3A_4 = arith.muli %rem3A_2, %mul3A_3 : i32
    %dma_start3A = arith.constant 0 : i32
    %dma_start3A_5 = tpu.memref_slice %arg7[%rem3A_2, %dma_start3A] : memref<80x128xi32, #tpu.memory_space<vmem>> -> memref<1x128xi32, #tpu.memory_space<vmem>>
    %dma_start3A_6 = tpu.memref_squeeze %dma_start3A_5 : memref<1x128xi32, #tpu.memory_space<vmem>> -> memref<128xi32, #tpu.memory_space<vmem>>
    %dma_start3A_7 = arith.constant 0 : i32
    %dma_start3A_8 = arith.constant 0 : i32
    %dma_start3A_9 = tpu.memref_slice %arg2[%dma_start3A_7, %dma_start3A_8] : memref<10240x128xf32, #tpu.memory_space<hbm>> -> memref<10240x128xf32, #tpu.memory_space<hbm>>
    tpu.enqueue_indirect_dma source(%dma_start3A_9 : memref<10240x128xf32, #tpu.memory_space<hbm>>) target(%arg12 : memref<128x128xf32, #tpu.memory_space<vmem>>) offsets(%dma_start3A_6 : memref<128xi32, #tpu.memory_space<vmem>>) semaphore(%arg15 : memref<!tpu.dma_semaphore, #tpu.memory_space<semaphore_mem>>)
    %dma_start3A_10 = tpu.memref_slice %arg4[%add3A, %mul3A_4] : memref<32x10240xi32, #tpu.memory_space<hbm>> -> memref<1x128xi32, #tpu.memory_space<hbm>>
    %dma_start3A_11 = tpu.memref_squeeze %dma_start3A_10 : memref<1x128xi32, #tpu.memory_space<hbm>> -> memref<128xi32, #tpu.memory_space<hbm>>
    %dma_start3A_12 = tpu.memref_slice %arg4[%add3A, %mul3A_4] : memref<32x10240xi32, #tpu.memory_space<hbm>> -> memref<1x128xi32, #tpu.memory_space<hbm>>
    %dma_start3A_13 = tpu.memref_squeeze %dma_start3A_12 : memref<1x128xi32, #tpu.memory_space<hbm>> -> memref<128xi32, #tpu.memory_space<hbm>>
    tpu.enqueue_dma source(%dma_start3A_13 : memref<128xi32, #tpu.memory_space<hbm>>) target(%arg8 : memref<128xi32, #tpu.memory_space<vmem>>) target_semaphore(%arg17 : memref<!tpu.dma_semaphore, #tpu.memory_space<semaphore_mem>>)
    %dma_start3A_14 = tpu.memref_slice %arg5[%add3A, %mul3A_4] : memref<32x10240xf32, #tpu.memory_space<hbm>> -> memref<1x128xf32, #tpu.memory_space<hbm>>
    %dma_start3A_15 = tpu.memref_squeeze %dma_start3A_14 : memref<1x128xf32, #tpu.memory_space<hbm>> -> memref<128xf32, #tpu.memory_space<hbm>>
    %dma_start3A_16 = tpu.memref_slice %arg5[%add3A, %mul3A_4] : memref<32x10240xf32, #tpu.memory_space<hbm>> -> memref<1x128xf32, #tpu.memory_space<hbm>>
    %dma_start3A_17 = tpu.memref_squeeze %dma_start3A_16 : memref<1x128xf32, #tpu.memory_space<hbm>> -> memref<128xf32, #tpu.memory_space<hbm>>
    tpu.enqueue_dma source(%dma_start3A_17 : memref<128xf32, #tpu.memory_space<hbm>>) target(%arg10 : memref<128xf32, #tpu.memory_space<vmem>>) target_semaphore(%arg17 : memref<!tpu.dma_semaphore, #tpu.memory_space<semaphore_mem>>)
    %broadcast_in_dim3A = arith.constant 0.000000e+00 : f32
    %broadcast_in_dim3A_18 = vector.broadcast %broadcast_in_dim3A : f32 to vector<16xf32>
    %scan3A = arith.constant 0 : i32
    %scan3A_19 = arith.constant 128 : i32
    %scan3A_20 = arith.addi %scan3A, %scan3A_19 : i32
    %scan3A_21 = arith.constant 1 : i32
    scf.for %scan3A_61 = %scan3A to %scan3A_20 step %scan3A_21  : i32 {
      %mul3A_62 = arith.constant 1 : i32
      %mul3A_63 = arith.muli %scan3A_61, %mul3A_62 : i32
      %add3A_64 = arith.constant 0 : i32
      %add3A_65 = arith.addi %add3A_64, %mul3A_63 : i32
      %swap3A = arith.index_cast %add3A_65 : i32 to index
      %swap3A_66 = arith.constant 0 : index
      %swap3A_67 = tpu.vector_load %arg13[%swap3A, %swap3A_66] {strides = array<i32>} : memref<128x128xf32, #tpu.memory_space<vmem>>, vector<16xf32>,
      tpu.vector_store %arg13[%swap3A, %swap3A_66], %broadcast_in_dim3A_18 {strides = array<i32>} : memref<128x128xf32, #tpu.memory_space<vmem>>, vector<16xf32>,
      %swap3A_68 = arith.index_cast %add3A_65 : i32 to index
      %swap3A_69 = arith.constant 16 : index
      %swap3A_70 = tpu.vector_load %arg13[%swap3A_68, %swap3A_69] {strides = array<i32>} : memref<128x128xf32, #tpu.memory_space<vmem>>, vector<16xf32>,
      tpu.vector_store %arg13[%swap3A_68, %swap3A_69], %broadcast_in_dim3A_18 {strides = array<i32>} : memref<128x128xf32, #tpu.memory_space<vmem>>, vector<16xf32>,
      %swap3A_71 = arith.index_cast %add3A_65 : i32 to index
      %swap3A_72 = arith.constant 32 : index
      %swap3A_73 = tpu.vector_load %arg13[%swap3A_71, %swap3A_72] {strides = array<i32>} : memref<128x128xf32, #tpu.memory_space<vmem>>, vector<16xf32>,
      tpu.vector_store %arg13[%swap3A_71, %swap3A_72], %broadcast_in_dim3A_18 {strides = array<i32>} : memref<128x128xf32, #tpu.memory_space<vmem>>, vector<16xf32>,
      %swap3A_74 = arith.index_cast %add3A_65 : i32 to index
      %swap3A_75 = arith.constant 48 : index
      %swap3A_76 = tpu.vector_load %arg13[%swap3A_74, %swap3A_75] {strides = array<i32>} : memref<128x128xf32, #tpu.memory_space<vmem>>, vector<16xf32>,
      tpu.vector_store %arg13[%swap3A_74, %swap3A_75], %broadcast_in_dim3A_18 {strides = array<i32>} : memref<128x128xf32, #tpu.memory_space<vmem>>, vector<16xf32>,
      %swap3A_77 = arith.index_cast %add3A_65 : i32 to index
      %swap3A_78 = arith.constant 64 : index
      %swap3A_79 = tpu.vector_load %arg13[%swap3A_77, %swap3A_78] {strides = array<i32>} : memref<128x128xf32, #tpu.memory_space<vmem>>, vector<16xf32>,
      tpu.vector_store %arg13[%swap3A_77, %swap3A_78], %broadcast_in_dim3A_18 {strides = array<i32>} : memref<128x128xf32, #tpu.memory_space<vmem>>, vector<16xf32>,
      %swap3A_80 = arith.index_cast %add3A_65 : i32 to index
      %swap3A_81 = arith.constant 80 : index
      %swap3A_82 = tpu.vector_load %arg13[%swap3A_80, %swap3A_81] {strides = array<i32>} : memref<128x128xf32, #tpu.memory_space<vmem>>, vector<16xf32>,
      tpu.vector_store %arg13[%swap3A_80, %swap3A_81], %broadcast_in_dim3A_18 {strides = array<i32>} : memref<128x128xf32, #tpu.memory_space<vmem>>, vector<16xf32>,
      %swap3A_83 = arith.index_cast %add3A_65 : i32 to index
      %swap3A_84 = arith.constant 96 : index
      %swap3A_85 = tpu.vector_load %arg13[%swap3A_83, %swap3A_84] {strides = array<i32>} : memref<128x128xf32, #tpu.memory_space<vmem>>, vector<16xf32>,
      tpu.vector_store %arg13[%swap3A_83, %swap3A_84], %broadcast_in_dim3A_18 {strides = array<i32>} : memref<128x128xf32, #tpu.memory_space<vmem>>, vector<16xf32>,
      %swap3A_86 = arith.index_cast %add3A_65 : i32 to index
      %swap3A_87 = arith.constant 112 : index
      %swap3A_88 = tpu.vector_load %arg13[%swap3A_86, %swap3A_87] {strides = array<i32>} : memref<128x128xf32, #tpu.memory_space<vmem>>, vector<16xf32>,
      tpu.vector_store %arg13[%swap3A_86, %swap3A_87], %broadcast_in_dim3A_18 {strides = array<i32>} : memref<128x128xf32, #tpu.memory_space<vmem>>, vector<16xf32>,
    }
    %scan3A_22 = arith.constant 128 : i32
    %mul3A_23 = arith.constant 640 : i32
    %mul3A_24 = arith.muli %arg1, %mul3A_23 : i32
    %add3A_25 = arith.constant 0 : i32
    %add3A_26 = arith.addi %mul3A_24, %add3A_25 : i32
    "tpu.region"() ({
      %run_scoped3A = tpu.sem_alloc : memref<!tpu.dma_semaphore, #tpu.memory_space<semaphore_mem>>
      %dma_start3A_61 = arith.constant 0 : i32
      %dma_start3A_62 = tpu.memref_slice %arg14[%add3A_26, %dma_start3A_61] : memref<10240x128xf32, #tpu.memory_space<vmem_shared>> -> memref<128x128xf32, #tpu.memory_space<vmem_shared>>
      %dma_start3A_63 = arith.constant 0 : i32
      %dma_start3A_64 = tpu.memref_slice %arg14[%add3A_26, %dma_start3A_63] : memref<10240x128xf32, #tpu.memory_space<vmem_shared>> -> memref<128x128xf32, #tpu.memory_space<vmem_shared>>
      tpu.enqueue_dma source(%arg13 : memref<128x128xf32, #tpu.memory_space<vmem>>) target(%dma_start3A_64 : memref<128x128xf32, #tpu.memory_space<vmem_shared>>) target_semaphore(%run_scoped3A : memref<!tpu.dma_semaphore, #tpu.memory_space<semaphore_mem>>)
      %dma_wait3A_65 = arith.constant 0 : i32
      %dma_wait3A_66 = tpu.memref_slice %arg14[%add3A_26, %dma_wait3A_65] : memref<10240x128xf32, #tpu.memory_space<vmem_shared>> -> memref<128x128xf32, #tpu.memory_space<vmem_shared>>
      %dma_wait3A_67 = arith.constant 0 : i32
      %dma_wait3A_68 = tpu.memref_slice %arg14[%add3A_26, %dma_wait3A_67] : memref<10240x128xf32, #tpu.memory_space<vmem_shared>> -> memref<128x128xf32, #tpu.memory_space<vmem_shared>>
      tpu.wait_dma2 semaphore(%run_scoped3A : memref<!tpu.dma_semaphore, #tpu.memory_space<semaphore_mem>>) src(%arg13 : memref<128x128xf32, #tpu.memory_space<vmem>>) dst(%dma_wait3A_68 : memref<128x128xf32, #tpu.memory_space<vmem_shared>>)
      tpu.yield
    }) : () -> ()
    %add3A_27 = arith.constant 128 : i32
    %add3A_28 = arith.addi %mul3A_24, %add3A_27 : i32
    "tpu.region"() ({
      %run_scoped3A = tpu.sem_alloc : memref<!tpu.dma_semaphore, #tpu.memory_space<semaphore_mem>>
      %dma_start3A_61 = arith.constant 0 : i32
      %dma_start3A_62 = tpu.memref_slice %arg14[%add3A_28, %dma_start3A_61] : memref<10240x128xf32, #tpu.memory_space<vmem_shared>> -> memref<128x128xf32, #tpu.memory_space<vmem_shared>>
      %dma_start3A_63 = arith.constant 0 : i32
      %dma_start3A_64 = tpu.memref_slice %arg14[%add3A_28, %dma_start3A_63] : memref<10240x128xf32, #tpu.memory_space<vmem_shared>> -> memref<128x128xf32, #tpu.memory_space<vmem_shared>>
      tpu.enqueue_dma source(%arg13 : memref<128x128xf32, #tpu.memory_space<vmem>>) target(%dma_start3A_64 : memref<128x128xf32, #tpu.memory_space<vmem_shared>>) target_semaphore(%run_scoped3A : memref<!tpu.dma_semaphore, #tpu.memory_space<semaphore_mem>>)
      %dma_wait3A_65 = arith.constant 0 : i32
      %dma_wait3A_66 = tpu.memref_slice %arg14[%add3A_28, %dma_wait3A_65] : memref<10240x128xf32, #tpu.memory_space<vmem_shared>> -> memref<128x128xf32, #tpu.memory_space<vmem_shared>>
      %dma_wait3A_67 = arith.constant 0 : i32
      %dma_wait3A_68 = tpu.memref_slice %arg14[%add3A_28, %dma_wait3A_67] : memref<10240x128xf32, #tpu.memory_space<vmem_shared>> -> memref<128x128xf32, #tpu.memory_space<vmem_shared>>
      tpu.wait_dma2 semaphore(%run_scoped3A : memref<!tpu.dma_semaphore, #tpu.memory_space<semaphore_mem>>) src(%arg13 : memref<128x128xf32, #tpu.memory_space<vmem>>) dst(%dma_wait3A_68 : memref<128x128xf32, #tpu.memory_space<vmem_shared>>)
      tpu.yield
    }) : () -> ()
    %add3A_29 = arith.constant 256 : i32
    %add3A_30 = arith.addi %mul3A_24, %add3A_29 : i32
    "tpu.region"() ({
      %run_scoped3A = tpu.sem_alloc : memref<!tpu.dma_semaphore, #tpu.memory_space<semaphore_mem>>
      %dma_start3A_61 = arith.constant 0 : i32
      %dma_start3A_62 = tpu.memref_slice %arg14[%add3A_30, %dma_start3A_61] : memref<10240x128xf32, #tpu.memory_space<vmem_shared>> -> memref<128x128xf32, #tpu.memory_space<vmem_shared>>
      %dma_start3A_63 = arith.constant 0 : i32
      %dma_start3A_64 = tpu.memref_slice %arg14[%add3A_30, %dma_start3A_63] : memref<10240x128xf32, #tpu.memory_space<vmem_shared>> -> memref<128x128xf32, #tpu.memory_space<vmem_shared>>
      tpu.enqueue_dma source(%arg13 : memref<128x128xf32, #tpu.memory_space<vmem>>) target(%dma_start3A_64 : memref<128x128xf32, #tpu.memory_space<vmem_shared>>) target_semaphore(%run_scoped3A : memref<!tpu.dma_semaphore, #tpu.memory_space<semaphore_mem>>)
      %dma_wait3A_65 = arith.constant 0 : i32
      %dma_wait3A_66 = tpu.memref_slice %arg14[%add3A_30, %dma_wait3A_65] : memref<10240x128xf32, #tpu.memory_space<vmem_shared>> -> memref<128x128xf32, #tpu.memory_space<vmem_shared>>
      %dma_wait3A_67 = arith.constant 0 : i32
      %dma_wait3A_68 = tpu.memref_slice %arg14[%add3A_30, %dma_wait3A_67] : memref<10240x128xf32, #tpu.memory_space<vmem_shared>> -> memref<128x128xf32, #tpu.memory_space<vmem_shared>>
      tpu.wait_dma2 semaphore(%run_scoped3A : memref<!tpu.dma_semaphore, #tpu.memory_space<semaphore_mem>>) src(%arg13 : memref<128x128xf32, #tpu.memory_space<vmem>>) dst(%dma_wait3A_68 : memref<128x128xf32, #tpu.memory_space<vmem_shared>>)
      tpu.yield
    }) : () -> ()
    %add3A_31 = arith.constant 384 : i32
    %add3A_32 = arith.addi %mul3A_24, %add3A_31 : i32
    "tpu.region"() ({
      %run_scoped3A = tpu.sem_alloc : memref<!tpu.dma_semaphore, #tpu.memory_space<semaphore_mem>>
      %dma_start3A_61 = arith.constant 0 : i32
      %dma_start3A_62 = tpu.memref_slice %arg14[%add3A_32, %dma_start3A_61] : memref<10240x128xf32, #tpu.memory_space<vmem_shared>> -> memref<128x128xf32, #tpu.memory_space<vmem_shared>>
      %dma_start3A_63 = arith.constant 0 : i32
      %dma_start3A_64 = tpu.memref_slice %arg14[%add3A_32, %dma_start3A_63] : memref<10240x128xf32, #tpu.memory_space<vmem_shared>> -> memref<128x128xf32, #tpu.memory_space<vmem_shared>>
      tpu.enqueue_dma source(%arg13 : memref<128x128xf32, #tpu.memory_space<vmem>>) target(%dma_start3A_64 : memref<128x128xf32, #tpu.memory_space<vmem_shared>>) target_semaphore(%run_scoped3A : memref<!tpu.dma_semaphore, #tpu.memory_space<semaphore_mem>>)
      %dma_wait3A_65 = arith.constant 0 : i32
      %dma_wait3A_66 = tpu.memref_slice %arg14[%add3A_32, %dma_wait3A_65] : memref<10240x128xf32, #tpu.memory_space<vmem_shared>> -> memref<128x128xf32, #tpu.memory_space<vmem_shared>>
      %dma_wait3A_67 = arith.constant 0 : i32
      %dma_wait3A_68 = tpu.memref_slice %arg14[%add3A_32, %dma_wait3A_67] : memref<10240x128xf32, #tpu.memory_space<vmem_shared>> -> memref<128x128xf32, #tpu.memory_space<vmem_shared>>
      tpu.wait_dma2 semaphore(%run_scoped3A : memref<!tpu.dma_semaphore, #tpu.memory_space<semaphore_mem>>) src(%arg13 : memref<128x128xf32, #tpu.memory_space<vmem>>) dst(%dma_wait3A_68 : memref<128x128xf32, #tpu.memory_space<vmem_shared>>)
      tpu.yield
    }) : () -> ()
    %add3A_33 = arith.constant 512 : i32
    %add3A_34 = arith.addi %mul3A_24, %add3A_33 : i32
    "tpu.region"() ({
      %run_scoped3A = tpu.sem_alloc : memref<!tpu.dma_semaphore, #tpu.memory_space<semaphore_mem>>
      %dma_start3A_61 = arith.constant 0 : i32
      %dma_start3A_62 = tpu.memref_slice %arg14[%add3A_34, %dma_start3A_61] : memref<10240x128xf32, #tpu.memory_space<vmem_shared>> -> memref<128x128xf32, #tpu.memory_space<vmem_shared>>
      %dma_start3A_63 = arith.constant 0 : i32
      %dma_start3A_64 = tpu.memref_slice %arg14[%add3A_34, %dma_start3A_63] : memref<10240x128xf32, #tpu.memory_space<vmem_shared>> -> memref<128x128xf32, #tpu.memory_space<vmem_shared>>
      tpu.enqueue_dma source(%arg13 : memref<128x128xf32, #tpu.memory_space<vmem>>) target(%dma_start3A_64 : memref<128x128xf32, #tpu.memory_space<vmem_shared>>) target_semaphore(%run_scoped3A : memref<!tpu.dma_semaphore, #tpu.memory_space<semaphore_mem>>)
      %dma_wait3A_65 = arith.constant 0 : i32
      %dma_wait3A_66 = tpu.memref_slice %arg14[%add3A_34, %dma_wait3A_65] : memref<10240x128xf32, #tpu.memory_space<vmem_shared>> -> memref<128x128xf32, #tpu.memory_space<vmem_shared>>
      %dma_wait3A_67 = arith.constant 0 : i32
      %dma_wait3A_68 = tpu.memref_slice %arg14[%add3A_34, %dma_wait3A_67] : memref<10240x128xf32, #tpu.memory_space<vmem_shared>> -> memref<128x128xf32, #tpu.memory_space<vmem_shared>>
      tpu.wait_dma2 semaphore(%run_scoped3A : memref<!tpu.dma_semaphore, #tpu.memory_space<semaphore_mem>>) src(%arg13 : memref<128x128xf32, #tpu.memory_space<vmem>>) dst(%dma_wait3A_68 : memref<128x128xf32, #tpu.memory_space<vmem_shared>>)
      tpu.yield
    }) : () -> ()
    %barrier3A = arith.constant 0 : index
    tpu.barrier barrier_id(%barrier3A)
    %scan3A_35 = arith.constant 0 : i32
    %scan3A_36 = arith.constant 40 : i32
    %scan3A_37 = arith.addi %scan3A_35, %scan3A_36 : i32
    %scan3A_38 = arith.constant 1 : i32
    scf.for %scan3A_61 = %scan3A_35 to %scan3A_37 step %scan3A_38  : i32 {
      %mul3A_62 = arith.constant 2 : i32
      %mul3A_63 = arith.muli %scan3A_61, %mul3A_62 : i32
      %add3A_64 = arith.constant 0 : i32
      %add3A_65 = arith.addi %add3A_64, %mul3A_63 : i32
      %add3A_66 = arith.constant 1 : i32
      %add3A_67 = arith.addi %add3A_65, %add3A_66 : i32
      %rem3A_68 = arith.constant 80 : i32
      %rem3A_69 = arith.remsi %add3A_67, %rem3A_68 : i32
      %mul3A_70 = arith.constant 128 : i32
      %mul3A_71 = arith.muli %rem3A_69, %mul3A_70 : i32
      %dma_start3A_72 = arith.constant 0 : i32
      %dma_start3A_73 = tpu.memref_slice %arg7[%rem3A_69, %dma_start3A_72] : memref<80x128xi32, #tpu.memory_space<vmem>> -> memref<1x128xi32, #tpu.memory_space<vmem>>
      %dma_start3A_74 = tpu.memref_squeeze %dma_start3A_73 : memref<1x128xi32, #tpu.memory_space<vmem>> -> memref<128xi32, #tpu.memory_space<vmem>>
      %dma_start3A_75 = arith.constant 0 : i32
      %dma_start3A_76 = arith.constant 0 : i32
      %dma_start3A_77 = tpu.memref_slice %arg2[%dma_start3A_75, %dma_start3A_76] : memref<10240x128xf32, #tpu.memory_space<hbm>> -> memref<10240x128xf32, #tpu.memory_space<hbm>>
      tpu.enqueue_indirect_dma source(%dma_start3A_77 : memref<10240x128xf32, #tpu.memory_space<hbm>>) target(%arg13 : memref<128x128xf32, #tpu.memory_space<vmem>>) offsets(%dma_start3A_74 : memref<128xi32, #tpu.memory_space<vmem>>) semaphore(%arg16 : memref<!tpu.dma_semaphore, #tpu.memory_space<semaphore_mem>>)
      %dma_start3A_78 = tpu.memref_slice %arg4[%add3A, %mul3A_71] : memref<32x10240xi32, #tpu.memory_space<hbm>> -> memref<1x128xi32, #tpu.memory_space<hbm>>
      %dma_start3A_79 = tpu.memref_squeeze %dma_start3A_78 : memref<1x128xi32, #tpu.memory_space<hbm>> -> memref<128xi32, #tpu.memory_space<hbm>>
      %dma_start3A_80 = tpu.memref_slice %arg4[%add3A, %mul3A_71] : memref<32x10240xi32, #tpu.memory_space<hbm>> -> memref<1x128xi32, #tpu.memory_space<hbm>>
      %dma_start3A_81 = tpu.memref_squeeze %dma_start3A_80 : memref<1x128xi32, #tpu.memory_space<hbm>> -> memref<128xi32, #tpu.memory_space<hbm>>
      tpu.enqueue_dma source(%dma_start3A_81 : memref<128xi32, #tpu.memory_space<hbm>>) target(%arg9 : memref<128xi32, #tpu.memory_space<vmem>>) target_semaphore(%arg18 : memref<!tpu.dma_semaphore, #tpu.memory_space<semaphore_mem>>)
      %dma_start3A_82 = tpu.memref_slice %arg5[%add3A, %mul3A_71] : memref<32x10240xf32, #tpu.memory_space<hbm>> -> memref<1x128xf32, #tpu.memory_space<hbm>>
      %dma_start3A_83 = tpu.memref_squeeze %dma_start3A_82 : memref<1x128xf32, #tpu.memory_space<hbm>> -> memref<128xf32, #tpu.memory_space<hbm>>
      %dma_start3A_84 = tpu.memref_slice %arg5[%add3A, %mul3A_71] : memref<32x10240xf32, #tpu.memory_space<hbm>> -> memref<1x128xf32, #tpu.memory_space<hbm>>
      %dma_start3A_85 = tpu.memref_squeeze %dma_start3A_84 : memref<1x128xf32, #tpu.memory_space<hbm>> -> memref<128xf32, #tpu.memory_space<hbm>>
      tpu.enqueue_dma source(%dma_start3A_85 : memref<128xf32, #tpu.memory_space<hbm>>) target(%arg11 : memref<128xf32, #tpu.memory_space<vmem>>) target_semaphore(%arg18 : memref<!tpu.dma_semaphore, #tpu.memory_space<semaphore_mem>>)
      %dma_wait3A_86 = arith.constant 0 : i32
      %dma_wait3A_87 = arith.constant 0 : i32
      %dma_wait3A_88 = tpu.memref_slice %arg7[%dma_wait3A_86, %dma_wait3A_87] : memref<80x128xi32, #tpu.memory_space<vmem>> -> memref<1x128xi32, #tpu.memory_space<vmem>>
      %dma_wait3A_89 = tpu.memref_squeeze %dma_wait3A_88 : memref<1x128xi32, #tpu.memory_space<vmem>> -> memref<128xi32, #tpu.memory_space<vmem>>
      %dma_wait3A_90 = arith.constant 0 : i32
      %dma_wait3A_91 = arith.constant 0 : i32
      %dma_wait3A_92 = tpu.memref_slice %arg2[%dma_wait3A_90, %dma_wait3A_91] : memref<10240x128xf32, #tpu.memory_space<hbm>> -> memref<10240x128xf32, #tpu.memory_space<hbm>>
      tpu.wait_indirect_dma semaphore(%arg15 : memref<!tpu.dma_semaphore, #tpu.memory_space<semaphore_mem>>) src(%dma_wait3A_92 : memref<10240x128xf32, #tpu.memory_space<hbm>>) dst(%arg12 : memref<128x128xf32, #tpu.memory_space<vmem>>)
      %dma_wait3A_93 = arith.constant 0 : i32
      %dma_wait3A_94 = arith.constant 0 : i32
      %dma_wait3A_95 = tpu.memref_slice %arg4[%dma_wait3A_93, %dma_wait3A_94] : memref<32x10240xi32, #tpu.memory_space<hbm>> -> memref<1x128xi32, #tpu.memory_space<hbm>>
      %dma_wait3A_96 = tpu.memref_squeeze %dma_wait3A_95 : memref<1x128xi32, #tpu.memory_space<hbm>> -> memref<128xi32, #tpu.memory_space<hbm>>
      %dma_wait3A_97 = arith.constant 0 : i32
      %dma_wait3A_98 = tpu.memref_slice %arg4[%dma_wait3A_93, %dma_wait3A_97] : memref<32x10240xi32, #tpu.memory_space<hbm>> -> memref<1x128xi32, #tpu.memory_space<hbm>>
      %dma_wait3A_99 = tpu.memref_squeeze %dma_wait3A_98 : memref<1x128xi32, #tpu.memory_space<hbm>> -> memref<128xi32, #tpu.memory_space<hbm>>
      tpu.wait_dma2 semaphore(%arg17 : memref<!tpu.dma_semaphore, #tpu.memory_space<semaphore_mem>>) src(%dma_wait3A_99 : memref<128xi32, #tpu.memory_space<hbm>>) dst(%arg8 : memref<128xi32, #tpu.memory_space<vmem>>)
      %dma_wait3A_100 = arith.constant 0 : i32
      %dma_wait3A_101 = arith.constant 0 : i32
      %dma_wait3A_102 = tpu.memref_slice %arg5[%dma_wait3A_100, %dma_wait3A_101] : memref<32x10240xf32, #tpu.memory_space<hbm>> -> memref<1x128xf32, #tpu.memory_space<hbm>>
      %dma_wait3A_103 = tpu.memref_squeeze %dma_wait3A_102 : memref<1x128xf32, #tpu.memory_space<hbm>> -> memref<128xf32, #tpu.memory_space<hbm>>
      %dma_wait3A_104 = arith.constant 0 : i32
      %dma_wait3A_105 = tpu.memref_slice %arg5[%dma_wait3A_100, %dma_wait3A_104] : memref<32x10240xf32, #tpu.memory_space<hbm>> -> memref<1x128xf32, #tpu.memory_space<hbm>>
      %dma_wait3A_106 = tpu.memref_squeeze %dma_wait3A_105 : memref<1x128xf32, #tpu.memory_space<hbm>> -> memref<128xf32, #tpu.memory_space<hbm>>
      tpu.wait_dma2 semaphore(%arg17 : memref<!tpu.dma_semaphore, #tpu.memory_space<semaphore_mem>>) src(%dma_wait3A_106 : memref<128xf32, #tpu.memory_space<hbm>>) dst(%arg10 : memref<128xf32, #tpu.memory_space<vmem>>)
      %scan3A_107 = arith.constant 0 : i32
      %scan3A_108 = arith.constant 32 : i32
      %scan3A_109 = arith.addi %scan3A_107, %scan3A_108 : i32
      %scan3A_110 = arith.constant 1 : i32
      scf.for %scan3A_158 = %scan3A_107 to %scan3A_109 step %scan3A_110  : i32 {
        %mul3A_159 = arith.constant 4 : i32
        %mul3A_160 = arith.muli %scan3A_158, %mul3A_159 : i32
        %add3A_161 = arith.constant 0 : i32
        %add3A_162 = arith.addi %add3A_161, %mul3A_160 : i32
        %add3A_163 = arith.constant 0 : i32
        %add3A_164 = arith.addi %add3A_162, %add3A_163 : i32
        %broadcast_in_dim3A_165 = vector.broadcast %add3A_164 : i32 to vector<16xi32>
        %gather3A = tpu.vector_load_idx %arg10[%broadcast_in_dim3A_165] : memref<128xf32, #tpu.memory_space<vmem>>[vector<16xi32>], vector<16xf32>,
        %get3A = arith.index_cast %add3A_164 : i32 to index
        %get3A_166 = arith.constant 0 : index
        %get3A_167 = tpu.vector_load %arg12[%get3A, %get3A_166] {strides = array<i32>} : memref<128x128xf32, #tpu.memory_space<vmem>>, vector<16xf32>,
        %mul3A_168 = arith.mulf %get3A_167, %gather3A : vector<16xf32>
        %swap3A = arith.index_cast %add3A_164 : i32 to index
        %swap3A_169 = arith.constant 0 : index
        %swap3A_170 = tpu.vector_load %arg12[%swap3A, %swap3A_169] {strides = array<i32>} : memref<128x128xf32, #tpu.memory_space<vmem>>, vector<16xf32>,
        tpu.vector_store %arg12[%swap3A, %swap3A_169], %mul3A_168 {strides = array<i32>} : memref<128x128xf32, #tpu.memory_space<vmem>>, vector<16xf32>,
        %get3A_171 = arith.index_cast %add3A_164 : i32 to index
        %get3A_172 = arith.constant 16 : index
        %get3A_173 = tpu.vector_load %arg12[%get3A_171, %get3A_172] {strides = array<i32>} : memref<128x128xf32, #tpu.memory_space<vmem>>, vector<16xf32>,
        %mul3A_174 = arith.mulf %get3A_173, %gather3A : vector<16xf32>
        %swap3A_175 = arith.index_cast %add3A_164 : i32 to index
        %swap3A_176 = arith.constant 16 : index
        %swap3A_177 = tpu.vector_load %arg12[%swap3A_175, %swap3A_176] {strides = array<i32>} : memref<128x128xf32, #tpu.memory_space<vmem>>, vector<16xf32>,
        tpu.vector_store %arg12[%swap3A_175, %swap3A_176], %mul3A_174 {strides = array<i32>} : memref<128x128xf32, #tpu.memory_space<vmem>>, vector<16xf32>,
        %get3A_178 = arith.index_cast %add3A_164 : i32 to index
        %get3A_179 = arith.constant 32 : index
        %get3A_180 = tpu.vector_load %arg12[%get3A_178, %get3A_179] {strides = array<i32>} : memref<128x128xf32, #tpu.memory_space<vmem>>, vector<16xf32>,
        %mul3A_181 = arith.mulf %get3A_180, %gather3A : vector<16xf32>
        %swap3A_182 = arith.index_cast %add3A_164 : i32 to index
        %swap3A_183 = arith.constant 32 : index
        %swap3A_184 = tpu.vector_load %arg12[%swap3A_182, %swap3A_183] {strides = array<i32>} : memref<128x128xf32, #tpu.memory_space<vmem>>, vector<16xf32>,
        tpu.vector_store %arg12[%swap3A_182, %swap3A_183], %mul3A_181 {strides = array<i32>} : memref<128x128xf32, #tpu.memory_space<vmem>>, vector<16xf32>,
        %get3A_185 = arith.index_cast %add3A_164 : i32 to index
        %get3A_186 = arith.constant 48 : index
        %get3A_187 = tpu.vector_load %arg12[%get3A_185, %get3A_186] {strides = array<i32>} : memref<128x128xf32, #tpu.memory_space<vmem>>, vector<16xf32>,
        %mul3A_188 = arith.mulf %get3A_187, %gather3A : vector<16xf32>
        %swap3A_189 = arith.index_cast %add3A_164 : i32 to index
        %swap3A_190 = arith.constant 48 : index
        %swap3A_191 = tpu.vector_load %arg12[%swap3A_189, %swap3A_190] {strides = array<i32>} : memref<128x128xf32, #tpu.memory_space<vmem>>, vector<16xf32>,
        tpu.vector_store %arg12[%swap3A_189, %swap3A_190], %mul3A_188 {strides = array<i32>} : memref<128x128xf32, #tpu.memory_space<vmem>>, vector<16xf32>,
        %get3A_192 = arith.index_cast %add3A_164 : i32 to index
        %get3A_193 = arith.constant 64 : index
        %get3A_194 = tpu.vector_load %arg12[%get3A_192, %get3A_193] {strides = array<i32>} : memref<128x128xf32, #tpu.memory_space<vmem>>, vector<16xf32>,
        %mul3A_195 = arith.mulf %get3A_194, %gather3A : vector<16xf32>
        %swap3A_196 = arith.index_cast %add3A_164 : i32 to index
        %swap3A_197 = arith.constant 64 : index
        %swap3A_198 = tpu.vector_load %arg12[%swap3A_196, %swap3A_197] {strides = array<i32>} : memref<128x128xf32, #tpu.memory_space<vmem>>, vector<16xf32>,
        tpu.vector_store %arg12[%swap3A_196, %swap3A_197], %mul3A_195 {strides = array<i32>} : memref<128x128xf32, #tpu.memory_space<vmem>>, vector<16xf32>,
        %get3A_199 = arith.index_cast %add3A_164 : i32 to index
        %get3A_200 = arith.constant 80 : index
        %get3A_201 = tpu.vector_load %arg12[%get3A_199, %get3A_200] {strides = array<i32>} : memref<128x128xf32, #tpu.memory_space<vmem>>, vector<16xf32>,
        %mul3A_202 = arith.mulf %get3A_201, %gather3A : vector<16xf32>
        %swap3A_203 = arith.index_cast %add3A_164 : i32 to index
        %swap3A_204 = arith.constant 80 : index
        %swap3A_205 = tpu.vector_load %arg12[%swap3A_203, %swap3A_204] {strides = array<i32>} : memref<128x128xf32, #tpu.memory_space<vmem>>, vector<16xf32>,
        tpu.vector_store %arg12[%swap3A_203, %swap3A_204], %mul3A_202 {strides = array<i32>} : memref<128x128xf32, #tpu.memory_space<vmem>>, vector<16xf32>,
        %get3A_206 = arith.index_cast %add3A_164 : i32 to index
        %get3A_207 = arith.constant 96 : index
        %get3A_208 = tpu.vector_load %arg12[%get3A_206, %get3A_207] {strides = array<i32>} : memref<128x128xf32, #tpu.memory_space<vmem>>, vector<16xf32>,
        %mul3A_209 = arith.mulf %get3A_208, %gather3A : vector<16xf32>
        %swap3A_210 = arith.index_cast %add3A_164 : i32 to index
        %swap3A_211 = arith.constant 96 : index
        %swap3A_212 = tpu.vector_load %arg12[%swap3A_210, %swap3A_211] {strides = array<i32>} : memref<128x128xf32, #tpu.memory_space<vmem>>, vector<16xf32>,
        tpu.vector_store %arg12[%swap3A_210, %swap3A_211], %mul3A_209 {strides = array<i32>} : memref<128x128xf32, #tpu.memory_space<vmem>>, vector<16xf32>,
        %get3A_213 = arith.index_cast %add3A_164 : i32 to index
        %get3A_214 = arith.constant 112 : index
        %get3A_215 = tpu.vector_load %arg12[%get3A_213, %get3A_214] {strides = array<i32>} : memref<128x128xf32, #tpu.memory_space<vmem>>, vector<16xf32>,
        %mul3A_216 = arith.mulf %get3A_215, %gather3A : vector<16xf32>
        %swap3A_217 = arith.index_cast %add3A_164 : i32 to index
        %swap3A_218 = arith.constant 112 : index
        %swap3A_219 = tpu.vector_load %arg12[%swap3A_217, %swap3A_218] {strides = array<i32>} : memref<128x128xf32, #tpu.memory_space<vmem>>, vector<16xf32>,
        tpu.vector_store %arg12[%swap3A_217, %swap3A_218], %mul3A_216 {strides = array<i32>} : memref<128x128xf32, #tpu.memory_space<vmem>>, vector<16xf32>,
        %add3A_220 = arith.constant 1 : i32
        %add3A_221 = arith.addi %add3A_162, %add3A_220 : i32
        %broadcast_in_dim3A_222 = vector.broadcast %add3A_221 : i32 to vector<16xi32>
        %gather3A_223 = tpu.vector_load_idx %arg10[%broadcast_in_dim3A_222] : memref<128xf32, #tpu.memory_space<vmem>>[vector<16xi32>], vector<16xf32>,
        %get3A_224 = arith.index_cast %add3A_221 : i32 to index
        %get3A_225 = arith.constant 0 : index
        %get3A_226 = tpu.vector_load %arg12[%get3A_224, %get3A_225] {strides = array<i32>} : memref<128x128xf32, #tpu.memory_space<vmem>>, vector<16xf32>,
        %mul3A_227 = arith.mulf %get3A_226, %gather3A_223 : vector<16xf32>
        %swap3A_228 = arith.index_cast %add3A_221 : i32 to index
        %swap3A_229 = arith.constant 0 : index
        %swap3A_230 = tpu.vector_load %arg12[%swap3A_228, %swap3A_229] {strides = array<i32>} : memref<128x128xf32, #tpu.memory_space<vmem>>, vector<16xf32>,
        tpu.vector_store %arg12[%swap3A_228, %swap3A_229], %mul3A_227 {strides = array<i32>} : memref<128x128xf32, #tpu.memory_space<vmem>>, vector<16xf32>,
        %get3A_231 = arith.index_cast %add3A_221 : i32 to index
        %get3A_232 = arith.constant 16 : index
        %get3A_233 = tpu.vector_load %arg12[%get3A_231, %get3A_232] {strides = array<i32>} : memref<128x128xf32, #tpu.memory_space<vmem>>, vector<16xf32>,
        %mul3A_234 = arith.mulf %get3A_233, %gather3A_223 : vector<16xf32>
        %swap3A_235 = arith.index_cast %add3A_221 : i32 to index
        %swap3A_236 = arith.constant 16 : index
        %swap3A_237 = tpu.vector_load %arg12[%swap3A_235, %swap3A_236] {strides = array<i32>} : memref<128x128xf32, #tpu.memory_space<vmem>>, vector<16xf32>,
        tpu.vector_store %arg12[%swap3A_235, %swap3A_236], %mul3A_234 {strides = array<i32>} : memref<128x128xf32, #tpu.memory_space<vmem>>, vector<16xf32>,
        %get3A_238 = arith.index_cast %add3A_221 : i32 to index
        %get3A_239 = arith.constant 32 : index
        %get3A_240 = tpu.vector_load %arg12[%get3A_238, %get3A_239] {strides = array<i32>} : memref<128x128xf32, #tpu.memory_space<vmem>>, vector<16xf32>,
        %mul3A_241 = arith.mulf %get3A_240, %gather3A_223 : vector<16xf32>
        %swap3A_242 = arith.index_cast %add3A_221 : i32 to index
        %swap3A_243 = arith.constant 32 : index
        %swap3A_244 = tpu.vector_load %arg12[%swap3A_242, %swap3A_243] {strides = array<i32>} : memref<128x128xf32, #tpu.memory_space<vmem>>, vector<16xf32>,
        tpu.vector_store %arg12[%swap3A_242, %swap3A_243], %mul3A_241 {strides = array<i32>} : memref<128x128xf32, #tpu.memory_space<vmem>>, vector<16xf32>,
        %get3A_245 = arith.index_cast %add3A_221 : i32 to index
        %get3A_246 = arith.constant 48 : index
        %get3A_247 = tpu.vector_load %arg12[%get3A_245, %get3A_246] {strides = array<i32>} : memref<128x128xf32, #tpu.memory_space<vmem>>, vector<16xf32>,
        %mul3A_248 = arith.mulf %get3A_247, %gather3A_223 : vector<16xf32>
        %swap3A_249 = arith.index_cast %add3A_221 : i32 to index
        %swap3A_250 = arith.constant 48 : index
        %swap3A_251 = tpu.vector_load %arg12[%swap3A_249, %swap3A_250] {strides = array<i32>} : memref<128x128xf32, #tpu.memory_space<vmem>>, vector<16xf32>,
        tpu.vector_store %arg12[%swap3A_249, %swap3A_250], %mul3A_248 {strides = array<i32>} : memref<128x128xf32, #tpu.memory_space<vmem>>, vector<16xf32>,
        %get3A_252 = arith.index_cast %add3A_221 : i32 to index
        %get3A_253 = arith.constant 64 : index
        %get3A_254 = tpu.vector_load %arg12[%get3A_252, %get3A_253] {strides = array<i32>} : memref<128x128xf32, #tpu.memory_space<vmem>>, vector<16xf32>,
        %mul3A_255 = arith.mulf %get3A_254, %gather3A_223 : vector<16xf32>
        %swap3A_256 = arith.index_cast %add3A_221 : i32 to index
        %swap3A_257 = arith.constant 64 : index
        %swap3A_258 = tpu.vector_load %arg12[%swap3A_256, %swap3A_257] {strides = array<i32>} : memref<128x128xf32, #tpu.memory_space<vmem>>, vector<16xf32>,
        tpu.vector_store %arg12[%swap3A_256, %swap3A_257], %mul3A_255 {strides = array<i32>} : memref<128x128xf32, #tpu.memory_space<vmem>>, vector<16xf32>,
        %get3A_259 = arith.index_cast %add3A_221 : i32 to index
        %get3A_260 = arith.constant 80 : index
        %get3A_261 = tpu.vector_load %arg12[%get3A_259, %get3A_260] {strides = array<i32>} : memref<128x128xf32, #tpu.memory_space<vmem>>, vector<16xf32>,
        %mul3A_262 = arith.mulf %get3A_261, %gather3A_223 : vector<16xf32>
        %swap3A_263 = arith.index_cast %add3A_221 : i32 to index
        %swap3A_264 = arith.constant 80 : index
        %swap3A_265 = tpu.vector_load %arg12[%swap3A_263, %swap3A_264] {strides = array<i32>} : memref<128x128xf32, #tpu.memory_space<vmem>>, vector<16xf32>,
        tpu.vector_store %arg12[%swap3A_263, %swap3A_264], %mul3A_262 {strides = array<i32>} : memref<128x128xf32, #tpu.memory_space<vmem>>, vector<16xf32>,
        %get3A_266 = arith.index_cast %add3A_221 : i32 to index
        %get3A_267 = arith.constant 96 : index
        %get3A_268 = tpu.vector_load %arg12[%get3A_266, %get3A_267] {strides = array<i32>} : memref<128x128xf32, #tpu.memory_space<vmem>>, vector<16xf32>,
        %mul3A_269 = arith.mulf %get3A_268, %gather3A_223 : vector<16xf32>
        %swap3A_270 = arith.index_cast %add3A_221 : i32 to index
        %swap3A_271 = arith.constant 96 : index
        %swap3A_272 = tpu.vector_load %arg12[%swap3A_270, %swap3A_271] {strides = array<i32>} : memref<128x128xf32, #tpu.memory_space<vmem>>, vector<16xf32>,
        tpu.vector_store %arg12[%swap3A_270, %swap3A_271], %mul3A_269 {strides = array<i32>} : memref<128x128xf32, #tpu.memory_space<vmem>>, vector<16xf32>,
        %get3A_273 = arith.index_cast %add3A_221 : i32 to index
        %get3A_274 = arith.constant 112 : index
        %get3A_275 = tpu.vector_load %arg12[%get3A_273, %get3A_274] {strides = array<i32>} : memref<128x128xf32, #tpu.memory_space<vmem>>, vector<16xf32>,
        %mul3A_276 = arith.mulf %get3A_275, %gather3A_223 : vector<16xf32>
        %swap3A_277 = arith.index_cast %add3A_221 : i32 to index
        %swap3A_278 = arith.constant 112 : index
        %swap3A_279 = tpu.vector_load %arg12[%swap3A_277, %swap3A_278] {strides = array<i32>} : memref<128x128xf32, #tpu.memory_space<vmem>>, vector<16xf32>,
        tpu.vector_store %arg12[%swap3A_277, %swap3A_278], %mul3A_276 {strides = array<i32>} : memref<128x128xf32, #tpu.memory_space<vmem>>, vector<16xf32>,
        %add3A_280 = arith.constant 2 : i32
        %add3A_281 = arith.addi %add3A_162, %add3A_280 : i32
        %broadcast_in_dim3A_282 = vector.broadcast %add3A_281 : i32 to vector<16xi32>
        %gather3A_283 = tpu.vector_load_idx %arg10[%broadcast_in_dim3A_282] : memref<128xf32, #tpu.memory_space<vmem>>[vector<16xi32>], vector<16xf32>,
        %get3A_284 = arith.index_cast %add3A_281 : i32 to index
        %get3A_285 = arith.constant 0 : index
        %get3A_286 = tpu.vector_load %arg12[%get3A_284, %get3A_285] {strides = array<i32>} : memref<128x128xf32, #tpu.memory_space<vmem>>, vector<16xf32>,
        %mul3A_287 = arith.mulf %get3A_286, %gather3A_283 : vector<16xf32>
        %swap3A_288 = arith.index_cast %add3A_281 : i32 to index
        %swap3A_289 = arith.constant 0 : index
        %swap3A_290 = tpu.vector_load %arg12[%swap3A_288, %swap3A_289] {strides = array<i32>} : memref<128x128xf32, #tpu.memory_space<vmem>>, vector<16xf32>,
        tpu.vector_store %arg12[%swap3A_288, %swap3A_289], %mul3A_287 {strides = array<i32>} : memref<128x128xf32, #tpu.memory_space<vmem>>, vector<16xf32>,
        %get3A_291 = arith.index_cast %add3A_281 : i32 to index
        %get3A_292 = arith.constant 16 : index
        %get3A_293 = tpu.vector_load %arg12[%get3A_291, %get3A_292] {strides = array<i32>} : memref<128x128xf32, #tpu.memory_space<vmem>>, vector<16xf32>,
        %mul3A_294 = arith.mulf %get3A_293, %gather3A_283 : vector<16xf32>
        %swap3A_295 = arith.index_cast %add3A_281 : i32 to index
        %swap3A_296 = arith.constant 16 : index
        %swap3A_297 = tpu.vector_load %arg12[%swap3A_295, %swap3A_296] {strides = array<i32>} : memref<128x128xf32, #tpu.memory_space<vmem>>, vector<16xf32>,
        tpu.vector_store %arg12[%swap3A_295, %swap3A_296], %mul3A_294 {strides = array<i32>} : memref<128x128xf32, #tpu.memory_space<vmem>>, vector<16xf32>,
        %get3A_298 = arith.index_cast %add3A_281 : i32 to index
        %get3A_299 = arith.constant 32 : index
        %get3A_300 = tpu.vector_load %arg12[%get3A_298, %get3A_299] {strides = array<i32>} : memref<128x128xf32, #tpu.memory_space<vmem>>, vector<16xf32>,
        %mul3A_301 = arith.mulf %get3A_300, %gather3A_283 : vector<16xf32>
        %swap3A_302 = arith.index_cast %add3A_281 : i32 to index
        %swap3A_303 = arith.constant 32 : index
        %swap3A_304 = tpu.vector_load %arg12[%swap3A_302, %swap3A_303] {strides = array<i32>} : memref<128x128xf32, #tpu.memory_space<vmem>>, vector<16xf32>,
        tpu.vector_store %arg12[%swap3A_302, %swap3A_303], %mul3A_301 {strides = array<i32>} : memref<128x128xf32, #tpu.memory_space<vmem>>, vector<16xf32>,
        %get3A_305 = arith.index_cast %add3A_281 : i32 to index
        %get3A_306 = arith.constant 48 : index
        %get3A_307 = tpu.vector_load %arg12[%get3A_305, %get3A_306] {strides = array<i32>} : memref<128x128xf32, #tpu.memory_space<vmem>>, vector<16xf32>,
        %mul3A_308 = arith.mulf %get3A_307, %gather3A_283 : vector<16xf32>
        %swap3A_309 = arith.index_cast %add3A_281 : i32 to index
        %swap3A_310 = arith.constant 48 : index
        %swap3A_311 = tpu.vector_load %arg12[%swap3A_309, %swap3A_310] {strides = array<i32>} : memref<128x128xf32, #tpu.memory_space<vmem>>, vector<16xf32>,
        tpu.vector_store %arg12[%swap3A_309, %swap3A_310], %mul3A_308 {strides = array<i32>} : memref<128x128xf32, #tpu.memory_space<vmem>>, vector<16xf32>,
        %get3A_312 = arith.index_cast %add3A_281 : i32 to index
        %get3A_313 = arith.constant 64 : index
        %get3A_314 = tpu.vector_load %arg12[%get3A_312, %get3A_313] {strides = array<i32>} : memref<128x128xf32, #tpu.memory_space<vmem>>, vector<16xf32>,
        %mul3A_315 = arith.mulf %get3A_314, %gather3A_283 : vector<16xf32>
        %swap3A_316 = arith.index_cast %add3A_281 : i32 to index
        %swap3A_317 = arith.constant 64 : index
        %swap3A_318 = tpu.vector_load %arg12[%swap3A_316, %swap3A_317] {strides = array<i32>} : memref<128x128xf32, #tpu.memory_space<vmem>>, vector<16xf32>,
        tpu.vector_store %arg12[%swap3A_316, %swap3A_317], %mul3A_315 {strides = array<i32>} : memref<128x128xf32, #tpu.memory_space<vmem>>, vector<16xf32>,
        %get3A_319 = arith.index_cast %add3A_281 : i32 to index
        %get3A_320 = arith.constant 80 : index
        %get3A_321 = tpu.vector_load %arg12[%get3A_319, %get3A_320] {strides = array<i32>} : memref<128x128xf32, #tpu.memory_space<vmem>>, vector<16xf32>,
        %mul3A_322 = arith.mulf %get3A_321, %gather3A_283 : vector<16xf32>
        %swap3A_323 = arith.index_cast %add3A_281 : i32 to index
        %swap3A_324 = arith.constant 80 : index
        %swap3A_325 = tpu.vector_load %arg12[%swap3A_323, %swap3A_324] {strides = array<i32>} : memref<128x128xf32, #tpu.memory_space<vmem>>, vector<16xf32>,
        tpu.vector_store %arg12[%swap3A_323, %swap3A_324], %mul3A_322 {strides = array<i32>} : memref<128x128xf32, #tpu.memory_space<vmem>>, vector<16xf32>,
        %get3A_326 = arith.index_cast %add3A_281 : i32 to index
        %get3A_327 = arith.constant 96 : index
        %get3A_328 = tpu.vector_load %arg12[%get3A_326, %get3A_327] {strides = array<i32>} : memref<128x128xf32, #tpu.memory_space<vmem>>, vector<16xf32>,
        %mul3A_329 = arith.mulf %get3A_328, %gather3A_283 : vector<16xf32>
        %swap3A_330 = arith.index_cast %add3A_281 : i32 to index
        %swap3A_331 = arith.constant 96 : index
        %swap3A_332 = tpu.vector_load %arg12[%swap3A_330, %swap3A_331] {strides = array<i32>} : memref<128x128xf32, #tpu.memory_space<vmem>>, vector<16xf32>,
        tpu.vector_store %arg12[%swap3A_330, %swap3A_331], %mul3A_329 {strides = array<i32>} : memref<128x128xf32, #tpu.memory_space<vmem>>, vector<16xf32>,
        %get3A_333 = arith.index_cast %add3A_281 : i32 to index
        %get3A_334 = arith.constant 112 : index
        %get3A_335 = tpu.vector_load %arg12[%get3A_333, %get3A_334] {strides = array<i32>} : memref<128x128xf32, #tpu.memory_space<vmem>>, vector<16xf32>,
        %mul3A_336 = arith.mulf %get3A_335, %gather3A_283 : vector<16xf32>
        %swap3A_337 = arith.index_cast %add3A_281 : i32 to index
        %swap3A_338 = arith.constant 112 : index
        %swap3A_339 = tpu.vector_load %arg12[%swap3A_337, %swap3A_338] {strides = array<i32>} : memref<128x128xf32, #tpu.memory_space<vmem>>, vector<16xf32>,
        tpu.vector_store %arg12[%swap3A_337, %swap3A_338], %mul3A_336 {strides = array<i32>} : memref<128x128xf32, #tpu.memory_space<vmem>>, vector<16xf32>,
        %add3A_340 = arith.constant 3 : i32
        %add3A_341 = arith.addi %add3A_162, %add3A_340 : i32
        %broadcast_in_dim3A_342 = vector.broadcast %add3A_341 : i32 to vector<16xi32>
        %gather3A_343 = tpu.vector_load_idx %arg10[%broadcast_in_dim3A_342] : memref<128xf32, #tpu.memory_space<vmem>>[vector<16xi32>], vector<16xf32>,
        %get3A_344 = arith.index_cast %add3A_341 : i32 to index
        %get3A_345 = arith.constant 0 : index
        %get3A_346 = tpu.vector_load %arg12[%get3A_344, %get3A_345] {strides = array<i32>} : memref<128x128xf32, #tpu.memory_space<vmem>>, vector<16xf32>,
        %mul3A_347 = arith.mulf %get3A_346, %gather3A_343 : vector<16xf32>
        %swap3A_348 = arith.index_cast %add3A_341 : i32 to index
        %swap3A_349 = arith.constant 0 : index
        %swap3A_350 = tpu.vector_load %arg12[%swap3A_348, %swap3A_349] {strides = array<i32>} : memref<128x128xf32, #tpu.memory_space<vmem>>, vector<16xf32>,
        tpu.vector_store %arg12[%swap3A_348, %swap3A_349], %mul3A_347 {strides = array<i32>} : memref<128x128xf32, #tpu.memory_space<vmem>>, vector<16xf32>,
        %get3A_351 = arith.index_cast %add3A_341 : i32 to index
        %get3A_352 = arith.constant 16 : index
        %get3A_353 = tpu.vector_load %arg12[%get3A_351, %get3A_352] {strides = array<i32>} : memref<128x128xf32, #tpu.memory_space<vmem>>, vector<16xf32>,
        %mul3A_354 = arith.mulf %get3A_353, %gather3A_343 : vector<16xf32>
        %swap3A_355 = arith.index_cast %add3A_341 : i32 to index
        %swap3A_356 = arith.constant 16 : index
        %swap3A_357 = tpu.vector_load %arg12[%swap3A_355, %swap3A_356] {strides = array<i32>} : memref<128x128xf32, #tpu.memory_space<vmem>>, vector<16xf32>,
        tpu.vector_store %arg12[%swap3A_355, %swap3A_356], %mul3A_354 {strides = array<i32>} : memref<128x128xf32, #tpu.memory_space<vmem>>, vector<16xf32>,
        %get3A_358 = arith.index_cast %add3A_341 : i32 to index
        %get3A_359 = arith.constant 32 : index
        %get3A_360 = tpu.vector_load %arg12[%get3A_358, %get3A_359] {strides = array<i32>} : memref<128x128xf32, #tpu.memory_space<vmem>>, vector<16xf32>,
        %mul3A_361 = arith.mulf %get3A_360, %gather3A_343 : vector<16xf32>
        %swap3A_362 = arith.index_cast %add3A_341 : i32 to index
        %swap3A_363 = arith.constant 32 : index
        %swap3A_364 = tpu.vector_load %arg12[%swap3A_362, %swap3A_363] {strides = array<i32>} : memref<128x128xf32, #tpu.memory_space<vmem>>, vector<16xf32>,
        tpu.vector_store %arg12[%swap3A_362, %swap3A_363], %mul3A_361 {strides = array<i32>} : memref<128x128xf32, #tpu.memory_space<vmem>>, vector<16xf32>,
        %get3A_365 = arith.index_cast %add3A_341 : i32 to index
        %get3A_366 = arith.constant 48 : index
        %get3A_367 = tpu.vector_load %arg12[%get3A_365, %get3A_366] {strides = array<i32>} : memref<128x128xf32, #tpu.memory_space<vmem>>, vector<16xf32>,
        %mul3A_368 = arith.mulf %get3A_367, %gather3A_343 : vector<16xf32>
        %swap3A_369 = arith.index_cast %add3A_341 : i32 to index
        %swap3A_370 = arith.constant 48 : index
        %swap3A_371 = tpu.vector_load %arg12[%swap3A_369, %swap3A_370] {strides = array<i32>} : memref<128x128xf32, #tpu.memory_space<vmem>>, vector<16xf32>,
        tpu.vector_store %arg12[%swap3A_369, %swap3A_370], %mul3A_368 {strides = array<i32>} : memref<128x128xf32, #tpu.memory_space<vmem>>, vector<16xf32>,
        %get3A_372 = arith.index_cast %add3A_341 : i32 to index
        %get3A_373 = arith.constant 64 : index
        %get3A_374 = tpu.vector_load %arg12[%get3A_372, %get3A_373] {strides = array<i32>} : memref<128x128xf32, #tpu.memory_space<vmem>>, vector<16xf32>,
        %mul3A_375 = arith.mulf %get3A_374, %gather3A_343 : vector<16xf32>
        %swap3A_376 = arith.index_cast %add3A_341 : i32 to index
        %swap3A_377 = arith.constant 64 : index
        %swap3A_378 = tpu.vector_load %arg12[%swap3A_376, %swap3A_377] {strides = array<i32>} : memref<128x128xf32, #tpu.memory_space<vmem>>, vector<16xf32>,
        tpu.vector_store %arg12[%swap3A_376, %swap3A_377], %mul3A_375 {strides = array<i32>} : memref<128x128xf32, #tpu.memory_space<vmem>>, vector<16xf32>,
        %get3A_379 = arith.index_cast %add3A_341 : i32 to index
        %get3A_380 = arith.constant 80 : index
        %get3A_381 = tpu.vector_load %arg12[%get3A_379, %get3A_380] {strides = array<i32>} : memref<128x128xf32, #tpu.memory_space<vmem>>, vector<16xf32>,
        %mul3A_382 = arith.mulf %get3A_381, %gather3A_343 : vector<16xf32>
        %swap3A_383 = arith.index_cast %add3A_341 : i32 to index
        %swap3A_384 = arith.constant 80 : index
        %swap3A_385 = tpu.vector_load %arg12[%swap3A_383, %swap3A_384] {strides = array<i32>} : memref<128x128xf32, #tpu.memory_space<vmem>>, vector<16xf32>,
        tpu.vector_store %arg12[%swap3A_383, %swap3A_384], %mul3A_382 {strides = array<i32>} : memref<128x128xf32, #tpu.memory_space<vmem>>, vector<16xf32>,
        %get3A_386 = arith.index_cast %add3A_341 : i32 to index
        %get3A_387 = arith.constant 96 : index
        %get3A_388 = tpu.vector_load %arg12[%get3A_386, %get3A_387] {strides = array<i32>} : memref<128x128xf32, #tpu.memory_space<vmem>>, vector<16xf32>,
        %mul3A_389 = arith.mulf %get3A_388, %gather3A_343 : vector<16xf32>
        %swap3A_390 = arith.index_cast %add3A_341 : i32 to index
        %swap3A_391 = arith.constant 96 : index
        %swap3A_392 = tpu.vector_load %arg12[%swap3A_390, %swap3A_391] {strides = array<i32>} : memref<128x128xf32, #tpu.memory_space<vmem>>, vector<16xf32>,
        tpu.vector_store %arg12[%swap3A_390, %swap3A_391], %mul3A_389 {strides = array<i32>} : memref<128x128xf32, #tpu.memory_space<vmem>>, vector<16xf32>,
        %get3A_393 = arith.index_cast %add3A_341 : i32 to index
        %get3A_394 = arith.constant 112 : index
        %get3A_395 = tpu.vector_load %arg12[%get3A_393, %get3A_394] {strides = array<i32>} : memref<128x128xf32, #tpu.memory_space<vmem>>, vector<16xf32>,
        %mul3A_396 = arith.mulf %get3A_395, %gather3A_343 : vector<16xf32>
        %swap3A_397 = arith.index_cast %add3A_341 : i32 to index
        %swap3A_398 = arith.constant 112 : index
        %swap3A_399 = tpu.vector_load %arg12[%swap3A_397, %swap3A_398] {strides = array<i32>} : memref<128x128xf32, #tpu.memory_space<vmem>>, vector<16xf32>,
        tpu.vector_store %arg12[%swap3A_397, %swap3A_398], %mul3A_396 {strides = array<i32>} : memref<128x128xf32, #tpu.memory_space<vmem>>, vector<16xf32>,
      }
      %scan3A_111 = arith.constant 32 : i32
      "tpu.region"() ({
        %run_scoped3A = tpu.sem_alloc : memref<!tpu.dma_semaphore, #tpu.memory_space<semaphore_mem>>
        %dma_start3A_158 = arith.constant 0 : i32
        %dma_start3A_159 = arith.constant 0 : i32
        %dma_start3A_160 = tpu.memref_slice %arg14[%dma_start3A_158, %dma_start3A_159] : memref<10240x128xf32, #tpu.memory_space<vmem_shared>> -> memref<10240x128xf32, #tpu.memory_space<vmem_shared>>
        tpu.enqueue_indirect_dma source(%arg12 : memref<128x128xf32, #tpu.memory_space<vmem>>) target(%dma_start3A_160 : memref<10240x128xf32, #tpu.memory_space<vmem_shared>>) offsets(%arg8 : memref<128xi32, #tpu.memory_space<vmem>>) semaphore(%run_scoped3A : memref<!tpu.dma_semaphore, #tpu.memory_space<semaphore_mem>>) {add = true}
        %dma_wait3A_161 = arith.constant 0 : i32
        %dma_wait3A_162 = arith.constant 0 : i32
        %dma_wait3A_163 = tpu.memref_slice %arg14[%dma_wait3A_161, %dma_wait3A_162] : memref<10240x128xf32, #tpu.memory_space<vmem_shared>> -> memref<10240x128xf32, #tpu.memory_space<vmem_shared>>
        tpu.wait_indirect_dma semaphore(%run_scoped3A : memref<!tpu.dma_semaphore, #tpu.memory_space<semaphore_mem>>) src(%arg12 : memref<128x128xf32, #tpu.memory_space<vmem>>) dst(%dma_wait3A_163 : memref<10240x128xf32, #tpu.memory_space<vmem_shared>>)
        tpu.yield
      }) : () -> ()
      %add3A_112 = arith.constant 2 : i32
      %add3A_113 = arith.addi %add3A_65, %add3A_112 : i32
      %rem3A_114 = arith.constant 80 : i32
      %rem3A_115 = arith.remsi %add3A_113, %rem3A_114 : i32
      %mul3A_116 = arith.constant 128 : i32
      %mul3A_117 = arith.muli %rem3A_115, %mul3A_116 : i32
      %dma_start3A_118 = arith.constant 0 : i32
      %dma_start3A_119 = tpu.memref_slice %arg7[%rem3A_115, %dma_start3A_118] : memref<80x128xi32, #tpu.memory_space<vmem>> -> memref<1x128xi32, #tpu.memory_space<vmem>>
      %dma_start3A_120 = tpu.memref_squeeze %dma_start3A_119 : memref<1x128xi32, #tpu.memory_space<vmem>> -> memref<128xi32, #tpu.memory_space<vmem>>
      %dma_start3A_121 = arith.constant 0 : i32
      %dma_start3A_122 = arith.constant 0 : i32
      %dma_start3A_123 = tpu.memref_slice %arg2[%dma_start3A_121, %dma_start3A_122] : memref<10240x128xf32, #tpu.memory_space<hbm>> -> memref<10240x128xf32, #tpu.memory_space<hbm>>
      tpu.enqueue_indirect_dma source(%dma_start3A_123 : memref<10240x128xf32, #tpu.memory_space<hbm>>) target(%arg12 : memref<128x128xf32, #tpu.memory_space<vmem>>) offsets(%dma_start3A_120 : memref<128xi32, #tpu.memory_space<vmem>>) semaphore(%arg15 : memref<!tpu.dma_semaphore, #tpu.memory_space<semaphore_mem>>)
      %dma_start3A_124 = tpu.memref_slice %arg4[%add3A, %mul3A_117] : memref<32x10240xi32, #tpu.memory_space<hbm>> -> memref<1x128xi32, #tpu.memory_space<hbm>>
      %dma_start3A_125 = tpu.memref_squeeze %dma_start3A_124 : memref<1x128xi32, #tpu.memory_space<hbm>> -> memref<128xi32, #tpu.memory_space<hbm>>
      %dma_start3A_126 = tpu.memref_slice %arg4[%add3A, %mul3A_117] : memref<32x10240xi32, #tpu.memory_space<hbm>> -> memref<1x128xi32, #tpu.memory_space<hbm>>
      %dma_start3A_127 = tpu.memref_squeeze %dma_start3A_126 : memref<1x128xi32, #tpu.memory_space<hbm>> -> memref<128xi32, #tpu.memory_space<hbm>>
      tpu.enqueue_dma source(%dma_start3A_127 : memref<128xi32, #tpu.memory_space<hbm>>) target(%arg8 : memref<128xi32, #tpu.memory_space<vmem>>) target_semaphore(%arg17 : memref<!tpu.dma_semaphore, #tpu.memory_space<semaphore_mem>>)
      %dma_start3A_128 = tpu.memref_slice %arg5[%add3A, %mul3A_117] : memref<32x10240xf32, #tpu.memory_space<hbm>> -> memref<1x128xf32, #tpu.memory_space<hbm>>
      %dma_start3A_129 = tpu.memref_squeeze %dma_start3A_128 : memref<1x128xf32, #tpu.memory_space<hbm>> -> memref<128xf32, #tpu.memory_space<hbm>>
      %dma_start3A_130 = tpu.memref_slice %arg5[%add3A, %mul3A_117] : memref<32x10240xf32, #tpu.memory_space<hbm>> -> memref<1x128xf32, #tpu.memory_space<hbm>>
      %dma_start3A_131 = tpu.memref_squeeze %dma_start3A_130 : memref<1x128xf32, #tpu.memory_space<hbm>> -> memref<128xf32, #tpu.memory_space<hbm>>
      tpu.enqueue_dma source(%dma_start3A_131 : memref<128xf32, #tpu.memory_space<hbm>>) target(%arg10 : memref<128xf32, #tpu.memory_space<vmem>>) target_semaphore(%arg17 : memref<!tpu.dma_semaphore, #tpu.memory_space<semaphore_mem>>)
      %dma_wait3A_132 = arith.constant 0 : i32
      %dma_wait3A_133 = arith.constant 0 : i32
      %dma_wait3A_134 = tpu.memref_slice %arg7[%dma_wait3A_132, %dma_wait3A_133] : memref<80x128xi32, #tpu.memory_space<vmem>> -> memref<1x128xi32, #tpu.memory_space<vmem>>
      %dma_wait3A_135 = tpu.memref_squeeze %dma_wait3A_134 : memref<1x128xi32, #tpu.memory_space<vmem>> -> memref<128xi32, #tpu.memory_space<vmem>>
      %dma_wait3A_136 = arith.constant 0 : i32
      %dma_wait3A_137 = arith.constant 0 : i32
      %dma_wait3A_138 = tpu.memref_slice %arg2[%dma_wait3A_136, %dma_wait3A_137] : memref<10240x128xf32, #tpu.memory_space<hbm>> -> memref<10240x128xf32, #tpu.memory_space<hbm>>
      tpu.wait_indirect_dma semaphore(%arg16 : memref<!tpu.dma_semaphore, #tpu.memory_space<semaphore_mem>>) src(%dma_wait3A_138 : memref<10240x128xf32, #tpu.memory_space<hbm>>) dst(%arg13 : memref<128x128xf32, #tpu.memory_space<vmem>>)
      %dma_wait3A_139 = arith.constant 0 : i32
      %dma_wait3A_140 = arith.constant 0 : i32
      %dma_wait3A_141 = tpu.memref_slice %arg4[%dma_wait3A_139, %dma_wait3A_140] : memref<32x10240xi32, #tpu.memory_space<hbm>> -> memref<1x128xi32, #tpu.memory_space<hbm>>
      %dma_wait3A_142 = tpu.memref_squeeze %dma_wait3A_141 : memref<1x128xi32, #tpu.memory_space<hbm>> -> memref<128xi32, #tpu.memory_space<hbm>>
      %dma_wait3A_143 = arith.constant 0 : i32
      %dma_wait3A_144 = tpu.memref_slice %arg4[%dma_wait3A_139, %dma_wait3A_143] : memref<32x10240xi32, #tpu.memory_space<hbm>> -> memref<1x128xi32, #tpu.memory_space<hbm>>
      %dma_wait3A_145 = tpu.memref_squeeze %dma_wait3A_144 : memref<1x128xi32, #tpu.memory_space<hbm>> -> memref<128xi32, #tpu.memory_space<hbm>>
      tpu.wait_dma2 semaphore(%arg18 : memref<!tpu.dma_semaphore, #tpu.memory_space<semaphore_mem>>) src(%dma_wait3A_145 : memref<128xi32, #tpu.memory_space<hbm>>) dst(%arg9 : memref<128xi32, #tpu.memory_space<vmem>>)
      %dma_wait3A_146 = arith.constant 0 : i32
      %dma_wait3A_147 = arith.constant 0 : i32
      %dma_wait3A_148 = tpu.memref_slice %arg5[%dma_wait3A_146, %dma_wait3A_147] : memref<32x10240xf32, #tpu.memory_space<hbm>> -> memref<1x128xf32, #tpu.memory_space<hbm>>
      %dma_wait3A_149 = tpu.memref_squeeze %dma_wait3A_148 : memref<1x128xf32, #tpu.memory_space<hbm>> -> memref<128xf32, #tpu.memory_space<hbm>>
      %dma_wait3A_150 = arith.constant 0 : i32
      %dma_wait3A_151 = tpu.memref_slice %arg5[%dma_wait3A_146, %dma_wait3A_150] : memref<32x10240xf32, #tpu.memory_space<hbm>> -> memref<1x128xf32, #tpu.memory_space<hbm>>
      %dma_wait3A_152 = tpu.memref_squeeze %dma_wait3A_151 : memref<1x128xf32, #tpu.memory_space<hbm>> -> memref<128xf32, #tpu.memory_space<hbm>>
      tpu.wait_dma2 semaphore(%arg18 : memref<!tpu.dma_semaphore, #tpu.memory_space<semaphore_mem>>) src(%dma_wait3A_152 : memref<128xf32, #tpu.memory_space<hbm>>) dst(%arg11 : memref<128xf32, #tpu.memory_space<vmem>>)
      %scan3A_153 = arith.constant 0 : i32
      %scan3A_154 = arith.constant 32 : i32
      %scan3A_155 = arith.addi %scan3A_153, %scan3A_154 : i32
      %scan3A_156 = arith.constant 1 : i32
      scf.for %scan3A_158 = %scan3A_153 to %scan3A_155 step %scan3A_156  : i32 {
        %mul3A_159 = arith.constant 4 : i32
        %mul3A_160 = arith.muli %scan3A_158, %mul3A_159 : i32
        %add3A_161 = arith.constant 0 : i32
        %add3A_162 = arith.addi %add3A_161, %mul3A_160 : i32
        %add3A_163 = arith.constant 0 : i32
        %add3A_164 = arith.addi %add3A_162, %add3A_163 : i32
        %broadcast_in_dim3A_165 = vector.broadcast %add3A_164 : i32 to vector<16xi32>
        %gather3A = tpu.vector_load_idx %arg11[%broadcast_in_dim3A_165] : memref<128xf32, #tpu.memory_space<vmem>>[vector<16xi32>], vector<16xf32>,
        %get3A = arith.index_cast %add3A_164 : i32 to index
        %get3A_166 = arith.constant 0 : index
        %get3A_167 = tpu.vector_load %arg13[%get3A, %get3A_166] {strides = array<i32>} : memref<128x128xf32, #tpu.memory_space<vmem>>, vector<16xf32>,
        %mul3A_168 = arith.mulf %get3A_167, %gather3A : vector<16xf32>
        %swap3A = arith.index_cast %add3A_164 : i32 to index
        %swap3A_169 = arith.constant 0 : index
        %swap3A_170 = tpu.vector_load %arg13[%swap3A, %swap3A_169] {strides = array<i32>} : memref<128x128xf32, #tpu.memory_space<vmem>>, vector<16xf32>,
        tpu.vector_store %arg13[%swap3A, %swap3A_169], %mul3A_168 {strides = array<i32>} : memref<128x128xf32, #tpu.memory_space<vmem>>, vector<16xf32>,
        %get3A_171 = arith.index_cast %add3A_164 : i32 to index
        %get3A_172 = arith.constant 16 : index
        %get3A_173 = tpu.vector_load %arg13[%get3A_171, %get3A_172] {strides = array<i32>} : memref<128x128xf32, #tpu.memory_space<vmem>>, vector<16xf32>,
        %mul3A_174 = arith.mulf %get3A_173, %gather3A : vector<16xf32>
        %swap3A_175 = arith.index_cast %add3A_164 : i32 to index
        %swap3A_176 = arith.constant 16 : index
        %swap3A_177 = tpu.vector_load %arg13[%swap3A_175, %swap3A_176] {strides = array<i32>} : memref<128x128xf32, #tpu.memory_space<vmem>>, vector<16xf32>,
        tpu.vector_store %arg13[%swap3A_175, %swap3A_176], %mul3A_174 {strides = array<i32>} : memref<128x128xf32, #tpu.memory_space<vmem>>, vector<16xf32>,
        %get3A_178 = arith.index_cast %add3A_164 : i32 to index
        %get3A_179 = arith.constant 32 : index
        %get3A_180 = tpu.vector_load %arg13[%get3A_178, %get3A_179] {strides = array<i32>} : memref<128x128xf32, #tpu.memory_space<vmem>>, vector<16xf32>,
        %mul3A_181 = arith.mulf %get3A_180, %gather3A : vector<16xf32>
        %swap3A_182 = arith.index_cast %add3A_164 : i32 to index
        %swap3A_183 = arith.constant 32 : index
        %swap3A_184 = tpu.vector_load %arg13[%swap3A_182, %swap3A_183] {strides = array<i32>} : memref<128x128xf32, #tpu.memory_space<vmem>>, vector<16xf32>,
        tpu.vector_store %arg13[%swap3A_182, %swap3A_183], %mul3A_181 {strides = array<i32>} : memref<128x128xf32, #tpu.memory_space<vmem>>, vector<16xf32>,
        %get3A_185 = arith.index_cast %add3A_164 : i32 to index
        %get3A_186 = arith.constant 48 : index
        %get3A_187 = tpu.vector_load %arg13[%get3A_185, %get3A_186] {strides = array<i32>} : memref<128x128xf32, #tpu.memory_space<vmem>>, vector<16xf32>,
        %mul3A_188 = arith.mulf %get3A_187, %gather3A : vector<16xf32>
        %swap3A_189 = arith.index_cast %add3A_164 : i32 to index
        %swap3A_190 = arith.constant 48 : index
        %swap3A_191 = tpu.vector_load %arg13[%swap3A_189, %swap3A_190] {strides = array<i32>} : memref<128x128xf32, #tpu.memory_space<vmem>>, vector<16xf32>,
        tpu.vector_store %arg13[%swap3A_189, %swap3A_190], %mul3A_188 {strides = array<i32>} : memref<128x128xf32, #tpu.memory_space<vmem>>, vector<16xf32>,
        %get3A_192 = arith.index_cast %add3A_164 : i32 to index
        %get3A_193 = arith.constant 64 : index
        %get3A_194 = tpu.vector_load %arg13[%get3A_192, %get3A_193] {strides = array<i32>} : memref<128x128xf32, #tpu.memory_space<vmem>>, vector<16xf32>,
        %mul3A_195 = arith.mulf %get3A_194, %gather3A : vector<16xf32>
        %swap3A_196 = arith.index_cast %add3A_164 : i32 to index
        %swap3A_197 = arith.constant 64 : index
        %swap3A_198 = tpu.vector_load %arg13[%swap3A_196, %swap3A_197] {strides = array<i32>} : memref<128x128xf32, #tpu.memory_space<vmem>>, vector<16xf32>,
        tpu.vector_store %arg13[%swap3A_196, %swap3A_197], %mul3A_195 {strides = array<i32>} : memref<128x128xf32, #tpu.memory_space<vmem>>, vector<16xf32>,
        %get3A_199 = arith.index_cast %add3A_164 : i32 to index
        %get3A_200 = arith.constant 80 : index
        %get3A_201 = tpu.vector_load %arg13[%get3A_199, %get3A_200] {strides = array<i32>} : memref<128x128xf32, #tpu.memory_space<vmem>>, vector<16xf32>,
        %mul3A_202 = arith.mulf %get3A_201, %gather3A : vector<16xf32>
        %swap3A_203 = arith.index_cast %add3A_164 : i32 to index
        %swap3A_204 = arith.constant 80 : index
        %swap3A_205 = tpu.vector_load %arg13[%swap3A_203, %swap3A_204] {strides = array<i32>} : memref<128x128xf32, #tpu.memory_space<vmem>>, vector<16xf32>,
        tpu.vector_store %arg13[%swap3A_203, %swap3A_204], %mul3A_202 {strides = array<i32>} : memref<128x128xf32, #tpu.memory_space<vmem>>, vector<16xf32>,
        %get3A_206 = arith.index_cast %add3A_164 : i32 to index
        %get3A_207 = arith.constant 96 : index
        %get3A_208 = tpu.vector_load %arg13[%get3A_206, %get3A_207] {strides = array<i32>} : memref<128x128xf32, #tpu.memory_space<vmem>>, vector<16xf32>,
        %mul3A_209 = arith.mulf %get3A_208, %gather3A : vector<16xf32>
        %swap3A_210 = arith.index_cast %add3A_164 : i32 to index
        %swap3A_211 = arith.constant 96 : index
        %swap3A_212 = tpu.vector_load %arg13[%swap3A_210, %swap3A_211] {strides = array<i32>} : memref<128x128xf32, #tpu.memory_space<vmem>>, vector<16xf32>,
        tpu.vector_store %arg13[%swap3A_210, %swap3A_211], %mul3A_209 {strides = array<i32>} : memref<128x128xf32, #tpu.memory_space<vmem>>, vector<16xf32>,
        %get3A_213 = arith.index_cast %add3A_164 : i32 to index
        %get3A_214 = arith.constant 112 : index
        %get3A_215 = tpu.vector_load %arg13[%get3A_213, %get3A_214] {strides = array<i32>} : memref<128x128xf32, #tpu.memory_space<vmem>>, vector<16xf32>,
        %mul3A_216 = arith.mulf %get3A_215, %gather3A : vector<16xf32>
        %swap3A_217 = arith.index_cast %add3A_164 : i32 to index
        %swap3A_218 = arith.constant 112 : index
        %swap3A_219 = tpu.vector_load %arg13[%swap3A_217, %swap3A_218] {strides = array<i32>} : memref<128x128xf32, #tpu.memory_space<vmem>>, vector<16xf32>,
        tpu.vector_store %arg13[%swap3A_217, %swap3A_218], %mul3A_216 {strides = array<i32>} : memref<128x128xf32, #tpu.memory_space<vmem>>, vector<16xf32>,
        %add3A_220 = arith.constant 1 : i32
        %add3A_221 = arith.addi %add3A_162, %add3A_220 : i32
        %broadcast_in_dim3A_222 = vector.broadcast %add3A_221 : i32 to vector<16xi32>
        %gather3A_223 = tpu.vector_load_idx %arg11[%broadcast_in_dim3A_222] : memref<128xf32, #tpu.memory_space<vmem>>[vector<16xi32>], vector<16xf32>,
        %get3A_224 = arith.index_cast %add3A_221 : i32 to index
        %get3A_225 = arith.constant 0 : index
        %get3A_226 = tpu.vector_load %arg13[%get3A_224, %get3A_225] {strides = array<i32>} : memref<128x128xf32, #tpu.memory_space<vmem>>, vector<16xf32>,
        %mul3A_227 = arith.mulf %get3A_226, %gather3A_223 : vector<16xf32>
        %swap3A_228 = arith.index_cast %add3A_221 : i32 to index
        %swap3A_229 = arith.constant 0 : index
        %swap3A_230 = tpu.vector_load %arg13[%swap3A_228, %swap3A_229] {strides = array<i32>} : memref<128x128xf32, #tpu.memory_space<vmem>>, vector<16xf32>,
        tpu.vector_store %arg13[%swap3A_228, %swap3A_229], %mul3A_227 {strides = array<i32>} : memref<128x128xf32, #tpu.memory_space<vmem>>, vector<16xf32>,
        %get3A_231 = arith.index_cast %add3A_221 : i32 to index
        %get3A_232 = arith.constant 16 : index
        %get3A_233 = tpu.vector_load %arg13[%get3A_231, %get3A_232] {strides = array<i32>} : memref<128x128xf32, #tpu.memory_space<vmem>>, vector<16xf32>,
        %mul3A_234 = arith.mulf %get3A_233, %gather3A_223 : vector<16xf32>
        %swap3A_235 = arith.index_cast %add3A_221 : i32 to index
        %swap3A_236 = arith.constant 16 : index
        %swap3A_237 = tpu.vector_load %arg13[%swap3A_235, %swap3A_236] {strides = array<i32>} : memref<128x128xf32, #tpu.memory_space<vmem>>, vector<16xf32>,
        tpu.vector_store %arg13[%swap3A_235, %swap3A_236], %mul3A_234 {strides = array<i32>} : memref<128x128xf32, #tpu.memory_space<vmem>>, vector<16xf32>,
        %get3A_238 = arith.index_cast %add3A_221 : i32 to index
        %get3A_239 = arith.constant 32 : index
        %get3A_240 = tpu.vector_load %arg13[%get3A_238, %get3A_239] {strides = array<i32>} : memref<128x128xf32, #tpu.memory_space<vmem>>, vector<16xf32>,
        %mul3A_241 = arith.mulf %get3A_240, %gather3A_223 : vector<16xf32>
        %swap3A_242 = arith.index_cast %add3A_221 : i32 to index
        %swap3A_243 = arith.constant 32 : index
        %swap3A_244 = tpu.vector_load %arg13[%swap3A_242, %swap3A_243] {strides = array<i32>} : memref<128x128xf32, #tpu.memory_space<vmem>>, vector<16xf32>,
        tpu.vector_store %arg13[%swap3A_242, %swap3A_243], %mul3A_241 {strides = array<i32>} : memref<128x128xf32, #tpu.memory_space<vmem>>, vector<16xf32>,
        %get3A_245 = arith.index_cast %add3A_221 : i32 to index
        %get3A_246 = arith.constant 48 : index
        %get3A_247 = tpu.vector_load %arg13[%get3A_245, %get3A_246] {strides = array<i32>} : memref<128x128xf32, #tpu.memory_space<vmem>>, vector<16xf32>,
        %mul3A_248 = arith.mulf %get3A_247, %gather3A_223 : vector<16xf32>
        %swap3A_249 = arith.index_cast %add3A_221 : i32 to index
        %swap3A_250 = arith.constant 48 : index
        %swap3A_251 = tpu.vector_load %arg13[%swap3A_249, %swap3A_250] {strides = array<i32>} : memref<128x128xf32, #tpu.memory_space<vmem>>, vector<16xf32>,
        tpu.vector_store %arg13[%swap3A_249, %swap3A_250], %mul3A_248 {strides = array<i32>} : memref<128x128xf32, #tpu.memory_space<vmem>>, vector<16xf32>,
        %get3A_252 = arith.index_cast %add3A_221 : i32 to index
        %get3A_253 = arith.constant 64 : index
        %get3A_254 = tpu.vector_load %arg13[%get3A_252, %get3A_253] {strides = array<i32>} : memref<128x128xf32, #tpu.memory_space<vmem>>, vector<16xf32>,
        %mul3A_255 = arith.mulf %get3A_254, %gather3A_223 : vector<16xf32>
        %swap3A_256 = arith.index_cast %add3A_221 : i32 to index
        %swap3A_257 = arith.constant 64 : index
        %swap3A_258 = tpu.vector_load %arg13[%swap3A_256, %swap3A_257] {strides = array<i32>} : memref<128x128xf32, #tpu.memory_space<vmem>>, vector<16xf32>,
        tpu.vector_store %arg13[%swap3A_256, %swap3A_257], %mul3A_255 {strides = array<i32>} : memref<128x128xf32, #tpu.memory_space<vmem>>, vector<16xf32>,
        %get3A_259 = arith.index_cast %add3A_221 : i32 to index
        %get3A_260 = arith.constant 80 : index
        %get3A_261 = tpu.vector_load %arg13[%get3A_259, %get3A_260] {strides = array<i32>} : memref<128x128xf32, #tpu.memory_space<vmem>>, vector<16xf32>,
        %mul3A_262 = arith.mulf %get3A_261, %gather3A_223 : vector<16xf32>
        %swap3A_263 = arith.index_cast %add3A_221 : i32 to index
        %swap3A_264 = arith.constant 80 : index
        %swap3A_265 = tpu.vector_load %arg13[%swap3A_263, %swap3A_264] {strides = array<i32>} : memref<128x128xf32, #tpu.memory_space<vmem>>, vector<16xf32>,
        tpu.vector_store %arg13[%swap3A_263, %swap3A_264], %mul3A_262 {strides = array<i32>} : memref<128x128xf32, #tpu.memory_space<vmem>>, vector<16xf32>,
        %get3A_266 = arith.index_cast %add3A_221 : i32 to index
        %get3A_267 = arith.constant 96 : index
        %get3A_268 = tpu.vector_load %arg13[%get3A_266, %get3A_267] {strides = array<i32>} : memref<128x128xf32, #tpu.memory_space<vmem>>, vector<16xf32>,
        %mul3A_269 = arith.mulf %get3A_268, %gather3A_223 : vector<16xf32>
        %swap3A_270 = arith.index_cast %add3A_221 : i32 to index
        %swap3A_271 = arith.constant 96 : index
        %swap3A_272 = tpu.vector_load %arg13[%swap3A_270, %swap3A_271] {strides = array<i32>} : memref<128x128xf32, #tpu.memory_space<vmem>>, vector<16xf32>,
        tpu.vector_store %arg13[%swap3A_270, %swap3A_271], %mul3A_269 {strides = array<i32>} : memref<128x128xf32, #tpu.memory_space<vmem>>, vector<16xf32>,
        %get3A_273 = arith.index_cast %add3A_221 : i32 to index
        %get3A_274 = arith.constant 112 : index
        %get3A_275 = tpu.vector_load %arg13[%get3A_273, %get3A_274] {strides = array<i32>} : memref<128x128xf32, #tpu.memory_space<vmem>>, vector<16xf32>,
        %mul3A_276 = arith.mulf %get3A_275, %gather3A_223 : vector<16xf32>
        %swap3A_277 = arith.index_cast %add3A_221 : i32 to index
        %swap3A_278 = arith.constant 112 : index
        %swap3A_279 = tpu.vector_load %arg13[%swap3A_277, %swap3A_278] {strides = array<i32>} : memref<128x128xf32, #tpu.memory_space<vmem>>, vector<16xf32>,
        tpu.vector_store %arg13[%swap3A_277, %swap3A_278], %mul3A_276 {strides = array<i32>} : memref<128x128xf32, #tpu.memory_space<vmem>>, vector<16xf32>,
        %add3A_280 = arith.constant 2 : i32
        %add3A_281 = arith.addi %add3A_162, %add3A_280 : i32
        %broadcast_in_dim3A_282 = vector.broadcast %add3A_281 : i32 to vector<16xi32>
        %gather3A_283 = tpu.vector_load_idx %arg11[%broadcast_in_dim3A_282] : memref<128xf32, #tpu.memory_space<vmem>>[vector<16xi32>], vector<16xf32>,
        %get3A_284 = arith.index_cast %add3A_281 : i32 to index
        %get3A_285 = arith.constant 0 : index
        %get3A_286 = tpu.vector_load %arg13[%get3A_284, %get3A_285] {strides = array<i32>} : memref<128x128xf32, #tpu.memory_space<vmem>>, vector<16xf32>,
        %mul3A_287 = arith.mulf %get3A_286, %gather3A_283 : vector<16xf32>
        %swap3A_288 = arith.index_cast %add3A_281 : i32 to index
        %swap3A_289 = arith.constant 0 : index
        %swap3A_290 = tpu.vector_load %arg13[%swap3A_288, %swap3A_289] {strides = array<i32>} : memref<128x128xf32, #tpu.memory_space<vmem>>, vector<16xf32>,
        tpu.vector_store %arg13[%swap3A_288, %swap3A_289], %mul3A_287 {strides = array<i32>} : memref<128x128xf32, #tpu.memory_space<vmem>>, vector<16xf32>,
        %get3A_291 = arith.index_cast %add3A_281 : i32 to index
        %get3A_292 = arith.constant 16 : index
        %get3A_293 = tpu.vector_load %arg13[%get3A_291, %get3A_292] {strides = array<i32>} : memref<128x128xf32, #tpu.memory_space<vmem>>, vector<16xf32>,
        %mul3A_294 = arith.mulf %get3A_293, %gather3A_283 : vector<16xf32>
        %swap3A_295 = arith.index_cast %add3A_281 : i32 to index
        %swap3A_296 = arith.constant 16 : index
        %swap3A_297 = tpu.vector_load %arg13[%swap3A_295, %swap3A_296] {strides = array<i32>} : memref<128x128xf32, #tpu.memory_space<vmem>>, vector<16xf32>,
        tpu.vector_store %arg13[%swap3A_295, %swap3A_296], %mul3A_294 {strides = array<i32>} : memref<128x128xf32, #tpu.memory_space<vmem>>, vector<16xf32>,
        %get3A_298 = arith.index_cast %add3A_281 : i32 to index
        %get3A_299 = arith.constant 32 : index
        %get3A_300 = tpu.vector_load %arg13[%get3A_298, %get3A_299] {strides = array<i32>} : memref<128x128xf32, #tpu.memory_space<vmem>>, vector<16xf32>,
        %mul3A_301 = arith.mulf %get3A_300, %gather3A_283 : vector<16xf32>
        %swap3A_302 = arith.index_cast %add3A_281 : i32 to index
        %swap3A_303 = arith.constant 32 : index
        %swap3A_304 = tpu.vector_load %arg13[%swap3A_302, %swap3A_303] {strides = array<i32>} : memref<128x128xf32, #tpu.memory_space<vmem>>, vector<16xf32>,
        tpu.vector_store %arg13[%swap3A_302, %swap3A_303], %mul3A_301 {strides = array<i32>} : memref<128x128xf32, #tpu.memory_space<vmem>>, vector<16xf32>,
        %get3A_305 = arith.index_cast %add3A_281 : i32 to index
        %get3A_306 = arith.constant 48 : index
        %get3A_307 = tpu.vector_load %arg13[%get3A_305, %get3A_306] {strides = array<i32>} : memref<128x128xf32, #tpu.memory_space<vmem>>, vector<16xf32>,
        %mul3A_308 = arith.mulf %get3A_307, %gather3A_283 : vector<16xf32>
        %swap3A_309 = arith.index_cast %add3A_281 : i32 to index
        %swap3A_310 = arith.constant 48 : index
        %swap3A_311 = tpu.vector_load %arg13[%swap3A_309, %swap3A_310] {strides = array<i32>} : memref<128x128xf32, #tpu.memory_space<vmem>>, vector<16xf32>,
        tpu.vector_store %arg13[%swap3A_309, %swap3A_310], %mul3A_308 {strides = array<i32>} : memref<128x128xf32, #tpu.memory_space<vmem>>, vector<16xf32>,
        %get3A_312 = arith.index_cast %add3A_281 : i32 to index
        %get3A_313 = arith.constant 64 : index
        %get3A_314 = tpu.vector_load %arg13[%get3A_312, %get3A_313] {strides = array<i32>} : memref<128x128xf32, #tpu.memory_space<vmem>>, vector<16xf32>,
        %mul3A_315 = arith.mulf %get3A_314, %gather3A_283 : vector<16xf32>
        %swap3A_316 = arith.index_cast %add3A_281 : i32 to index
        %swap3A_317 = arith.constant 64 : index
        %swap3A_318 = tpu.vector_load %arg13[%swap3A_316, %swap3A_317] {strides = array<i32>} : memref<128x128xf32, #tpu.memory_space<vmem>>, vector<16xf32>,
        tpu.vector_store %arg13[%swap3A_316, %swap3A_317], %mul3A_315 {strides = array<i32>} : memref<128x128xf32, #tpu.memory_space<vmem>>, vector<16xf32>,
        %get3A_319 = arith.index_cast %add3A_281 : i32 to index
        %get3A_320 = arith.constant 80 : index
        %get3A_321 = tpu.vector_load %arg13[%get3A_319, %get3A_320] {strides = array<i32>} : memref<128x128xf32, #tpu.memory_space<vmem>>, vector<16xf32>,
        %mul3A_322 = arith.mulf %get3A_321, %gather3A_283 : vector<16xf32>
        %swap3A_323 = arith.index_cast %add3A_281 : i32 to index
        %swap3A_324 = arith.constant 80 : index
        %swap3A_325 = tpu.vector_load %arg13[%swap3A_323, %swap3A_324] {strides = array<i32>} : memref<128x128xf32, #tpu.memory_space<vmem>>, vector<16xf32>,
        tpu.vector_store %arg13[%swap3A_323, %swap3A_324], %mul3A_322 {strides = array<i32>} : memref<128x128xf32, #tpu.memory_space<vmem>>, vector<16xf32>,
        %get3A_326 = arith.index_cast %add3A_281 : i32 to index
        %get3A_327 = arith.constant 96 : index
        %get3A_328 = tpu.vector_load %arg13[%get3A_326, %get3A_327] {strides = array<i32>} : memref<128x128xf32, #tpu.memory_space<vmem>>, vector<16xf32>,
        %mul3A_329 = arith.mulf %get3A_328, %gather3A_283 : vector<16xf32>
        %swap3A_330 = arith.index_cast %add3A_281 : i32 to index
        %swap3A_331 = arith.constant 96 : index
        %swap3A_332 = tpu.vector_load %arg13[%swap3A_330, %swap3A_331] {strides = array<i32>} : memref<128x128xf32, #tpu.memory_space<vmem>>, vector<16xf32>,
        tpu.vector_store %arg13[%swap3A_330, %swap3A_331], %mul3A_329 {strides = array<i32>} : memref<128x128xf32, #tpu.memory_space<vmem>>, vector<16xf32>,
        %get3A_333 = arith.index_cast %add3A_281 : i32 to index
        %get3A_334 = arith.constant 112 : index
        %get3A_335 = tpu.vector_load %arg13[%get3A_333, %get3A_334] {strides = array<i32>} : memref<128x128xf32, #tpu.memory_space<vmem>>, vector<16xf32>,
        %mul3A_336 = arith.mulf %get3A_335, %gather3A_283 : vector<16xf32>
        %swap3A_337 = arith.index_cast %add3A_281 : i32 to index
        %swap3A_338 = arith.constant 112 : index
        %swap3A_339 = tpu.vector_load %arg13[%swap3A_337, %swap3A_338] {strides = array<i32>} : memref<128x128xf32, #tpu.memory_space<vmem>>, vector<16xf32>,
        tpu.vector_store %arg13[%swap3A_337, %swap3A_338], %mul3A_336 {strides = array<i32>} : memref<128x128xf32, #tpu.memory_space<vmem>>, vector<16xf32>,
        %add3A_340 = arith.constant 3 : i32
        %add3A_341 = arith.addi %add3A_162, %add3A_340 : i32
        %broadcast_in_dim3A_342 = vector.broadcast %add3A_341 : i32 to vector<16xi32>
        %gather3A_343 = tpu.vector_load_idx %arg11[%broadcast_in_dim3A_342] : memref<128xf32, #tpu.memory_space<vmem>>[vector<16xi32>], vector<16xf32>,
        %get3A_344 = arith.index_cast %add3A_341 : i32 to index
        %get3A_345 = arith.constant 0 : index
        %get3A_346 = tpu.vector_load %arg13[%get3A_344, %get3A_345] {strides = array<i32>} : memref<128x128xf32, #tpu.memory_space<vmem>>, vector<16xf32>,
        %mul3A_347 = arith.mulf %get3A_346, %gather3A_343 : vector<16xf32>
        %swap3A_348 = arith.index_cast %add3A_341 : i32 to index
        %swap3A_349 = arith.constant 0 : index
        %swap3A_350 = tpu.vector_load %arg13[%swap3A_348, %swap3A_349] {strides = array<i32>} : memref<128x128xf32, #tpu.memory_space<vmem>>, vector<16xf32>,
        tpu.vector_store %arg13[%swap3A_348, %swap3A_349], %mul3A_347 {strides = array<i32>} : memref<128x128xf32, #tpu.memory_space<vmem>>, vector<16xf32>,
        %get3A_351 = arith.index_cast %add3A_341 : i32 to index
        %get3A_352 = arith.constant 16 : index
        %get3A_353 = tpu.vector_load %arg13[%get3A_351, %get3A_352] {strides = array<i32>} : memref<128x128xf32, #tpu.memory_space<vmem>>, vector<16xf32>,
        %mul3A_354 = arith.mulf %get3A_353, %gather3A_343 : vector<16xf32>
        %swap3A_355 = arith.index_cast %add3A_341 : i32 to index
        %swap3A_356 = arith.constant 16 : index
        %swap3A_357 = tpu.vector_load %arg13[%swap3A_355, %swap3A_356] {strides = array<i32>} : memref<128x128xf32, #tpu.memory_space<vmem>>, vector<16xf32>,
        tpu.vector_store %arg13[%swap3A_355, %swap3A_356], %mul3A_354 {strides = array<i32>} : memref<128x128xf32, #tpu.memory_space<vmem>>, vector<16xf32>,
        %get3A_358 = arith.index_cast %add3A_341 : i32 to index
        %get3A_359 = arith.constant 32 : index
        %get3A_360 = tpu.vector_load %arg13[%get3A_358, %get3A_359] {strides = array<i32>} : memref<128x128xf32, #tpu.memory_space<vmem>>, vector<16xf32>,
        %mul3A_361 = arith.mulf %get3A_360, %gather3A_343 : vector<16xf32>
        %swap3A_362 = arith.index_cast %add3A_341 : i32 to index
        %swap3A_363 = arith.constant 32 : index
        %swap3A_364 = tpu.vector_load %arg13[%swap3A_362, %swap3A_363] {strides = array<i32>} : memref<128x128xf32, #tpu.memory_space<vmem>>, vector<16xf32>,
        tpu.vector_store %arg13[%swap3A_362, %swap3A_363], %mul3A_361 {strides = array<i32>} : memref<128x128xf32, #tpu.memory_space<vmem>>, vector<16xf32>,
        %get3A_365 = arith.index_cast %add3A_341 : i32 to index
        %get3A_366 = arith.constant 48 : index
        %get3A_367 = tpu.vector_load %arg13[%get3A_365, %get3A_366] {strides = array<i32>} : memref<128x128xf32, #tpu.memory_space<vmem>>, vector<16xf32>,
        %mul3A_368 = arith.mulf %get3A_367, %gather3A_343 : vector<16xf32>
        %swap3A_369 = arith.index_cast %add3A_341 : i32 to index
        %swap3A_370 = arith.constant 48 : index
        %swap3A_371 = tpu.vector_load %arg13[%swap3A_369, %swap3A_370] {strides = array<i32>} : memref<128x128xf32, #tpu.memory_space<vmem>>, vector<16xf32>,
        tpu.vector_store %arg13[%swap3A_369, %swap3A_370], %mul3A_368 {strides = array<i32>} : memref<128x128xf32, #tpu.memory_space<vmem>>, vector<16xf32>,
        %get3A_372 = arith.index_cast %add3A_341 : i32 to index
        %get3A_373 = arith.constant 64 : index
        %get3A_374 = tpu.vector_load %arg13[%get3A_372, %get3A_373] {strides = array<i32>} : memref<128x128xf32, #tpu.memory_space<vmem>>, vector<16xf32>,
        %mul3A_375 = arith.mulf %get3A_374, %gather3A_343 : vector<16xf32>
        %swap3A_376 = arith.index_cast %add3A_341 : i32 to index
        %swap3A_377 = arith.constant 64 : index
        %swap3A_378 = tpu.vector_load %arg13[%swap3A_376, %swap3A_377] {strides = array<i32>} : memref<128x128xf32, #tpu.memory_space<vmem>>, vector<16xf32>,
        tpu.vector_store %arg13[%swap3A_376, %swap3A_377], %mul3A_375 {strides = array<i32>} : memref<128x128xf32, #tpu.memory_space<vmem>>, vector<16xf32>,
        %get3A_379 = arith.index_cast %add3A_341 : i32 to index
        %get3A_380 = arith.constant 80 : index
        %get3A_381 = tpu.vector_load %arg13[%get3A_379, %get3A_380] {strides = array<i32>} : memref<128x128xf32, #tpu.memory_space<vmem>>, vector<16xf32>,
        %mul3A_382 = arith.mulf %get3A_381, %gather3A_343 : vector<16xf32>
        %swap3A_383 = arith.index_cast %add3A_341 : i32 to index
        %swap3A_384 = arith.constant 80 : index
        %swap3A_385 = tpu.vector_load %arg13[%swap3A_383, %swap3A_384] {strides = array<i32>} : memref<128x128xf32, #tpu.memory_space<vmem>>, vector<16xf32>,
        tpu.vector_store %arg13[%swap3A_383, %swap3A_384], %mul3A_382 {strides = array<i32>} : memref<128x128xf32, #tpu.memory_space<vmem>>, vector<16xf32>,
        %get3A_386 = arith.index_cast %add3A_341 : i32 to index
        %get3A_387 = arith.constant 96 : index
        %get3A_388 = tpu.vector_load %arg13[%get3A_386, %get3A_387] {strides = array<i32>} : memref<128x128xf32, #tpu.memory_space<vmem>>, vector<16xf32>,
        %mul3A_389 = arith.mulf %get3A_388, %gather3A_343 : vector<16xf32>
        %swap3A_390 = arith.index_cast %add3A_341 : i32 to index
        %swap3A_391 = arith.constant 96 : index
        %swap3A_392 = tpu.vector_load %arg13[%swap3A_390, %swap3A_391] {strides = array<i32>} : memref<128x128xf32, #tpu.memory_space<vmem>>, vector<16xf32>,
        tpu.vector_store %arg13[%swap3A_390, %swap3A_391], %mul3A_389 {strides = array<i32>} : memref<128x128xf32, #tpu.memory_space<vmem>>, vector<16xf32>,
        %get3A_393 = arith.index_cast %add3A_341 : i32 to index
        %get3A_394 = arith.constant 112 : index
        %get3A_395 = tpu.vector_load %arg13[%get3A_393, %get3A_394] {strides = array<i32>} : memref<128x128xf32, #tpu.memory_space<vmem>>, vector<16xf32>,
        %mul3A_396 = arith.mulf %get3A_395, %gather3A_343 : vector<16xf32>
        %swap3A_397 = arith.index_cast %add3A_341 : i32 to index
        %swap3A_398 = arith.constant 112 : index
        %swap3A_399 = tpu.vector_load %arg13[%swap3A_397, %swap3A_398] {strides = array<i32>} : memref<128x128xf32, #tpu.memory_space<vmem>>, vector<16xf32>,
        tpu.vector_store %arg13[%swap3A_397, %swap3A_398], %mul3A_396 {strides = array<i32>} : memref<128x128xf32, #tpu.memory_space<vmem>>, vector<16xf32>,
      }
      %scan3A_157 = arith.constant 32 : i32
      "tpu.region"() ({
        %run_scoped3A = tpu.sem_alloc : memref<!tpu.dma_semaphore, #tpu.memory_space<semaphore_mem>>
        %dma_start3A_158 = arith.constant 0 : i32
        %dma_start3A_159 = arith.constant 0 : i32
        %dma_start3A_160 = tpu.memref_slice %arg14[%dma_start3A_158, %dma_start3A_159] : memref<10240x128xf32, #tpu.memory_space<vmem_shared>> -> memref<10240x128xf32, #tpu.memory_space<vmem_shared>>
        tpu.enqueue_indirect_dma source(%arg13 : memref<128x128xf32, #tpu.memory_space<vmem>>) target(%dma_start3A_160 : memref<10240x128xf32, #tpu.memory_space<vmem_shared>>) offsets(%arg9 : memref<128xi32, #tpu.memory_space<vmem>>) semaphore(%run_scoped3A : memref<!tpu.dma_semaphore, #tpu.memory_space<semaphore_mem>>) {add = true}
        %dma_wait3A_161 = arith.constant 0 : i32
        %dma_wait3A_162 = arith.constant 0 : i32
        %dma_wait3A_163 = tpu.memref_slice %arg14[%dma_wait3A_161, %dma_wait3A_162] : memref<10240x128xf32, #tpu.memory_space<vmem_shared>> -> memref<10240x128xf32, #tpu.memory_space<vmem_shared>>
        tpu.wait_indirect_dma semaphore(%run_scoped3A : memref<!tpu.dma_semaphore, #tpu.memory_space<semaphore_mem>>) src(%arg13 : memref<128x128xf32, #tpu.memory_space<vmem>>) dst(%dma_wait3A_163 : memref<10240x128xf32, #tpu.memory_space<vmem_shared>>)
        tpu.yield
      }) : () -> ()
    }
    %scan3A_39 = arith.constant 40 : i32
    %dma_wait3A = arith.constant 0 : i32
    %dma_wait3A_40 = arith.constant 0 : i32
    %dma_wait3A_41 = tpu.memref_slice %arg7[%dma_wait3A, %dma_wait3A_40] : memref<80x128xi32, #tpu.memory_space<vmem>> -> memref<1x128xi32, #tpu.memory_space<vmem>>
    %dma_wait3A_42 = tpu.memref_squeeze %dma_wait3A_41 : memref<1x128xi32, #tpu.memory_space<vmem>> -> memref<128xi32, #tpu.memory_space<vmem>>
    %dma_wait3A_43 = arith.constant 0 : i32
    %dma_wait3A_44 = arith.constant 0 : i32
    %dma_wait3A_45 = tpu.memref_slice %arg2[%dma_wait3A_43, %dma_wait3A_44] : memref<10240x128xf32, #tpu.memory_space<hbm>> -> memref<10240x128xf32, #tpu.memory_space<hbm>>
    tpu.wait_indirect_dma semaphore(%arg15 : memref<!tpu.dma_semaphore, #tpu.memory_space<semaphore_mem>>) src(%dma_wait3A_45 : memref<10240x128xf32, #tpu.memory_space<hbm>>) dst(%arg12 : memref<128x128xf32, #tpu.memory_space<vmem>>)
    %dma_wait3A_46 = arith.constant 0 : i32
    %dma_wait3A_47 = arith.constant 0 : i32
    %dma_wait3A_48 = tpu.memref_slice %arg4[%dma_wait3A_46, %dma_wait3A_47] : memref<32x10240xi32, #tpu.memory_space<hbm>> -> memref<1x128xi32, #tpu.memory_space<hbm>>
    %dma_wait3A_49 = tpu.memref_squeeze %dma_wait3A_48 : memref<1x128xi32, #tpu.memory_space<hbm>> -> memref<128xi32, #tpu.memory_space<hbm>>
    %dma_wait3A_50 = arith.constant 0 : i32
    %dma_wait3A_51 = tpu.memref_slice %arg4[%dma_wait3A_46, %dma_wait3A_50] : memref<32x10240xi32, #tpu.memory_space<hbm>> -> memref<1x128xi32, #tpu.memory_space<hbm>>
    %dma_wait3A_52 = tpu.memref_squeeze %dma_wait3A_51 : memref<1x128xi32, #tpu.memory_space<hbm>> -> memref<128xi32, #tpu.memory_space<hbm>>
    tpu.wait_dma2 semaphore(%arg17 : memref<!tpu.dma_semaphore, #tpu.memory_space<semaphore_mem>>) src(%dma_wait3A_52 : memref<128xi32, #tpu.memory_space<hbm>>) dst(%arg8 : memref<128xi32, #tpu.memory_space<vmem>>)
    %dma_wait3A_53 = arith.constant 0 : i32
    %dma_wait3A_54 = arith.constant 0 : i32
    %dma_wait3A_55 = tpu.memref_slice %arg5[%dma_wait3A_53, %dma_wait3A_54] : memref<32x10240xf32, #tpu.memory_space<hbm>> -> memref<1x128xf32, #tpu.memory_space<hbm>>
    %dma_wait3A_56 = tpu.memref_squeeze %dma_wait3A_55 : memref<1x128xf32, #tpu.memory_space<hbm>> -> memref<128xf32, #tpu.memory_space<hbm>>
    %dma_wait3A_57 = arith.constant 0 : i32
    %dma_wait3A_58 = tpu.memref_slice %arg5[%dma_wait3A_53, %dma_wait3A_57] : memref<32x10240xf32, #tpu.memory_space<hbm>> -> memref<1x128xf32, #tpu.memory_space<hbm>>
    %dma_wait3A_59 = tpu.memref_squeeze %dma_wait3A_58 : memref<1x128xf32, #tpu.memory_space<hbm>> -> memref<128xf32, #tpu.memory_space<hbm>>
    tpu.wait_dma2 semaphore(%arg17 : memref<!tpu.dma_semaphore, #tpu.memory_space<semaphore_mem>>) src(%dma_wait3A_59 : memref<128xf32, #tpu.memory_space<hbm>>) dst(%arg10 : memref<128xf32, #tpu.memory_space<vmem>>)
    %barrier3A_60 = arith.constant 0 : index
    tpu.barrier barrier_id(%barrier3A_60)
    "tpu.region"() ({
      %run_scoped3A = tpu.sem_alloc : memref<!tpu.dma_semaphore, #tpu.memory_space<semaphore_mem>>
      %dma_start3A_61 = arith.constant 0 : i32
      %dma_start3A_62 = tpu.memref_slice %arg6[%arg0, %mul3A_24, %dma_start3A_61] : memref<2x10240x128xf32, #tpu.memory_space<hbm>> -> memref<1x640x128xf32, #tpu.memory_space<hbm>>
      %dma_start3A_63 = tpu.memref_squeeze %dma_start3A_62 : memref<1x640x128xf32, #tpu.memory_space<hbm>> -> memref<640x128xf32, #tpu.memory_space<hbm>>
      %dma_start3A_64 = arith.constant 0 : i32
      %dma_start3A_65 = tpu.memref_slice %arg14[%mul3A_24, %dma_start3A_64] : memref<10240x128xf32, #tpu.memory_space<vmem_shared>> -> memref<640x128xf32, #tpu.memory_space<vmem_shared>>
      tpu.enqueue_dma source(%dma_start3A_65 : memref<640x128xf32, #tpu.memory_space<vmem_shared>>) target(%dma_start3A_63 : memref<640x128xf32, #tpu.memory_space<hbm>>) target_semaphore(%run_scoped3A : memref<!tpu.dma_semaphore, #tpu.memory_space<semaphore_mem>>)
      %dma_wait3A_66 = arith.constant 0 : i32
      %dma_wait3A_67 = tpu.memref_slice %arg6[%arg0, %mul3A_24, %dma_wait3A_66] : memref<2x10240x128xf32, #tpu.memory_space<hbm>> -> memref<1x640x128xf32, #tpu.memory_space<hbm>>
      %dma_wait3A_68 = tpu.memref_squeeze %dma_wait3A_67 : memref<1x640x128xf32, #tpu.memory_space<hbm>> -> memref<640x128xf32, #tpu.memory_space<hbm>>
      %dma_wait3A_69 = arith.constant 0 : i32
      %dma_wait3A_70 = tpu.memref_slice %arg14[%mul3A_24, %dma_wait3A_69] : memref<10240x128xf32, #tpu.memory_space<vmem_shared>> -> memref<640x128xf32, #tpu.memory_space<vmem_shared>>
      tpu.wait_dma2 semaphore(%run_scoped3A : memref<!tpu.dma_semaphore, #tpu.memory_space<semaphore_mem>>) src(%dma_wait3A_70 : memref<640x128xf32, #tpu.memory_space<vmem_shared>>) dst(%dma_wait3A_68 : memref<640x128xf32, #tpu.memory_space<hbm>>)
      tpu.yield
    }) : () -> ()
    return
  }
}

module attributes {stable_mosaic.version = 14 : i64} {
  func.func @body(%arg0: i32, %arg1: memref<1000x128xf32, #tpu.memory_space<vmem>>, %arg2: memref<128x128xf32, #tpu.memory_space<vmem>>, %arg3: memref<1000x128xf32, #tpu.memory_space<vmem>>) attributes {dimension_semantics = [#tpu.dimension_semantics<arbitrary>], iteration_bounds = array<i64: 10>, scalar_prefetch = 0 : i64, scratch_operands = 0 : i64, tpu.core_type = #tpu.core_type<tc>, window_params = [{transform_indices = @transform_0, window_bounds = array<i64: 1000, 128>}, {pipeline_mode = #tpu.pipeline_mode<synchronous>, transform_indices = @transform_1, window_bounds = array<i64: 128, 128>}, {transform_indices = @transform_2, window_bounds = array<i64: 1000, 128>}]} {
    %get3A = arith.constant 0 : index
    %get3A_0 = arith.constant 0 : index
    %get3A_1 = vector.load %arg1[%get3A, %get3A_0] : memref<1000x128xf32, #tpu.memory_space<vmem>>, vector<1000x128xf32>
    %get3A_2 = arith.constant 0 : index
    %get3A_3 = arith.constant 0 : index
    %get3A_4 = vector.load %arg2[%get3A_2, %get3A_3] : memref<128x128xf32, #tpu.memory_space<vmem>>, vector<128x128xf32>
    %dot_general3A = arith.constant dense<0.000000e+00> : vector<1000x128xf32>
    %dot_general3A_5 = tpu.matmul %get3A_1, %get3A_4, %dot_general3A {dimension_numbers = #tpu.dot_dimension_numbers<[1], [0], [0], [1], [0, 0, 1, 1], [], []>, transpose_lhs_hint = false} : vector<1000x128xf32>, vector<128x128xf32>, vector<1000x128xf32> -> vector<1000x128xf32>
    %swap3A = arith.constant 0 : index
    %swap3A_6 = arith.constant 0 : index
    %swap3A_7 = vector.load %arg3[%swap3A, %swap3A_6] : memref<1000x128xf32, #tpu.memory_space<vmem>>, vector<1000x128xf32>
    tpu.vector_store %arg3[%swap3A, %swap3A_6], %dot_general3A_5 {strides = array<i32>} : memref<1000x128xf32, #tpu.memory_space<vmem>>, vector<1000x128xf32>,
    return
  }
  func.func @transform_0(%arg0: i32) -> (i32, i32) {
    %c0_i32 = arith.constant 0 : i32
    %c0_i32_0 = arith.constant 0 : i32
    return %arg0, %c0_i32 : i32, i32
  }
  func.func @transform_1(%arg0: i32) -> (i32, i32) {
    %c0_i32 = arith.constant 0 : i32
    %c0_i32_0 = arith.constant 0 : i32
    %c0_i32_1 = arith.constant 0 : i32
    return %c0_i32, %c0_i32_0 : i32, i32
  }
  func.func @transform_2(%arg0: i32) -> (i32, i32) {
    %c0_i32 = arith.constant 0 : i32
    %c0_i32_0 = arith.constant 0 : i32
    return %arg0, %c0_i32 : i32, i32
  }
}

module attributes {stable_mosaic.version = 14 : i64} {
  func.func @body(%arg0: i32, %arg1: memref<1x1000x128xf32, #tpu.memory_space<vmem>>, %arg2: memref<1x1000x128xf32, #tpu.memory_space<vmem>>, %arg3: memref<1x128xf32, #tpu.memory_space<vmem>>, %arg4: memref<128x128xf32, #tpu.memory_space<vmem>>, %arg5: memref<1000x128xf32, #tpu.memory_space<vmem>>) attributes {dimension_semantics = [#tpu.dimension_semantics<arbitrary>], iteration_bounds = array<i64: 10>, scalar_prefetch = 0 : i64, scratch_operands = 0 : i64, tpu.core_type = #tpu.core_type<tc>, window_params = [{transform_indices = @transform_0, window_bounds = array<i64: 1, 1000, 128>}, {transform_indices = @transform_1, window_bounds = array<i64: 1, 1000, 128>}, {pipeline_mode = #tpu.pipeline_mode<synchronous>, transform_indices = @transform_2, window_bounds = array<i64: 1, 128>}, {pipeline_mode = #tpu.pipeline_mode<synchronous>, transform_indices = @transform_3, window_bounds = array<i64: 128, 128>}, {transform_indices = @transform_4, window_bounds = array<i64: 1000, 128>}]} {
    %get3A = arith.constant 0 : index
    %get3A_0 = arith.constant 0 : index
    %get3A_1 = arith.constant 0 : index
    %get3A_2 = vector.load %arg1[%get3A, %get3A_0, %get3A_1] : memref<1x1000x128xf32, #tpu.memory_space<vmem>>, vector<1x1000x128xf32>
    %get3A_3 = vector.shape_cast %get3A_2 : vector<1x1000x128xf32> to vector<1000x128xf32>
    %get3A_4 = arith.constant 0 : index
    %get3A_5 = arith.constant 0 : index
    %get3A_6 = arith.constant 0 : index
    %get3A_7 = vector.load %arg2[%get3A_4, %get3A_5, %get3A_6] : memref<1x1000x128xf32, #tpu.memory_space<vmem>>, vector<1x1000x128xf32>
    %get3A_8 = vector.shape_cast %get3A_7 : vector<1x1000x128xf32> to vector<1000x128xf32>
    %add3A = arith.addf %get3A_3, %get3A_8 : vector<1000x128xf32>
    %get3A_9 = arith.constant 0 : index
    %get3A_10 = arith.constant 0 : index
    %get3A_11 = vector.load %arg3[%get3A_9, %get3A_10] : memref<1x128xf32, #tpu.memory_space<vmem>>, vector<1x128xf32>
    %add3A_12 = vector.broadcast %get3A_11 : vector<1x128xf32> to vector<1000x128xf32>
    %add3A_13 = arith.addf %add3A, %add3A_12 : vector<1000x128xf32>
    %max3A = arith.constant 0.000000e+00 : f32
    %max3A_14 = vector.broadcast %max3A : f32 to vector<1000x128xf32>
    %max3A_15 = arith.maximumf %add3A_13, %max3A_14 : vector<1000x128xf32>
    %get3A_16 = arith.constant 0 : index
    %get3A_17 = arith.constant 0 : index
    %get3A_18 = vector.load %arg4[%get3A_16, %get3A_17] : memref<128x128xf32, #tpu.memory_space<vmem>>, vector<128x128xf32>
    %dot_general3A = arith.constant dense<0.000000e+00> : vector<1000x128xf32>
    %dot_general3A_19 = tpu.matmul %max3A_15, %get3A_18, %dot_general3A {dimension_numbers = #tpu.dot_dimension_numbers<[1], [0], [0], [1], [0, 0, 1, 1], [], []>, transpose_lhs_hint = false} : vector<1000x128xf32>, vector<128x128xf32>, vector<1000x128xf32> -> vector<1000x128xf32>
    %swap3A = arith.constant 0 : index
    %swap3A_20 = arith.constant 0 : index
    %swap3A_21 = vector.load %arg5[%swap3A, %swap3A_20] : memref<1000x128xf32, #tpu.memory_space<vmem>>, vector<1000x128xf32>
    tpu.vector_store %arg5[%swap3A, %swap3A_20], %dot_general3A_19 {strides = array<i32>} : memref<1000x128xf32, #tpu.memory_space<vmem>>, vector<1000x128xf32>,
    return
  }
  func.func @transform_0(%arg0: i32) -> (i32, i32, i32) {
    %c0_i32 = arith.constant 0 : i32
    %c0_i32_0 = arith.constant 0 : i32
    %c0_i32_1 = arith.constant 0 : i32
    return %c0_i32, %arg0, %c0_i32_0 : i32, i32, i32
  }
  func.func @transform_1(%arg0: i32) -> (i32, i32, i32) {
    %c1_i32 = arith.constant 1 : i32
    %c0_i32 = arith.constant 0 : i32
    %c0_i32_0 = arith.constant 0 : i32
    return %c1_i32, %arg0, %c0_i32 : i32, i32, i32
  }
  func.func @transform_2(%arg0: i32) -> (i32, i32) {
    %c0_i32 = arith.constant 0 : i32
    %c0_i32_0 = arith.constant 0 : i32
    %c0_i32_1 = arith.constant 0 : i32
    return %c0_i32, %c0_i32_0 : i32, i32
  }
  func.func @transform_3(%arg0: i32) -> (i32, i32) {
    %c0_i32 = arith.constant 0 : i32
    %c0_i32_0 = arith.constant 0 : i32
    %c0_i32_1 = arith.constant 0 : i32
    return %c0_i32, %c0_i32_0 : i32, i32
  }
  func.func @transform_4(%arg0: i32) -> (i32, i32) {
    %c0_i32 = arith.constant 0 : i32
    %c0_i32_0 = arith.constant 0 : i32
    return %arg0, %c0_i32 : i32, i32
  }
}

module attributes {stable_mosaic.version = 14 : i64} {
  func.func @body(%arg0: i32, %arg1: memref<1x1000x128xf32, #tpu.memory_space<vmem>>, %arg2: memref<1x1000x128xf32, #tpu.memory_space<vmem>>, %arg3: memref<1x128xf32, #tpu.memory_space<vmem>>, %arg4: memref<128x256xf32, #tpu.memory_space<vmem>>, %arg5: memref<1x256xf32, #tpu.memory_space<vmem>>, %arg6: memref<256x256xf32, #tpu.memory_space<vmem>>, %arg7: memref<1x256xf32, #tpu.memory_space<vmem>>, %arg8: memref<256x256xf32, #tpu.memory_space<vmem>>, %arg9: memref<1x256xf32, #tpu.memory_space<vmem>>, %arg10: memref<256x40xf32, #tpu.memory_space<vmem>>, %arg11: memref<1x40xf32, #tpu.memory_space<vmem>>, %arg12: memref<1000x40xf32, #tpu.memory_space<vmem>>) attributes {dimension_semantics = [#tpu.dimension_semantics<arbitrary>], iteration_bounds = array<i64: 10>, scalar_prefetch = 0 : i64, scratch_operands = 0 : i64, tpu.core_type = #tpu.core_type<tc>, window_params = [{transform_indices = @transform_0, window_bounds = array<i64: 1, 1000, 128>}, {transform_indices = @transform_1, window_bounds = array<i64: 1, 1000, 128>}, {pipeline_mode = #tpu.pipeline_mode<synchronous>, transform_indices = @transform_2, window_bounds = array<i64: 1, 128>}, {pipeline_mode = #tpu.pipeline_mode<synchronous>, transform_indices = @transform_3, window_bounds = array<i64: 128, 256>}, {pipeline_mode = #tpu.pipeline_mode<synchronous>, transform_indices = @transform_4, window_bounds = array<i64: 1, 256>}, {pipeline_mode = #tpu.pipeline_mode<synchronous>, transform_indices = @transform_5, window_bounds = array<i64: 256, 256>}, {pipeline_mode = #tpu.pipeline_mode<synchronous>, transform_indices = @transform_6, window_bounds = array<i64: 1, 256>}, {pipeline_mode = #tpu.pipeline_mode<synchronous>, transform_indices = @transform_7, window_bounds = array<i64: 256, 256>}, {pipeline_mode = #tpu.pipeline_mode<synchronous>, transform_indices = @transform_8, window_bounds = array<i64: 1, 256>}, {pipeline_mode = #tpu.pipeline_mode<synchronous>, transform_indices = @transform_9, window_bounds = array<i64: 256, 40>}, {pipeline_mode = #tpu.pipeline_mode<synchronous>, transform_indices = @transform_10, window_bounds = array<i64: 1, 40>}, {transform_indices = @transform_11, window_bounds = array<i64: 1000, 40>}]} {
    %get3A = arith.constant 0 : index
    %get3A_0 = arith.constant 0 : index
    %get3A_1 = arith.constant 0 : index
    %get3A_2 = vector.load %arg1[%get3A, %get3A_0, %get3A_1] : memref<1x1000x128xf32, #tpu.memory_space<vmem>>, vector<1x1000x128xf32>
    %get3A_3 = vector.shape_cast %get3A_2 : vector<1x1000x128xf32> to vector<1000x128xf32>
    %get3A_4 = arith.constant 0 : index
    %get3A_5 = arith.constant 0 : index
    %get3A_6 = arith.constant 0 : index
    %get3A_7 = vector.load %arg2[%get3A_4, %get3A_5, %get3A_6] : memref<1x1000x128xf32, #tpu.memory_space<vmem>>, vector<1x1000x128xf32>
    %get3A_8 = vector.shape_cast %get3A_7 : vector<1x1000x128xf32> to vector<1000x128xf32>
    %add3A = arith.addf %get3A_3, %get3A_8 : vector<1000x128xf32>
    %get3A_9 = arith.constant 0 : index
    %get3A_10 = arith.constant 0 : index
    %get3A_11 = vector.load %arg3[%get3A_9, %get3A_10] : memref<1x128xf32, #tpu.memory_space<vmem>>, vector<1x128xf32>
    %add3A_12 = vector.broadcast %get3A_11 : vector<1x128xf32> to vector<1000x128xf32>
    %add3A_13 = arith.addf %add3A, %add3A_12 : vector<1000x128xf32>
    %get3A_14 = arith.constant 0 : index
    %get3A_15 = arith.constant 0 : index
    %get3A_16 = vector.load %arg4[%get3A_14, %get3A_15] : memref<128x256xf32, #tpu.memory_space<vmem>>, vector<128x256xf32>
    %dot_general3A = arith.constant dense<0.000000e+00> : vector<1000x256xf32>
    %dot_general3A_17 = tpu.matmul %add3A_13, %get3A_16, %dot_general3A {dimension_numbers = #tpu.dot_dimension_numbers<[1], [0], [0], [1], [0, 0, 1, 1], [], []>, transpose_lhs_hint = false} : vector<1000x128xf32>, vector<128x256xf32>, vector<1000x256xf32> -> vector<1000x256xf32>
    %get3A_18 = arith.constant 0 : index
    %get3A_19 = arith.constant 0 : index
    %get3A_20 = vector.load %arg5[%get3A_18, %get3A_19] : memref<1x256xf32, #tpu.memory_space<vmem>>, vector<1x256xf32>
    %add3A_21 = vector.broadcast %get3A_20 : vector<1x256xf32> to vector<1000x256xf32>
    %add3A_22 = arith.addf %dot_general3A_17, %add3A_21 : vector<1000x256xf32>
    %max3A = arith.constant 0.000000e+00 : f32
    %max3A_23 = vector.broadcast %max3A : f32 to vector<1000x256xf32>
    %max3A_24 = arith.maximumf %add3A_22, %max3A_23 : vector<1000x256xf32>
    %get3A_25 = arith.constant 0 : index
    %get3A_26 = arith.constant 0 : index
    %get3A_27 = vector.load %arg6[%get3A_25, %get3A_26] : memref<256x256xf32, #tpu.memory_space<vmem>>, vector<256x256xf32>
    %dot_general3A_28 = arith.constant dense<0.000000e+00> : vector<1000x256xf32>
    %dot_general3A_29 = tpu.matmul %max3A_24, %get3A_27, %dot_general3A_28 {dimension_numbers = #tpu.dot_dimension_numbers<[1], [0], [0], [1], [0, 0, 1, 1], [], []>, transpose_lhs_hint = false} : vector<1000x256xf32>, vector<256x256xf32>, vector<1000x256xf32> -> vector<1000x256xf32>
    %get3A_30 = arith.constant 0 : index
    %get3A_31 = arith.constant 0 : index
    %get3A_32 = vector.load %arg7[%get3A_30, %get3A_31] : memref<1x256xf32, #tpu.memory_space<vmem>>, vector<1x256xf32>
    %add3A_33 = vector.broadcast %get3A_32 : vector<1x256xf32> to vector<1000x256xf32>
    %add3A_34 = arith.addf %dot_general3A_29, %add3A_33 : vector<1000x256xf32>
    %max3A_35 = arith.constant 0.000000e+00 : f32
    %max3A_36 = vector.broadcast %max3A_35 : f32 to vector<1000x256xf32>
    %max3A_37 = arith.maximumf %add3A_34, %max3A_36 : vector<1000x256xf32>
    %get3A_38 = arith.constant 0 : index
    %get3A_39 = arith.constant 0 : index
    %get3A_40 = vector.load %arg8[%get3A_38, %get3A_39] : memref<256x256xf32, #tpu.memory_space<vmem>>, vector<256x256xf32>
    %dot_general3A_41 = arith.constant dense<0.000000e+00> : vector<1000x256xf32>
    %dot_general3A_42 = tpu.matmul %max3A_37, %get3A_40, %dot_general3A_41 {dimension_numbers = #tpu.dot_dimension_numbers<[1], [0], [0], [1], [0, 0, 1, 1], [], []>, transpose_lhs_hint = false} : vector<1000x256xf32>, vector<256x256xf32>, vector<1000x256xf32> -> vector<1000x256xf32>
    %get3A_43 = arith.constant 0 : index
    %get3A_44 = arith.constant 0 : index
    %get3A_45 = vector.load %arg9[%get3A_43, %get3A_44] : memref<1x256xf32, #tpu.memory_space<vmem>>, vector<1x256xf32>
    %add3A_46 = vector.broadcast %get3A_45 : vector<1x256xf32> to vector<1000x256xf32>
    %add3A_47 = arith.addf %dot_general3A_42, %add3A_46 : vector<1000x256xf32>
    %max3A_48 = arith.constant 0.000000e+00 : f32
    %max3A_49 = vector.broadcast %max3A_48 : f32 to vector<1000x256xf32>
    %max3A_50 = arith.maximumf %add3A_47, %max3A_49 : vector<1000x256xf32>
    %get3A_51 = arith.constant 0 : index
    %get3A_52 = arith.constant 0 : index
    %get3A_53 = vector.load %arg10[%get3A_51, %get3A_52] : memref<256x40xf32, #tpu.memory_space<vmem>>, vector<256x40xf32>
    %dot_general3A_54 = arith.constant dense<0.000000e+00> : vector<1000x40xf32>
    %dot_general3A_55 = tpu.matmul %max3A_50, %get3A_53, %dot_general3A_54 {dimension_numbers = #tpu.dot_dimension_numbers<[1], [0], [0], [1], [0, 0, 1, 1], [], []>, transpose_lhs_hint = false} : vector<1000x256xf32>, vector<256x40xf32>, vector<1000x40xf32> -> vector<1000x40xf32>
    %get3A_56 = arith.constant 0 : index
    %get3A_57 = arith.constant 0 : index
    %get3A_58 = vector.load %arg11[%get3A_56, %get3A_57] : memref<1x40xf32, #tpu.memory_space<vmem>>, vector<1x40xf32>
    %add3A_59 = vector.broadcast %get3A_58 : vector<1x40xf32> to vector<1000x40xf32>
    %add3A_60 = arith.addf %dot_general3A_55, %add3A_59 : vector<1000x40xf32>
    %reduce_max3A = arith.constant dense<0xFF800000> : vector<1000xf32>
    %reduce_max3A_61 = vector.multi_reduction <maximumf>, %add3A_60, %reduce_max3A [1] : vector<1000x40xf32> to vector<1000xf32>
    %broadcast_in_dim3A = vector.shape_cast %reduce_max3A_61 : vector<1000xf32> to vector<1000x1xf32>
    %sub3A = vector.broadcast %broadcast_in_dim3A : vector<1000x1xf32> to vector<1000x40xf32>
    %sub3A_62 = arith.subf %add3A_60, %sub3A : vector<1000x40xf32>
    %exp3A = math.exp %sub3A_62 : vector<1000x40xf32>
    %reduce_sum3A = arith.constant dense<0.000000e+00> : vector<1000xf32>
    %reduce_sum3A_63 = vector.multi_reduction <add>, %exp3A, %reduce_sum3A [1] : vector<1000x40xf32> to vector<1000xf32>
    %broadcast_in_dim3A_64 = vector.shape_cast %reduce_sum3A_63 : vector<1000xf32> to vector<1000x1xf32>
    %div3A = vector.broadcast %broadcast_in_dim3A_64 : vector<1000x1xf32> to vector<1000x40xf32>
    %div3A_65 = arith.divf %exp3A, %div3A : vector<1000x40xf32>
    %swap3A = arith.constant 0 : index
    %swap3A_66 = arith.constant 0 : index
    %swap3A_67 = vector.load %arg12[%swap3A, %swap3A_66] : memref<1000x40xf32, #tpu.memory_space<vmem>>, vector<1000x40xf32>
    tpu.vector_store %arg12[%swap3A, %swap3A_66], %div3A_65 {strides = array<i32>} : memref<1000x40xf32, #tpu.memory_space<vmem>>, vector<1000x40xf32>,
    return
  }
  func.func @transform_0(%arg0: i32) -> (i32, i32, i32) {
    %c0_i32 = arith.constant 0 : i32
    %c0_i32_0 = arith.constant 0 : i32
    %c0_i32_1 = arith.constant 0 : i32
    return %c0_i32, %arg0, %c0_i32_0 : i32, i32, i32
  }
  func.func @transform_1(%arg0: i32) -> (i32, i32, i32) {
    %c1_i32 = arith.constant 1 : i32
    %c0_i32 = arith.constant 0 : i32
    %c0_i32_0 = arith.constant 0 : i32
    return %c1_i32, %arg0, %c0_i32 : i32, i32, i32
  }
  func.func @transform_2(%arg0: i32) -> (i32, i32) {
    %c0_i32 = arith.constant 0 : i32
    %c0_i32_0 = arith.constant 0 : i32
    %c0_i32_1 = arith.constant 0 : i32
    return %c0_i32, %c0_i32_0 : i32, i32
  }
  func.func @transform_3(%arg0: i32) -> (i32, i32) {
    %c0_i32 = arith.constant 0 : i32
    %c0_i32_0 = arith.constant 0 : i32
    %c0_i32_1 = arith.constant 0 : i32
    return %c0_i32, %c0_i32_0 : i32, i32
  }
  func.func @transform_4(%arg0: i32) -> (i32, i32) {
    %c0_i32 = arith.constant 0 : i32
    %c0_i32_0 = arith.constant 0 : i32
    %c0_i32_1 = arith.constant 0 : i32
    return %c0_i32, %c0_i32_0 : i32, i32
  }
  func.func @transform_5(%arg0: i32) -> (i32, i32) {
    %c0_i32 = arith.constant 0 : i32
    %c0_i32_0 = arith.constant 0 : i32
    %c0_i32_1 = arith.constant 0 : i32
    return %c0_i32, %c0_i32_0 : i32, i32
  }
  func.func @transform_6(%arg0: i32) -> (i32, i32) {
    %c0_i32 = arith.constant 0 : i32
    %c0_i32_0 = arith.constant 0 : i32
    %c0_i32_1 = arith.constant 0 : i32
    return %c0_i32, %c0_i32_0 : i32, i32
  }
  func.func @transform_7(%arg0: i32) -> (i32, i32) {
    %c0_i32 = arith.constant 0 : i32
    %c0_i32_0 = arith.constant 0 : i32
    %c0_i32_1 = arith.constant 0 : i32
    return %c0_i32, %c0_i32_0 : i32, i32
  }
  func.func @transform_8(%arg0: i32) -> (i32, i32) {
    %c0_i32 = arith.constant 0 : i32
    %c0_i32_0 = arith.constant 0 : i32
    %c0_i32_1 = arith.constant 0 : i32
    return %c0_i32, %c0_i32_0 : i32, i32
  }
  func.func @transform_9(%arg0: i32) -> (i32, i32) {
    %c0_i32 = arith.constant 0 : i32
    %c0_i32_0 = arith.constant 0 : i32
    %c0_i32_1 = arith.constant 0 : i32
    return %c0_i32, %c0_i32_0 : i32, i32
  }
  func.func @transform_10(%arg0: i32) -> (i32, i32) {
    %c0_i32 = arith.constant 0 : i32
    %c0_i32_0 = arith.constant 0 : i32
    %c0_i32_1 = arith.constant 0 : i32
    return %c0_i32, %c0_i32_0 : i32, i32
  }
  func.func @transform_11(%arg0: i32) -> (i32, i32) {
    %c0_i32 = arith.constant 0 : i32
    %c0_i32_0 = arith.constant 0 : i32
    return %arg0, %c0_i32 : i32, i32
  }
}

</mosaic_0001>

<sc_bundles>
// kernel: kernel.10.cloned.1.call-start
scs
__scs_entry_jumppad:
0x0: {  	(pc) =	sbr.rel $0x88, $3  }
0x1: {  	(tag) =	ssettag $0x0;
	lr =	simm.s32 $0x1  }
0x2: {  	[smem:$0x3F92] =	sst lr;
	_ =	strace $0xD0000000  }
0x3: {  	_ = 	snop  }
0x4: {  	_ = 	snop  }
0x5: {  	_ = 	snop  }
0x6: {  	_ = 	snop  }
0x7: {  	_ = 	snop  }
__scs_overlays_trampoline_lowered:
0x8: {  	[smem:$0x3FA1] =	sst s0  }
0x9: {  	[smem:$0x3FA2] =	sst s1  }
0xa: {  	[smem:$0x3FA3] =	sst s2  }
0xb: {  	[smem:$0x3FA4] =	sst s3  }
0xc: {  	[smem:$0x3FA5] =	sst s4  }
0xd: {  	[smem:$0x3FA6] =	sst s5  }
0xe: {  	[smem:$0x3FA7] =	sst s6  }
0xf: {  	[smem:$0x3FA8] =	sst s7  }
0x10: {  	[smem:$0x3FA9] =	sst s8  }
0x11: {  	[smem:$0x3FAA] =	sst s9;
	s0 =	simm.s32 @!p0 $0x0  }
0x12: {  	s1 =	sld [smem:$0x3F90];
	s0 =	simm.s32 @p0 $0x1  }
0x13: {  	[smem:$0x3FAB] =	sst s0;
	s0 =	simm.s32 @!p1 $0x0  }
0x14: {  	s2 =	sld [smem:$0x3F8F];
	s0 =	simm.s32 @p1 $0x1  }
0x15: {  	[smem:$0x3FAC] =	sst s0;
	s0 =	simm.s32 @!p2 $0x0  }
0x16: {  	s3 =	sld [smem:$0x3FDB];
	s0 =	simm.s32 @p2 $0x1  }
0x17: {  	s4 =	simm.s32 $0x1BF5;
	[smem:$0x3FAE] =	sst s0  }
0x18: {  	s0 =	sld [smem:$0x3F91];
	_ =	swait.ge [sflag:s4], $0x0  }
0x19: {  	s7 =	sld [smem:$0x3F92]  }
0x1a: {  	s8 =	sadd.s32 $0xFFFFE003, lr  }
0x1b: {  	s9 =	sadd.s32 $0xFFFFFEF7, lr;
	s5 =	simm.s32 $0xFFFFFFFF;
	p2 =	slt.u32 s8, $0xFFFFF086  }
0x1c: {  	p1 =	slt.u32 s9, $0xF7A;
	s5 =	simm.s32 @!p2 $0x0  }
0x1d: {  	s5 =	simm.s32 @p1 $0x1;
	p0 =	seq.s32 s7, s2  }
0x1e: {  	s7 =	smul.u32 @!p0 $0xF7A, s2;
	p2 =	seq.s32 @!p0 s5, $0x0  }
0x1f: {  	s9 =	smul.u32 $0xF7A, s1;
	s8 =	simm.s32 @!p0 $0x1BF5;
	p2 =	por !p2, p0  }
0x20: {  	[sflag:s8] =	ssyncset.s32 @!p0 $0xFFFFF086;
	s6 =	sadd.s32 @!p0 s3, s7;
	s7 =	simm.s32 @!p0 $0x108  }
0x21: {  	s3 =	sadd.s32 s3, s9;
	s6 =	sadd.s32 @!p0 $0x88, s6;
	s7 =	simm.s32 @p2 $0x1082  }
0x22: {  	[simem:s7], [sflag:s8] =	dma.local @!p0 [hbm:s6], $0xF7A  }
0x23: {  	s9 =	sor.u32 $0xD0000000, s2;
	s6 =	simm.s32 $0x108;
	_ =	swait.ge @!p0 [sflag:s8], $0x0  }
0x24: {  	s3 =	sadd.s32 $0x88, s3;
	s6 =	simm.s32 @!p1 $0x1082;
	[sflag:s4] =	ssyncset.s32 $0xFFFFF086  }
0x25: {  	[simem:s6], [sflag:s4] =	dma.local [hbm:s3], $0xF7A  }
0x26: {  	[smem:$0x3F92] =	sst s1;
	(tag) =	ssettag s2;
	_ =	strace s9  }
0x27: {  	s1 =	sld [smem:$0x3FA2]  }
0x28: {  	s2 =	sld [smem:$0x3FA3]  }
0x29: {  	s4 =	sld [smem:$0x3FA5]  }
0x2a: {  	p0 =	seq.s32 s5, $0x0;
	s5 =	sld [smem:$0x3FA6]  }
0x2b: {  	s6 =	sld [smem:$0x3FA7]  }
0x2c: {  	s7 =	sld [smem:$0x3FA8]  }
0x2d: {  	s3 =	simm.s32 $0x108;
	s8 =	sld [smem:$0x3FA9]  }
0x2e: {  	s3 =	simm.s32 @!p0 $0x1082;
	s9 =	sld [smem:$0x3FAA]  }
0x2f: {  	lr =	sadd.s32 s0, s3;
	s0 =	sld [smem:$0x3FA1]  }
0x30: {  	s3 =	sld [smem:$0x3FA4]  }
0x31: {  	[smem:$0x3FAD] =	sst s10  }
0x32: {  	s10 =	sld [smem:$0x3FAB];
	_ =	sdelay $0x3  }
0x33: {  	p0 =	seq.s32 s10, $0x1;
	s10 =	sld [smem:$0x3FAD];
	_ =	sdelay $0x3  }
0x34: {  	[smem:$0x3FAD] =	sst s10  }
0x35: {  	s10 =	sld [smem:$0x3FAC];
	_ =	sdelay $0x3  }
0x36: {  	p1 =	seq.s32 s10, $0x1;
	s10 =	sld [smem:$0x3FAD];
	_ =	sdelay $0x3  }
0x37: {  	[smem:$0x3FAD] =	sst s10  }
0x38: {  	s10 =	sld [smem:$0x3FAE]  }
0x39: {  	_ = 	snop;
	(pc) =	sbr.ind lr, $3  }
0x3a: {  	_ = 	snop  }
0x3b: {  	_ = 	snop  }
0x3c: {  	p2 =	seq.s32 s10, $0x1;
	s10 =	sld [smem:$0x3FAD]  }
0x3d: {  	_ =	shalt  }
0x3e: {  	_ =	shalt  }
0x3f: {  	_ =	shalt  }
0x40: {  	_ =	shalt  }
0x41: {  	_ =	shalt  }
0x42: {  	_ =	shalt  }
0x43: {  	_ =	shalt  }
0x44: {  	_ =	shalt  }
0x45: {  	_ =	shalt  }
0x46: {  	_ =	shalt  }
0x47: {  	_ =	shalt  }
0x48: {  	_ =	shalt  }
0x49: {  	_ =	shalt  }
0x4a: {  	_ =	shalt  }
0x4b: {  	_ =	shalt  }
0x4c: {  	_ =	shalt  }
0x4d: {  	_ =	shalt  }
0x4e: {  	_ =	shalt  }
0x4f: {  	_ =	shalt  }
0x50: {  	_ =	shalt  }
0x51: {  	_ =	shalt  }
0x52: {  	_ =	shalt  }
0x53: {  	_ =	shalt  }
0x54: {  	_ =	shalt  }
0x55: {  	_ =	shalt  }
0x56: {  	_ =	shalt  }
0x57: {  	_ =	shalt  }
0x58: {  	_ =	shalt  }
0x59: {  	_ =	shalt  }
0x5a: {  	_ =	shalt  }
0x5b: {  	_ =	shalt  }
0x5c: {  	_ =	shalt  }
0x5d: {  	_ =	shalt  }
0x5e: {  	_ =	shalt  }
0x5f: {  	_ =	shalt  }
0x60: {  	_ =	shalt  }
0x61: {  	_ =	shalt  }
0x62: {  	_ =	shalt  }
0x63: {  	_ =	shalt  }
0x64: {  	_ =	shalt  }
0x65: {  	_ =	shalt  }
0x66: {  	_ =	shalt  }
0x67: {  	_ =	shalt  }
0x68: {  	_ =	shalt  }
0x69: {  	_ =	shalt  }
0x6a: {  	_ =	shalt  }
0x6b: {  	_ =	shalt  }
0x6c: {  	_ =	shalt  }
0x6d: {  	_ =	shalt  }
0x6e: {  	_ =	shalt  }
0x6f: {  	_ =	shalt  }
0x70: {  	_ =	shalt  }
0x71: {  	_ =	shalt  }
0x72: {  	_ =	shalt  }
0x73: {  	_ =	shalt  }
0x74: {  	_ =	shalt  }
0x75: {  	_ =	shalt  }
0x76: {  	_ =	shalt  }
0x77: {  	_ =	shalt  }
0x78: {  	_ =	shalt  }
0x79: {  	_ =	shalt  }
0x7a: {  	_ =	shalt  }
0x7b: {  	_ =	shalt  }
0x7c: {  	_ =	shalt  }
0x7d: {  	_ =	shalt  }
0x7e: {  	_ =	shalt  }
0x7f: {  	_ =	shalt  }
0x80: {  	_ =	shalt  }
0x81: {  	_ =	shalt  }
0x82: {  	_ =	shalt  }
0x83: {  	_ =	shalt  }
0x84: {  	_ =	shalt  }
0x85: {  	_ =	shalt  }
0x86: {  	_ =	shalt  }
0x87: {  	_ =	shalt  }
.Lfunc_end0:
.L_simem_size_0:
called_computation.1_lowered:
.L_overlay_start_0:
0x88: {  	s2 =	sld [smem:$0x3FD9]  }
0x89: {  	s3 =	sld [smem:$0x3FFE];
	_ =	sdelay $0x1  }
0x8a: {  	s1 =	srdreg.scid  }
0x8b: {  	s0 =	sand.u32 $0x1, s1  }
0x8c: {  	s17 =	sshll.u32 s0, $0xA;
	s2 =	sadd.s32 s3, s2  }
0x8d: {  	s2 =	sadd.s32 s2, s17  }
0x8e: {  	[smem:$0x3FB9] =	sst s2  }
0x8f: {  	_ = 	snop  }
0x90: {  	s2 =	sld [smem:$0x3FD0];
	(tm) =	ssettm $0x1  }
0x91: {  	s18 =	sld [smem:$0x3FFB];
	_ =	sdelay $0x3  }
0x92: {  	_ =	strace s18  }
0x93: {  	s3 =	sld [smem:$0x3FFC];
	_ =	sdelay $0x3  }
0x94: {  	_ =	strace s3  }
0x95: {  	s3 =	sld [smem:$0x3FFD];
	_ =	sdelay $0x3  }
0x96: {  	_ =	strace s3  }
0x97: {  	_ =	strace $0x8FFFFFFF  }
0x98: {  	s19 =	sld [smem:$0x3FDB];
	_ =	sdelay $0x1  }
0x99: {  	s4 =	simm.s32 $_scs_section_size  }
0x9a: {  	s5 =	simm.s32 $_size__tile_overlayer_lowered;
	s6 =	simm.s32 $_tile_overlayer_lowered  }
0x9b: {  	s22 =	simm.s32 $0x1BFF;
	s21 =	sshll.u32 s6, $0x1;
	s3 =	sadd.s32 s4, s19  }
0x9c: {  	s7 =	simm.s32 $0x0;
	s20 =	sshll.u32 s5, $0x1;
	s5 =	sadd.s32 s21, s3  }
0x9d: {  	[timem:s7], [sflag:s22] =	dma.local [hbm:s5], s20  }
0x9e: {  	_ =	swait.ge [sflag:s22], s20  }
0x9f: {  	s4 =	ssub.s32 $0x0, s20;
	[sflag:s22] =	ssyncset.done $0x0  }
0xa0: {  	[sflag:s22] =	ssyncadd.s32 s4;
	_ =	sdelay $0x1  }
0xa1: {  	s23 =	simm.s32 $0x1B8B  }
0xa2: {  	_ =	swait.ge [sflag:s23], $0x1  }
0xa3: {  	[sflag:s23] =	ssyncset.done $0x0  }
0xa4: {  	s25 =	simm.s32 $0x1B8E;
	s24 =	sld [smem:$0x3FFE];
	[sflag:s23] =	ssyncadd.s32 $0xFFFFFFFF  }
0xa5: {  	s26 =	simm.s32 $execute0_lowered;
	[smem:$0x3FD2] =	sst s25  }
0xa6: {  	s5 =	sshll.u32 s26, $0x1;
	_ =	strace $0x80000049;
	[dreg:$0x1] =	wrdreg $0xFFFFFFFF  }
0xa7: {  	s28 =	simm.s32 $_size_execute0_lowered;
	s3 =	sadd.s32 s3, s5;
	[dreg:$0x0] =	wrdreg $0x0  }
0xa8: {  	s5 =	sshll.u32 s28, $0x1;
	[dreg:$0x2] =	wrdreg s3  }
0xa9: {  	[dreg:$0x3] =	wrdreg s5  }
0xaa: {  	[dreg:$0x4] =	wrdreg $0xC0  }
0xab: {  	_ =	task [dreg:s7], $0x5FFFF  }
0xac: {  	[dreg:$0x1] =	wrdreg $0xFFFFFFFF  }
0xad: {  	[dreg:$0x0] =	wrdreg $0x60  }
0xae: {  	[dreg:$0x2] =	wrdreg s24  }
0xaf: {  	[dreg:$0x3] =	wrdreg s2  }
0xb0: {  	[dreg:$0x4] =	wrdreg $0xAA000  }
0xb1: {  	[dreg:$0x5] =	wrdreg $0x9  }
0xb2: {  	_ =	task.clear_ibuf [dreg:s7], $0x6FFFF;
	_ =	strace $0x90000049  }
0xb3: {  	s29 =	simm.s32 $0x9;
	_ =	strace $0x8000004B  }
0xb4: {  	_ =	swait.ge [sflag:s29], $0x1  }
0xb5: {  	[sflag:s29] =	ssyncadd.s32 $0xFFFFFFFF  }
0xb6: {  	_ =	strace $0x9000004B  }
0xb7: {  	_ =	sfence  }
0xb8: {  	s30 =	sld [smem:$0x0];
	_ =	sdelay $0x2  }
0xb9: {  	s31 =	sshll.u32 s1, $0xD;
	s1 =	sshrl.u32 s1, $0x2  }
0xba: {  	s3 =	sand.u32 $0x4000, s31;
	s1 =	sadd.s32 s1, s30  }
0xbb: {  	s0 =	sor.u32 s3, s0;
	s1 =	sshll.u32 s1, $0x11  }
0xbc: {  	s0 =	sor.u32 s1, s0  }
0xbd: {  	s0 =	sadd.s32 $0x8F2B, s0  }
0xbe: {  	[sflag:s0] =	ssyncadd.remote.s32 $0x1  }
0xbf: {  	_ =	sfence.sel $0xFFFF  }
0xc0: {  	[dreg:$0x0] =	wrdreg $0xFFFFFFFF;
	(pc) =	sbr.abs _section_cstart, $3  }
0xc1: {  	[dreg:$0x1] =	wrdreg $0xFFFFFFFF  }
0xc2: {  	_ =	task.clear_ibuf [dreg:s7], $0x2FFFF;
	_ =	strace $0x9FFFFFFF  }
0xc3: {  	(tm) =	ssettm $0x7FFFFFFF  }
tec
execute0_lowered:
.L_overlay_start_1:
0x0: {  	(tag) =	ssettag $0x1  }
0x1: {  	s0 =	rddreg [dreg:$0x0]  }
0x2: {  	s2 =	rddreg [dreg:$0x1]  }
0x3: {  	s1 =	rddreg [dreg:$0x2];
	s3 =	srdreg.scid  }
0x4: {  	s11 =	stileid.u32;
	s28 =	simm.s32 $0x3;
	s29 =	simm.s32 $0x2  }
0x5: {  	s30 =	simm.s32 $0x4;
	s31 =	simm.s32 $0x0;
	s7 =	sand.u32 $0x1, s3  }
0x6: {  	s3 =	simm.s32 $0x0;
	s9 =	smul.u32 $0x14000, s11;
	s4 =	sadd.s32 $0x16A00, s0  }
0x7: {  	s16 =	sshll.u32 s11, $0x1;
	s10 =	sshrl.u32 s11, $0x2;
	s11 =	smul.u32 $0x50000, s11  }
0x8: {  	s5 =	sadd.s32 $0x2A00, s0;
	s6 =	sadd.s32 $0xCA00, s0;
	s8 =	smul.u32 $0x140000, s7  }
0x9: {  	[smem:$0x7FF] =	sst s3;
	s17 =	sor.u32 s7, s16;
	s18 =	smul.u32 $0x14000, s10  }
0xa: {  	s7 =	ssub.s32 $0x2, s7;
	_ =	strace $0x8000004A;
	s19 =	sshll.u32 s17, $0x7  }
0xb: {  	s12 =	sshrl.u32 s7, $0x1;
	s20 =	sshrl.u32 s11, $0x2;
	s8 =	sadd.s32 s9, s8  }
0xc: {  	s10 =	sand.u32 $0x380, s19;
	s12 =	ssub.s32 s7, s12;
	s9 =	sadd.s32 s20, s1  }
0xd: {  	s19 =	simm.s32 $0x80;
	s20 =	simm.s32 $0x2A00;
	s8 =	sshrl.u32 s8, $0x3  }
0xe: {  	s7 =	sor.u32 s18, s10;
	s23 =	sadd.s32 $0x4000, s9;
	s24 =	sadd.s32 $0x8000, s9  }
0xf: {  	s25 =	sadd.s32 $0xC000, s9;
	s26 =	sadd.s32 $0x10000, s9;
	[dreg:$0x7] =	wrdreg s23  }
0x10: {  	s18 =	simm.s32 $0x5;
	s0 =	sadd.s32 s8, s0;
	[dreg:$0x8] =	wrdreg s24  }
0x11: {  	s8 =	smul.u32 $0x500, s17;
	s21 =	sshrl.u32 s7, $0x3;
	[dreg:$0x9] =	wrdreg s25  }
0x12: {  	[dreg:$0xa] =	wrdreg s26;
	s17 =	smax.u32 s12, $0x1;
	s23 =	simm.s32 $0x6A00  }
0x13: {  	s24 =	simm.s32 $0x2880;
	s25 =	simm.s32 $0x2980;
	s22 =	sadd.s32 s5, s21  }
0x14: {  	s26 =	simm.s32 $0x1;
	s2 =	sadd.s32 s2, s8;
	[dreg:$0x5] =	wrdreg s22  }
0x15: {  	s16 =	sadd.s32 $0x3EA00, s0;
	[dreg:$0x4] =	wrdreg s2;
	s2 =	sadd.s32 s6, s21  }
0x16: {  	v0 =	vimm.f32 $0.0e+00;
	s22 =	simm.s32 $0x2900;
	s21 =	simm.s32 $0x2800;
	[dreg:$0x6] =	wrdreg s2  }
.LBB2_1:
0x17: {  	s0 =	rddreg [dreg:$0x4]  }
0x18: {  	[tilespmem:s3], [sflag:$0x5] =	stream.linear.gather [hbm4b:s0+s3], $0x2800, $0x38;
	[tilespmem:$0x1EA00] =	vst v63  }
0x19: {  	_ =	swait.ge [sflag:s18], $0x2800  }
0x1a: {  	[sflag:s18] =	ssyncset.done $0x0  }
0x1b: {  	[sflag:s18] =	ssyncadd.s32 $0xFFFFD800  }
0x1c: {  	[tilespmem:s20], [sflag:$0x1] =	stream.indirect.gather [hbm4b:s4+s19], $0x80, s3, s19, $0xb8;
	[tilespmem:$0x1EA00] =	vst v63  }
0x1d: {  	s14 =	rddreg [dreg:$0x5]  }
0x1e: {  	[tilespmem:s21], [sflag:$0x3] =	stream.linear.gather [hbm4b:s14+s3], $0x80, $0x38;
	[tilespmem:$0x1EA00] =	vst v63  }
0x1f: {  	s2 =	simm.s32 $0x200;
	s0 =	simm.s32 $0x0;
	s15 =	rddreg [dreg:$0x6]  }
0x20: {  	[tilespmem:s22], [sflag:$0x3] =	stream.linear.gather [hbm4b:s15+s3], $0x80, $0x38;
	[tilespmem:$0x1EA00] =	vst v63  }
.LBB2_2:
0x21: {  	p0 =	sne.s32 s2, $0xFE00;
	[tilespmem:s0+$0x6A70] =	vst v0  }
0x22: {  	[tilespmem:s0+$0x6A00] =	vst v0  }
0x23: {  	[tilespmem:s0+$0x6A10] =	vst v0  }
.Ltmp0:
0x24: {  	[tilespmem:s0+$0x6A20] =	vst v0;
	(pc) =	sbr.rel @p0 .LBB2_2-.Ltmp0, $4  }
0x25: {  	[tilespmem:s0+$0x6A30] =	vst v0  }
0x26: {  	[tilespmem:s0+$0x6A40] =	vst v0  }
0x27: {  	[tilespmem:s0+$0x6A50] =	vst v0  }
0x28: {  	[tilespmem:s0+$0x6A60] =	vst v0;
	s0 =	sshra.s32 s2, $0x2;
	s2 =	sadd.s32 $0x200, s2  }
0x29: {  	[tilespmem:s0+$0x6A70] =	vst v0  }
0x2a: {  	[tilespmem:s0+$0x6A00] =	vst v0  }
0x2b: {  	[tilespmem:s0+$0x6A10] =	vst v0  }
0x2c: {  	[tilespmem:s0+$0x6A20] =	vst v0  }
0x2d: {  	[tilespmem:s0+$0x6A30] =	vst v0  }
0x2e: {  	[tilespmem:s0+$0x6A40] =	vst v0  }
0x2f: {  	[tilespmem:s0+$0x6A50] =	vst v0  }
0x30: {  	[tilespmem:s0+$0x6A60] =	vst v0  }
0x31: {  	[spmem:s9] =	stream.linear.scatter [tilespmem:s23], [sflag:$0x5], $0x4000, $0x38;
	[tilespmem:$0x1EA00] =	vst v63  }
0x32: {  	_ =	swait.ge [sflag:s18], $0x4000  }
0x33: {  	[sflag:s18] =	ssyncset.done $0x0  }
0x34: {  	s12 =	rddreg [dreg:$0x7];
	[sflag:s18] =	ssyncadd.s32 $0xFFFFC000  }
0x35: {  	[spmem:s12] =	stream.linear.scatter [tilespmem:s23], [sflag:$0x5], $0x4000, $0x38;
	[tilespmem:$0x1EA00] =	vst v63  }
0x36: {  	_ =	swait.ge [sflag:s18], $0x4000  }
0x37: {  	[sflag:s18] =	ssyncset.done $0x0  }
0x38: {  	s13 =	rddreg [dreg:$0x8];
	[sflag:s18] =	ssyncadd.s32 $0xFFFFC000  }
0x39: {  	[spmem:s13] =	stream.linear.scatter [tilespmem:s23], [sflag:$0x5], $0x4000, $0x38;
	[tilespmem:$0x1EA00] =	vst v63  }
0x3a: {  	_ =	swait.ge [sflag:s18], $0x4000  }
0x3b: {  	[sflag:s18] =	ssyncset.done $0x0  }
0x3c: {  	s14 =	rddreg [dreg:$0x9];
	[sflag:s18] =	ssyncadd.s32 $0xFFFFC000  }
0x3d: {  	[spmem:s14] =	stream.linear.scatter [tilespmem:s23], [sflag:$0x5], $0x4000, $0x38;
	[tilespmem:$0x1EA00] =	vst v63  }
0x3e: {  	_ =	swait.ge [sflag:s18], $0x4000  }
0x3f: {  	[sflag:s18] =	ssyncset.done $0x0  }
0x40: {  	s15 =	rddreg [dreg:$0xa];
	[sflag:s18] =	ssyncadd.s32 $0xFFFFC000  }
0x41: {  	[spmem:s15] =	stream.linear.scatter [tilespmem:s23], [sflag:$0x5], $0x4000, $0x38;
	[tilespmem:$0x1EA00] =	vst v63  }
0x42: {  	_ =	swait.ge [sflag:s18], $0x4000  }
0x43: {  	[sflag:s18] =	ssyncset.done $0x0  }
0x44: {  	[sflag:s18] =	ssyncadd.s32 $0xFFFFC000  }
0x45: {  	s0 =	simm.s32 $0x0;
	s2 =	simm.s32 $0x0;
	[bflag:$0x0] =	sbarrier.arrive $0xFFFF  }
.LBB2_4:
0x46: {  	s8 =	sshllo.u32 s2, $0x1  }
0x47: {  	s10 =	sshll.u32 s8, $0x7;
	s8 =	sshll.u32 s8, $0xA  }
0x48: {  	s10 =	sand.u32 $0x3FFFFF80, s10;
	s8 =	sadd.s32 s7, s8  }
0x49: {  	[tilespmem:s23], [sflag:$0x2] =	stream.indirect.gather [hbm4b:s4+s19], $0x80, s10, s19, $0xb8;
	[tilespmem:$0x1EA00] =	vst v63  }
0x4a: {  	s8 =	sshrl.u32 s8, $0x3  }
0x4b: {  	s13 =	sadd.s32 s5, s8  }
0x4c: {  	[tilespmem:s24], [sflag:$0x4] =	stream.linear.gather [hbm4b:s13+s0], $0x80, $0x38;
	[tilespmem:$0x1EA00] =	vst v63  }
0x4d: {  	s8 =	sadd.s32 s6, s8  }
0x4e: {  	[tilespmem:s25], [sflag:$0x4] =	stream.linear.gather [hbm4b:s8+s0], $0x80, $0x38;
	[tilespmem:$0x1EA00] =	vst v63  }
0x4f: {  	_ =	swait.ge [sflag:s26], $0x4000  }
0x50: {  	[sflag:s26] =	ssyncset.done $0x0  }
0x51: {  	v1 =	vmov s0;
	[sflag:s26] =	ssyncadd.s32 $0xFFFFC000  }
0x52: {  	v1 =	vand.u32 $0xFFFFFFFC, v1;
	_ =	swait.ge [sflag:s28], $0x80  }
0x53: {  	v1 =	vbroadcast v1, $0x0;
	[sflag:s28] =	ssyncset.done $0x0  }
0x54: {  	[sflag:s28] =	ssyncadd.s32 $0xFFFFFF80  }
0x55: {  	_ =	swait.ge [sflag:s28], $0x80  }
0x56: {  	[sflag:s28] =	ssyncset.done $0x0  }
0x57: {  	s8 =	simm.s32 $0x2B00;
	[sflag:s28] =	ssyncadd.s32 $0xFFFFFF80  }
0x58: {  	v2 =	vld [tilespmem:s8+$0xFFFFFF70]  }
0x59: {  	v1 =	vld.idx.msk [tilespmem:v1+s22+$0x0], $0xffff  }
0x5a: {  	v3 =	vld [tilespmem:s8+$0xFFFFFF00]  }
0x5b: {  	v4 =	vld [tilespmem:s8+$0xFFFFFF20]  }
0x5c: {  	v5 =	vld [tilespmem:s8+$0xFFFFFF50]  }
0x5d: {  	v6 =	vld [tilespmem:s8+$0xFFFFFF40]  }
0x5e: {  	v7 =	vld [tilespmem:s8+$0xFFFFFF60];
	v2 =	vmul.f32 v2, v1  }
0x5f: {  	s14 =	simm.s32 $0x1;
	v8 =	vld [tilespmem:s8+$0xFFFFFF30];
	v3 =	vmul.f32 v3, v1  }
0x60: {  	v9 =	vld [tilespmem:s8+$0xFFFFFF10];
	v4 =	vmul.f32 v4, v1;
	[tilespmem:s8+$0xFFFFFF70] =	vst v2;
	v2 =	vmov s14  }
0x61: {  	v5 =	vmul.f32 v5, v1;
	[tilespmem:s8+$0xFFFFFF00] =	vst v3;
	v2 =	vand.u32 $0xFFFFFFFD, v2  }
0x62: {  	v3 =	vmul.f32 v6, v1;
	[tilespmem:s8+$0xFFFFFF20] =	vst v4;
	v2 =	vbroadcast v2, $0x0  }
0x63: {  	v4 =	vmul.f32 v7, v1;
	[tilespmem:s8+$0xFFFFFF50] =	vst v5  }
0x64: {  	v5 =	vmul.f32 v8, v1;
	[tilespmem:s8+$0xFFFFFF40] =	vst v3  }
0x65: {  	v1 =	vmul.f32 v9, v1;
	[tilespmem:s8+$0xFFFFFF60] =	vst v4  }
0x66: {  	[tilespmem:s8+$0xFFFFFF30] =	vst v5  }
0x67: {  	[tilespmem:s8+$0xFFFFFF10] =	vst v1;
	v1 =	vld [tilespmem:s8+$0xFFFFFF90]  }
0x68: {  	v3 =	vld.idx.msk [tilespmem:v2+s22+$0x0], $0xffff  }
0x69: {  	v2 =	vld [tilespmem:s8+$0xFFFFFFA0]  }
0x6a: {  	v4 =	vld [tilespmem:s8+$0xFFFFFF80]  }
0x6b: {  	v5 =	vld [tilespmem:s8+$0xFFFFFFB0]  }
0x6c: {  	v6 =	vld [tilespmem:s8+$0xFFFFFFC0]  }
0x6d: {  	v7 =	vld [tilespmem:s8+$0xFFFFFFD0];
	v1 =	vmul.f32 v1, v3  }
0x6e: {  	s15 =	simm.s32 $0x2;
	v8 =	vld [tilespmem:s8+$0xFFFFFFF0];
	v2 =	vmul.f32 v2, v3  }
0x6f: {  	v63 =	vld [tilespmem:s8+$0xFFFFFFE0];
	v4 =	vmul.f32 v4, v3;
	[tilespmem:s8+$0xFFFFFF90] =	vst v1;
	v1 =	vmov s15  }
0x70: {  	v5 =	vmul.f32 v5, v3;
	[tilespmem:s8+$0xFFFFFFA0] =	vst v2;
	v1 =	vand.u32 $0xFFFFFFFE, v1  }
0x71: {  	v2 =	vmul.f32 v6, v3;
	[tilespmem:s8+$0xFFFFFF80] =	vst v4;
	v6 =	vld [tilespmem:s8+$0x60];
	v10 =	vbroadcast v1, $0x0  }
0x72: {  	v4 =	vmul.f32 v7, v3;
	[tilespmem:s8+$0xFFFFFFB0] =	vst v5;
	v7 =	vld [tilespmem:s8+$0x0]  }
0x73: {  	v5 =	vmul.f32 v8, v3;
	v1 =	vld [tilespmem:s8+$0x20];
	[tilespmem:s8+$0xFFFFFFC0] =	vst v2  }
0x74: {  	v3 =	vmul.f32 v63, v3;
	v2 =	vld [tilespmem:s8+$0x30];
	[tilespmem:s8+$0xFFFFFFD0] =	vst v4  }
0x75: {  	[tilespmem:s8+$0xFFFFFFF0] =	vst v5;
	v4 =	vld [tilespmem:s8+$0x40]  }
0x76: {  	s12 =	simm.s32 $0x4;
	[tilespmem:s8+$0xFFFFFFE0] =	vst v3;
	v5 =	vld [tilespmem:s8+$0x10]  }
0x77: {  	s11 =	simm.s32 $0x0;
	s10 =	sshll.u32 s2, $0x1;
	s13 =	simm.s32 $0x2B00;
	v3 =	vld.idx.msk [tilespmem:v10+s22+$0x0], $0xffff  }
.LBB2_5:
0x78: {  	p0 =	sne.s32 s12, $0x7C  }
0x79: {  	v8 =	vld [tilespmem:s8+$0x50];
	s13 =	sadd.s32 $0x200, s13;
	s14 =	smov.u32 s12;
	s12 =	sadd.s32 $0x4, s12  }
0x7a: {  	v9 =	vld [tilespmem:s8+$0x70];
	_ =	sdelay $0x1  }
0x7b: {  	v6 =	vmul.f32 v6, v3;
	v7 =	vmul.f32 v7, v3  }
0x7c: {  	v4 =	vmul.f32 v4, v3;
	v5 =	vmul.f32 v5, v3  }
0x7d: {  	v1 =	vmul.f32 v1, v3;
	v2 =	vmul.f32 v2, v3;
	[tilespmem:s8+$0x60] =	vst v6  }
0x7e: {  	[tilespmem:s8+$0x40] =	vst v4;
	v4 =	vmul.f32 v8, v3;
	v3 =	vmul.f32 v9, v3  }
0x7f: {  	s15 =	sadd.s32 $0x3, s11;
	s11 =	smov.u32 s14;
	[tilespmem:s8+$0x20] =	vst v1;
	v6 =	vld [tilespmem:s8+$0x80]  }
0x80: {  	v1 =	vld [tilespmem:s13+$0x20];
	[tilespmem:s8+$0x0] =	vst v7;
	v7 =	vmov s15  }
0x81: {  	[tilespmem:s8+$0x50] =	vst v4;
	v4 =	vld [tilespmem:s8+$0xE0]  }
0x82: {  	[tilespmem:s8+$0x30] =	vst v2;
	v8 =	vld [tilespmem:s8+$0xC0]  }
0x83: {  	v2 =	vld [tilespmem:s13+$0x30];
	[tilespmem:s8+$0x10] =	vst v5  }
0x84: {  	[tilespmem:s8+$0x70] =	vst v3;
	v3 =	vld [tilespmem:s8+$0xA0]  }
0x85: {  	v5 =	vld.idx.msk [tilespmem:v7+s22+$0x0], $0xffff  }
0x86: {  	v7 =	vld [tilespmem:s8+$0x90]  }
0x87: {  	v9 =	vld [tilespmem:s8+$0xB0]  }
0x88: {  	v10 =	vld [tilespmem:s8+$0xD0]  }
0x89: {  	v11 =	vld [tilespmem:s8+$0xF0];
	_ =	sdelay $0x1  }
0x8a: {  	v6 =	vmul.f32 v6, v5;
	v7 =	vmul.f32 v7, v5  }
0x8b: {  	v3 =	vmul.f32 v3, v5;
	v9 =	vmul.f32 v9, v5  }
0x8c: {  	v12 =	vmov s11;
	[tilespmem:s8+$0x80] =	vst v6;
	v6 =	vmul.f32 v8, v5;
	v8 =	vmul.f32 v10, v5  }
0x8d: {  	v10 =	vand.u32 $0xFFFFFFFC, v12;
	[tilespmem:s8+$0xA0] =	vst v3;
	v3 =	vmul.f32 v4, v5;
	v4 =	vmul.f32 v11, v5  }
0x8e: {  	v5 =	vbroadcast v10, $0x0;
	[tilespmem:s8+$0xC0] =	vst v6  }
0x8f: {  	[tilespmem:s8+$0xF0] =	vst v4  }
0x90: {  	v4 =	vld [tilespmem:s13+$0xFFFFFF40];
	[tilespmem:s8+$0xE0] =	vst v3  }
0x91: {  	v3 =	vld [tilespmem:s13+$0xFFFFFF50];
	[tilespmem:s8+$0x90] =	vst v7  }
0x92: {  	v6 =	vld [tilespmem:s13+$0xFFFFFF60];
	[tilespmem:s8+$0xB0] =	vst v9  }
0x93: {  	v7 =	vld [tilespmem:s13+$0xFFFFFF70];
	[tilespmem:s8+$0xD0] =	vst v8;
	s8 =	smov.u32 s13  }
0x94: {  	v5 =	vld.idx.msk [tilespmem:v5+s22+$0x0], $0xffff  }
0x95: {  	v8 =	vld [tilespmem:s13+$0xFFFFFF00]  }
0x96: {  	v9 =	vld [tilespmem:s13+$0xFFFFFF20]  }
0x97: {  	v10 =	vld [tilespmem:s13+$0xFFFFFF10]  }
0x98: {  	v11 =	vld [tilespmem:s13+$0xFFFFFF30];
	_ =	sdelay $0x1  }
0x99: {  	v7 =	vmul.f32 v7, v5;
	v8 =	vmul.f32 v8, v5  }
0x9a: {  	s14 =	sadd.s32 $0x1, s11;
	v6 =	vmul.f32 v6, v5;
	v9 =	vmul.f32 v9, v5  }
0x9b: {  	v3 =	vmul.f32 v3, v5;
	v10 =	vmul.f32 v10, v5;
	[tilespmem:s13+$0xFFFFFF70] =	vst v7;
	v7 =	vmov s14  }
0x9c: {  	v4 =	vmul.f32 v4, v5;
	[tilespmem:s13+$0xFFFFFF00] =	vst v8;
	v8 =	vmul.f32 v11, v5;
	v5 =	vand.u32 $0xFFFFFFFD, v7  }
0x9d: {  	[tilespmem:s13+$0xFFFFFF20] =	vst v9;
	v5 =	vbroadcast v5, $0x0  }
0x9e: {  	[tilespmem:s13+$0xFFFFFF50] =	vst v3  }
0x9f: {  	[tilespmem:s13+$0xFFFFFF40] =	vst v4;
	v3 =	vld [tilespmem:s13+$0xFFFFFFF0]  }
0xa0: {  	[tilespmem:s13+$0xFFFFFF60] =	vst v6;
	v4 =	vld [tilespmem:s13+$0xFFFFFFC0]  }
0xa1: {  	[tilespmem:s13+$0xFFFFFF30] =	vst v8;
	v6 =	vld [tilespmem:s13+$0xFFFFFFD0]  }
0xa2: {  	[tilespmem:s13+$0xFFFFFF10] =	vst v10;
	v7 =	vld [tilespmem:s13+$0xFFFFFF90]  }
0xa3: {  	v5 =	vld.idx.msk [tilespmem:v5+s22+$0x0], $0xffff  }
0xa4: {  	v8 =	vld [tilespmem:s13+$0xFFFFFF80]  }
0xa5: {  	v9 =	vld [tilespmem:s13+$0xFFFFFFA0]  }
0xa6: {  	v10 =	vld [tilespmem:s13+$0xFFFFFFB0]  }
0xa7: {  	v11 =	vld [tilespmem:s13+$0xFFFFFFE0];
	_ =	sdelay $0x1  }
0xa8: {  	v7 =	vmul.f32 v7, v5;
	v8 =	vmul.f32 v8, v5  }
0xa9: {  	s14 =	sadd.s32 $0x2, s11;
	v6 =	vmul.f32 v6, v5;
	v9 =	vmul.f32 v9, v5  }
0xaa: {  	v4 =	vmul.f32 v4, v5;
	[tilespmem:s13+$0xFFFFFF90] =	vst v7;
	v7 =	vmul.f32 v10, v5;
	v10 =	vmov s14  }
0xab: {  	v3 =	vmul.f32 v3, v5;
	[tilespmem:s13+$0xFFFFFFA0] =	vst v9;
	v9 =	vmul.f32 v11, v5;
	v5 =	vand.u32 $0xFFFFFFFE, v10  }
0xac: {  	[tilespmem:s13+$0xFFFFFF80] =	vst v8;
	v5 =	vbroadcast v5, $0x0  }
0xad: {  	[tilespmem:s13+$0xFFFFFFB0] =	vst v7  }
0xae: {  	[tilespmem:s13+$0xFFFFFFC0] =	vst v4  }
0xaf: {  	[tilespmem:s13+$0xFFFFFFD0] =	vst v6  }
.Ltmp1:
0xb0: {  	[tilespmem:s13+$0xFFFFFFF0] =	vst v3;
	v4 =	vld [tilespmem:s13+$0x40];
	(pc) =	sbr.rel @p0 .LBB2_5-.Ltmp1, $4  }
0xb1: {  	[tilespmem:s13+$0xFFFFFFE0] =	vst v9;
	v6 =	vld [tilespmem:s13+$0x60]  }
0xb2: {  	v3 =	vld.idx.msk [tilespmem:v5+s22+$0x0], $0xffff  }
0xb3: {  	v7 =	vld [tilespmem:s13+$0x0]  }
0xb4: {  	v5 =	vld [tilespmem:s13+$0x10]  }
0xb5: {  	_ =	sdelay $0x1  }
0xb6: {  	v6 =	vmul.f32 v6, v3  }
0xb7: {  	v8 =	vld [tilespmem:s8+$0x50];
	v4 =	vmul.f32 v4, v3  }
0xb8: {  	v9 =	vld [tilespmem:s8+$0x70];
	v1 =	vmul.f32 v1, v3;
	[tilespmem:s8+$0x60] =	vst v6  }
0xb9: {  	v6 =	vmul.f32 v7, v3;
	[tilespmem:s8+$0x40] =	vst v4  }
0xba: {  	s11 =	sadd.s32 $0x3, s11;
	[tilespmem:s8+$0x20] =	vst v1;
	v1 =	vmul.f32 v2, v3  }
0xbb: {  	v5 =	vmul.f32 v5, v3;
	[tilespmem:s8+$0x0] =	vst v6;
	v6 =	vmov s11  }
0xbc: {  	v4 =	vmul.f32 v8, v3;
	[tilespmem:s8+$0x30] =	vst v1  }
0xbd: {  	v3 =	vmul.f32 v9, v3;
	[tilespmem:s8+$0x10] =	vst v5  }
0xbe: {  	[tilespmem:s8+$0x50] =	vst v4  }
0xbf: {  	v2 =	vld [tilespmem:s8+$0x80];
	[tilespmem:s8+$0x70] =	vst v3  }
0xc0: {  	v1 =	vld.idx.msk [tilespmem:v6+s22+$0x0], $0xffff  }
0xc1: {  	v3 =	vld [tilespmem:s8+$0xA0]  }
0xc2: {  	v4 =	vld [tilespmem:s8+$0xC0]  }
0xc3: {  	v5 =	vld [tilespmem:s8+$0xF0]  }
0xc4: {  	v6 =	vld [tilespmem:s8+$0xE0]  }
0xc5: {  	v7 =	vld [tilespmem:s8+$0x90];
	v2 =	vmul.f32 v2, v1  }
0xc6: {  	v8 =	vld [tilespmem:s8+$0xB0];
	v3 =	vmul.f32 v3, v1  }
0xc7: {  	v61 =	vld [tilespmem:s8+$0xD0];
	[tilespmem:s8+$0x80] =	vst v2;
	v2 =	vmul.f32 v4, v1  }
0xc8: {  	[tilespmem:s8+$0xA0] =	vst v3;
	v3 =	vmul.f32 v5, v1  }
0xc9: {  	v4 =	vmul.f32 v6, v1;
	[tilespmem:s8+$0xC0] =	vst v2  }
0xca: {  	v2 =	vmul.f32 v7, v1;
	[tilespmem:s8+$0xF0] =	vst v3  }
0xcb: {  	v3 =	vmul.f32 v8, v1;
	[tilespmem:s8+$0xE0] =	vst v4  }
0xcc: {  	v1 =	vmul.f32 v61, v1;
	[tilespmem:s8+$0x90] =	vst v2  }
0xcd: {  	[tilespmem:s8+$0xB0] =	vst v3  }
0xce: {  	[tilespmem:s8+$0xD0] =	vst v1;
	s8 =	sadd.s32 $0x2, s10  }
0xcf: {  	[spmem:s1] =	stream.indirect.scatter.add.f32 [tilespmem:s20], [sflag:$0x5], $0x80, s21, s19, $0xb8;
	[tilespmem:$0x1EA00] =	vst v63  }
0xd0: {  	p0 =	seq.s32 s8, $0x50  }
0xd1: {  	_ =	swait.ge [sflag:s18], $0x4000;
	s8 =	simm.s32 @p0 $0x0  }
0xd2: {  	[sflag:s18] =	ssyncset.done $0x0;
	s12 =	sshll.u32 s8, $0x7;
	s8 =	sshll.u32 s8, $0xA  }
0xd3: {  	[sflag:s18] =	ssyncadd.s32 $0xFFFFC000;
	s10 =	sand.u32 $0x3FFFFF80, s12;
	s8 =	sadd.s32 s7, s8  }
0xd4: {  	[tilespmem:s20], [sflag:$0x1] =	stream.indirect.gather [hbm4b:s4+s19], $0x80, s10, s19, $0xb8;
	[tilespmem:$0x1EA00] =	vst v63  }
0xd5: {  	s8 =	sshrl.u32 s8, $0x3  }
0xd6: {  	s10 =	simm.s32 $0x0;
	s13 =	sadd.s32 s5, s8  }
0xd7: {  	[tilespmem:s21], [sflag:$0x3] =	stream.linear.gather [hbm4b:s13+s10], $0x80, $0x38;
	[tilespmem:$0x1EA00] =	vst v63  }
0xd8: {  	s8 =	sadd.s32 s6, s8  }
0xd9: {  	[tilespmem:s22], [sflag:$0x3] =	stream.linear.gather [hbm4b:s8+s10], $0x80, $0x38;
	[tilespmem:$0x1EA00] =	vst v63  }
0xda: {  	_ =	swait.ge [sflag:s29], $0x4000  }
0xdb: {  	[sflag:s29] =	ssyncset.done $0x0  }
0xdc: {  	v1 =	vmov s10;
	[sflag:s29] =	ssyncadd.s32 $0xFFFFC000  }
0xdd: {  	v1 =	vand.u32 $0xFFFFFFFC, v1;
	_ =	swait.ge [sflag:s30], $0x80  }
0xde: {  	v1 =	vbroadcast v1, $0x0;
	[sflag:s30] =	ssyncset.done $0x0  }
0xdf: {  	[sflag:s30] =	ssyncadd.s32 $0xFFFFFF80  }
0xe0: {  	_ =	swait.ge [sflag:s30], $0x80  }
0xe1: {  	[sflag:s30] =	ssyncset.done $0x0  }
0xe2: {  	s8 =	simm.s32 $0x6B00;
	[sflag:s30] =	ssyncadd.s32 $0xFFFFFF80  }
0xe3: {  	v2 =	vld [tilespmem:s8+$0xFFFFFF70]  }
0xe4: {  	v1 =	vld.idx.msk [tilespmem:v1+s25+$0x0], $0xffff  }
0xe5: {  	v3 =	vld [tilespmem:s8+$0xFFFFFF00]  }
0xe6: {  	v4 =	vld [tilespmem:s8+$0xFFFFFF20]  }
0xe7: {  	v5 =	vld [tilespmem:s8+$0xFFFFFF50]  }
0xe8: {  	v6 =	vld [tilespmem:s8+$0xFFFFFF40]  }
0xe9: {  	v7 =	vld [tilespmem:s8+$0xFFFFFF60];
	v2 =	vmul.f32 v2, v1  }
0xea: {  	s14 =	simm.s32 $0x1;
	v8 =	vld [tilespmem:s8+$0xFFFFFF30];
	v3 =	vmul.f32 v3, v1  }
0xeb: {  	v62 =	vld [tilespmem:s8+$0xFFFFFF10];
	v4 =	vmul.f32 v4, v1;
	[tilespmem:s8+$0xFFFFFF70] =	vst v2;
	v2 =	vmov s14  }
0xec: {  	v5 =	vmul.f32 v5, v1;
	[tilespmem:s8+$0xFFFFFF00] =	vst v3;
	v2 =	vand.u32 $0xFFFFFFFD, v2  }
0xed: {  	v3 =	vmul.f32 v6, v1;
	[tilespmem:s8+$0xFFFFFF20] =	vst v4;
	v2 =	vbroadcast v2, $0x0  }
0xee: {  	v4 =	vmul.f32 v7, v1;
	[tilespmem:s8+$0xFFFFFF50] =	vst v5  }
0xef: {  	v5 =	vmul.f32 v8, v1;
	[tilespmem:s8+$0xFFFFFF40] =	vst v3  }
0xf0: {  	v1 =	vmul.f32 v62, v1;
	[tilespmem:s8+$0xFFFFFF60] =	vst v4  }
0xf1: {  	[tilespmem:s8+$0xFFFFFF30] =	vst v5  }
0xf2: {  	[tilespmem:s8+$0xFFFFFF10] =	vst v1;
	v1 =	vld [tilespmem:s8+$0xFFFFFF90]  }
0xf3: {  	v3 =	vld.idx.msk [tilespmem:v2+s25+$0x0], $0xffff  }
0xf4: {  	v2 =	vld [tilespmem:s8+$0xFFFFFFA0]  }
0xf5: {  	v4 =	vld [tilespmem:s8+$0xFFFFFF80]  }
0xf6: {  	v5 =	vld [tilespmem:s8+$0xFFFFFFB0]  }
0xf7: {  	v6 =	vld [tilespmem:s8+$0xFFFFFFC0]  }
0xf8: {  	v7 =	vld [tilespmem:s8+$0xFFFFFFD0];
	v1 =	vmul.f32 v1, v3  }
0xf9: {  	s15 =	simm.s32 $0x2;
	v8 =	vld [tilespmem:s8+$0xFFFFFFF0];
	v2 =	vmul.f32 v2, v3  }
0xfa: {  	v63 =	vld [tilespmem:s8+$0xFFFFFFE0];
	v4 =	vmul.f32 v4, v3;
	[tilespmem:s8+$0xFFFFFF90] =	vst v1;
	v1 =	vmov s15  }
0xfb: {  	v5 =	vmul.f32 v5, v3;
	[tilespmem:s8+$0xFFFFFFA0] =	vst v2;
	v1 =	vand.u32 $0xFFFFFFFE, v1  }
0xfc: {  	v2 =	vmul.f32 v6, v3;
	[tilespmem:s8+$0xFFFFFF80] =	vst v4;
	v6 =	vld [tilespmem:s8+$0x60];
	v10 =	vbroadcast v1, $0x0  }
0xfd: {  	v4 =	vmul.f32 v7, v3;
	[tilespmem:s8+$0xFFFFFFB0] =	vst v5;
	v7 =	vld [tilespmem:s8+$0x0]  }
0xfe: {  	v5 =	vmul.f32 v8, v3;
	v1 =	vld [tilespmem:s8+$0x20];
	[tilespmem:s8+$0xFFFFFFC0] =	vst v2  }
0xff: {  	v3 =	vmul.f32 v63, v3;
	v2 =	vld [tilespmem:s8+$0x30];
	[tilespmem:s8+$0xFFFFFFD0] =	vst v4  }
0x100: {  	[tilespmem:s8+$0xFFFFFFF0] =	vst v5;
	v4 =	vld [tilespmem:s8+$0x40]  }
0x101: {  	[tilespmem:s8+$0xFFFFFFE0] =	vst v3;
	v5 =	vld [tilespmem:s8+$0x10]  }
0x102: {  	s11 =	simm.s32 $0x4;
	s12 =	simm.s32 $0x6B00;
	v3 =	vld.idx.msk [tilespmem:v10+s25+$0x0], $0xffff  }
.LBB2_7:
0x103: {  	p0 =	sne.s32 s11, $0x7C  }
0x104: {  	v8 =	vld [tilespmem:s8+$0x50];
	s12 =	sadd.s32 $0x200, s12;
	s13 =	smov.u32 s11;
	s11 =	sadd.s32 $0x4, s11  }
0x105: {  	v9 =	vld [tilespmem:s8+$0x70];
	_ =	sdelay $0x1  }
0x106: {  	v6 =	vmul.f32 v6, v3;
	v7 =	vmul.f32 v7, v3  }
0x107: {  	v4 =	vmul.f32 v4, v3;
	v5 =	vmul.f32 v5, v3  }
0x108: {  	v1 =	vmul.f32 v1, v3;
	v2 =	vmul.f32 v2, v3;
	[tilespmem:s8+$0x60] =	vst v6  }
0x109: {  	[tilespmem:s8+$0x40] =	vst v4;
	v4 =	vmul.f32 v8, v3;
	v3 =	vmul.f32 v9, v3  }
0x10a: {  	s14 =	sadd.s32 $0x3, s10;
	s10 =	smov.u32 s13;
	[tilespmem:s8+$0x20] =	vst v1;
	v6 =	vld [tilespmem:s8+$0x80]  }
0x10b: {  	v1 =	vld [tilespmem:s12+$0x20];
	[tilespmem:s8+$0x0] =	vst v7;
	v7 =	vmov s14  }
0x10c: {  	[tilespmem:s8+$0x50] =	vst v4;
	v4 =	vld [tilespmem:s8+$0xE0]  }
0x10d: {  	[tilespmem:s8+$0x30] =	vst v2;
	v8 =	vld [tilespmem:s8+$0xC0]  }
0x10e: {  	v2 =	vld [tilespmem:s12+$0x30];
	[tilespmem:s8+$0x10] =	vst v5  }
0x10f: {  	[tilespmem:s8+$0x70] =	vst v3;
	v3 =	vld [tilespmem:s8+$0xA0]  }
0x110: {  	v5 =	vld.idx.msk [tilespmem:v7+s25+$0x0], $0xffff  }
0x111: {  	v7 =	vld [tilespmem:s8+$0x90]  }
0x112: {  	v9 =	vld [tilespmem:s8+$0xB0]  }
0x113: {  	v10 =	vld [tilespmem:s8+$0xD0]  }
0x114: {  	v11 =	vld [tilespmem:s8+$0xF0];
	_ =	sdelay $0x1  }
0x115: {  	v6 =	vmul.f32 v6, v5;
	v7 =	vmul.f32 v7, v5  }
0x116: {  	v3 =	vmul.f32 v3, v5;
	v9 =	vmul.f32 v9, v5  }
0x117: {  	v12 =	vmov s10;
	[tilespmem:s8+$0x80] =	vst v6;
	v6 =	vmul.f32 v8, v5;
	v8 =	vmul.f32 v10, v5  }
0x118: {  	v10 =	vand.u32 $0xFFFFFFFC, v12;
	[tilespmem:s8+$0xA0] =	vst v3;
	v3 =	vmul.f32 v4, v5;
	v4 =	vmul.f32 v11, v5  }
0x119: {  	v5 =	vbroadcast v10, $0x0;
	[tilespmem:s8+$0xC0] =	vst v6  }
0x11a: {  	[tilespmem:s8+$0xF0] =	vst v4  }
0x11b: {  	v4 =	vld [tilespmem:s12+$0xFFFFFF40];
	[tilespmem:s8+$0xE0] =	vst v3  }
0x11c: {  	v3 =	vld [tilespmem:s12+$0xFFFFFF50];
	[tilespmem:s8+$0x90] =	vst v7  }
0x11d: {  	v6 =	vld [tilespmem:s12+$0xFFFFFF60];
	[tilespmem:s8+$0xB0] =	vst v9  }
0x11e: {  	v7 =	vld [tilespmem:s12+$0xFFFFFF70];
	[tilespmem:s8+$0xD0] =	vst v8;
	s8 =	smov.u32 s12  }
0x11f: {  	v5 =	vld.idx.msk [tilespmem:v5+s25+$0x0], $0xffff  }
0x120: {  	v8 =	vld [tilespmem:s12+$0xFFFFFF00]  }
0x121: {  	v9 =	vld [tilespmem:s12+$0xFFFFFF20]  }
0x122: {  	v10 =	vld [tilespmem:s12+$0xFFFFFF10]  }
0x123: {  	v11 =	vld [tilespmem:s12+$0xFFFFFF30];
	_ =	sdelay $0x1  }
0x124: {  	v7 =	vmul.f32 v7, v5;
	v8 =	vmul.f32 v8, v5  }
0x125: {  	s13 =	sadd.s32 $0x1, s10;
	v6 =	vmul.f32 v6, v5;
	v9 =	vmul.f32 v9, v5  }
0x126: {  	v3 =	vmul.f32 v3, v5;
	v10 =	vmul.f32 v10, v5;
	[tilespmem:s12+$0xFFFFFF70] =	vst v7;
	v7 =	vmov s13  }
0x127: {  	v4 =	vmul.f32 v4, v5;
	[tilespmem:s12+$0xFFFFFF00] =	vst v8;
	v8 =	vmul.f32 v11, v5;
	v5 =	vand.u32 $0xFFFFFFFD, v7  }
0x128: {  	[tilespmem:s12+$0xFFFFFF20] =	vst v9;
	v5 =	vbroadcast v5, $0x0  }
0x129: {  	[tilespmem:s12+$0xFFFFFF50] =	vst v3  }
0x12a: {  	[tilespmem:s12+$0xFFFFFF40] =	vst v4;
	v3 =	vld [tilespmem:s12+$0xFFFFFFF0]  }
0x12b: {  	[tilespmem:s12+$0xFFFFFF60] =	vst v6;
	v4 =	vld [tilespmem:s12+$0xFFFFFFC0]  }
0x12c: {  	[tilespmem:s12+$0xFFFFFF30] =	vst v8;
	v6 =	vld [tilespmem:s12+$0xFFFFFFD0]  }
0x12d: {  	[tilespmem:s12+$0xFFFFFF10] =	vst v10;
	v7 =	vld [tilespmem:s12+$0xFFFFFF90]  }
0x12e: {  	v5 =	vld.idx.msk [tilespmem:v5+s25+$0x0], $0xffff  }
0x12f: {  	v8 =	vld [tilespmem:s12+$0xFFFFFF80]  }
0x130: {  	v9 =	vld [tilespmem:s12+$0xFFFFFFA0]  }
0x131: {  	v10 =	vld [tilespmem:s12+$0xFFFFFFB0]  }
0x132: {  	v11 =	vld [tilespmem:s12+$0xFFFFFFE0];
	_ =	sdelay $0x1  }
0x133: {  	v7 =	vmul.f32 v7, v5;
	v8 =	vmul.f32 v8, v5  }
0x134: {  	s13 =	sadd.s32 $0x2, s10;
	v6 =	vmul.f32 v6, v5;
	v9 =	vmul.f32 v9, v5  }
0x135: {  	v4 =	vmul.f32 v4, v5;
	[tilespmem:s12+$0xFFFFFF90] =	vst v7;
	v7 =	vmul.f32 v10, v5;
	v10 =	vmov s13  }
0x136: {  	v3 =	vmul.f32 v3, v5;
	[tilespmem:s12+$0xFFFFFFA0] =	vst v9;
	v9 =	vmul.f32 v11, v5;
	v5 =	vand.u32 $0xFFFFFFFE, v10  }
0x137: {  	[tilespmem:s12+$0xFFFFFF80] =	vst v8;
	v5 =	vbroadcast v5, $0x0  }
0x138: {  	[tilespmem:s12+$0xFFFFFFB0] =	vst v7  }
0x139: {  	[tilespmem:s12+$0xFFFFFFC0] =	vst v4  }
0x13a: {  	[tilespmem:s12+$0xFFFFFFD0] =	vst v6  }
.Ltmp2:
0x13b: {  	[tilespmem:s12+$0xFFFFFFF0] =	vst v3;
	v4 =	vld [tilespmem:s12+$0x40];
	(pc) =	sbr.rel @p0 .LBB2_7-.Ltmp2, $4  }
0x13c: {  	[tilespmem:s12+$0xFFFFFFE0] =	vst v9;
	v6 =	vld [tilespmem:s12+$0x60]  }
0x13d: {  	v3 =	vld.idx.msk [tilespmem:v5+s25+$0x0], $0xffff  }
0x13e: {  	v7 =	vld [tilespmem:s12+$0x0]  }
0x13f: {  	v5 =	vld [tilespmem:s12+$0x10]  }
0x140: {  	_ =	sdelay $0x1  }
0x141: {  	v6 =	vmul.f32 v6, v3  }
0x142: {  	v8 =	vld [tilespmem:s8+$0x50];
	v4 =	vmul.f32 v4, v3  }
0x143: {  	v9 =	vld [tilespmem:s8+$0x70];
	v1 =	vmul.f32 v1, v3;
	[tilespmem:s8+$0x60] =	vst v6  }
0x144: {  	v54 =	vmul.f32 v7, v3;
	[tilespmem:s8+$0x40] =	vst v4  }
0x145: {  	s10 =	sadd.s32 $0x3, s10;
	[tilespmem:s8+$0x20] =	vst v1;
	v1 =	vmul.f32 v2, v3  }
0x146: {  	v56 =	vmov s10;
	v5 =	vmul.f32 v5, v3;
	[tilespmem:s8+$0x0] =	vst v54  }
0x147: {  	v55 =	vmul.f32 v8, v3;
	[tilespmem:s8+$0x30] =	vst v1  }
0x148: {  	v3 =	vmul.f32 v9, v3;
	[tilespmem:s8+$0x10] =	vst v5  }
0x149: {  	[tilespmem:s8+$0x50] =	vst v55  }
0x14a: {  	v2 =	vld [tilespmem:s8+$0x80];
	[tilespmem:s8+$0x70] =	vst v3  }
0x14b: {  	v1 =	vld.idx.msk [tilespmem:v56+s25+$0x0], $0xffff  }
0x14c: {  	v3 =	vld [tilespmem:s8+$0xA0]  }
0x14d: {  	v59 =	vld [tilespmem:s8+$0xE0]  }
0x14e: {  	v57 =	vld [tilespmem:s8+$0xC0]  }
0x14f: {  	v58 =	vld [tilespmem:s8+$0xF0]  }
0x150: {  	v60 =	vld [tilespmem:s8+$0x90];
	v2 =	vmul.f32 v2, v1  }
0x151: {  	v61 =	vld [tilespmem:s8+$0xB0];
	v3 =	vmul.f32 v3, v1  }
0x152: {  	v62 =	vld [tilespmem:s8+$0xD0];
	v63 =	vmul.f32 v59, v1;
	[tilespmem:s8+$0x80] =	vst v2  }
0x153: {  	v2 =	vmul.f32 v57, v1;
	[tilespmem:s8+$0xA0] =	vst v3  }
0x154: {  	v3 =	vmul.f32 v58, v1;
	[tilespmem:s8+$0xE0] =	vst v63  }
0x155: {  	[tilespmem:s8+$0xC0] =	vst v2;
	v2 =	vmul.f32 v60, v1  }
0x156: {  	[tilespmem:s8+$0xF0] =	vst v3;
	v3 =	vmul.f32 v61, v1  }
0x157: {  	s2 =	sadd.s32 $0x1, s2;
	v1 =	vmul.f32 v62, v1;
	[tilespmem:s8+$0x90] =	vst v2  }
0x158: {  	p0 =	sne.s32 s2, $0x28;
	[tilespmem:s8+$0xB0] =	vst v3  }
.Ltmp3:
0x159: {  	[tilespmem:s8+$0xD0] =	vst v1;
	(pc) =	sbr.rel @p0 .LBB2_4-.Ltmp3, $4  }
0x15a: {  	[spmem:s1] =	stream.indirect.scatter.add.f32 [tilespmem:s23], [sflag:$0x5], $0x80, s24, s19, $0xb8;
	[tilespmem:$0x1EA00] =	vst v63  }
0x15b: {  	_ =	swait.ge [sflag:s18], $0x4000  }
0x15c: {  	[sflag:s18] =	ssyncset.done $0x0  }
0x15d: {  	[sflag:s18] =	ssyncadd.s32 $0xFFFFC000  }
0x15e: {  	_ =	swait.ge [sflag:s26], $0x4000  }
0x15f: {  	[sflag:s26] =	ssyncset.done $0x0  }
0x160: {  	[sflag:s26] =	ssyncadd.s32 $0xFFFFC000  }
0x161: {  	_ =	swait.ge [sflag:s28], $0x80  }
0x162: {  	[sflag:s28] =	ssyncset.done $0x0  }
0x163: {  	[sflag:s28] =	ssyncadd.s32 $0xFFFFFF80  }
0x164: {  	s0 =	stileid.u32;
	_ =	swait.ge [sflag:s28], $0x80  }
0x165: {  	s2 =	sshrl.u32 s9, $0x3;
	s31 =	sadd.s32 $0x1, s31;
	[sflag:s28] =	ssyncset.done $0x0  }
0x166: {  	s0 =	sshll.u32 s0, $0x6;
	p0 =	sne.s32 s31, s17;
	[sflag:s28] =	ssyncadd.s32 $0xFFFFFF80  }
.Ltmp4:
0x167: {  	s0 =	sor.u32 $0x1C05, s0;
	[bflag:$0x0] =	sbarrier.arrive $0xFFFF;
	(pc) =	sbr.rel @p0 .LBB2_1-.Ltmp4, $4  }
0x168: {  	[hbm:s16], [sflag:s0] =	dma.local [spmem:s2], $0x2800  }
0x169: {  	_ =	swait.ge [sflag:s18], $0x2800  }
0x16a: {  	[sflag:s18] =	ssyncset.done $0x0  }
0x16b: {  	[sflag:s18] =	ssyncadd.s32 $0xFFFFD800  }
0x16c: {  	_ =	sfence.sel $0x180000  }
0x16d: {  	[bflag:$0x0] =	sbarrier.arrive $0xFFFF  }
0x16e: {  	_ =	strace $0x9000004A  }
0x16f: {  	s0 =	stileid.u32;
	[bflag:$0x2] =	sbarrier.arrive $0xFFFF  }
0x170: {  	p0 =	sne.s32 s0, $0x0;
	s0 =	rddreg [dreg:$0x3]  }
0x171: {  	s0 =	sadd.s32 @!p0 $0x100000, s0  }
0x172: {  	[sflag:s0] =	ssyncadd.tile.s32 @!p0 $0x1;
	_ =	shalt  }
.Lfunc_end2:
_tile_overlayer_lowered:
.L_overlay_start_2:
0x173: {  	(tag) =	ssettag $0x2  }
0x174: {  	s0 =	rddreg [dreg:$0x0];
	s2 =	stileid.u32  }
0x175: {  	s1 =	rddreg [dreg:$0x1];
	p0 =	sne.s32 s2, $0x0  }
0x176: {  	s3 =	rddreg [dreg:$0x2];
	[bflag:$0x3] =	sbarrier.arrive $0xFFFF;
	s2 =	simm.s32 @!p0 $0x1C05  }
0x177: {  	[timem:s3], [sflag:s2] =	dma.local @!p0 [hbm:s0], s1  }
0x178: {  	s0 =	simm.s32 @!p0 $0x5  }
0x179: {  	_ =	swait.ge @!p0 [sflag:s0], s1  }
0x17a: {  	s1 =	ssub.s32 @!p0 $0x0, s1;
	[sflag:s0] =	ssyncset.done @!p0 $0x0  }
0x17b: {  	[sflag:s0] =	ssyncadd.s32 @!p0 s1  }
0x17c: {  	[bflag:$0x3] =	sbarrier.arrive $0xFFFF  }
0x17d: {  	_ =	shalt  }

// kernel: kernel.7.cloned.1.call-start
scs
__scs_entry_jumppad:
0x0: {  	(pc) =	sbr.rel $0x88, $3  }
0x1: {  	(tag) =	ssettag $0x0;
	lr =	simm.s32 $0x1  }
0x2: {  	[smem:$0x3F92] =	sst lr;
	_ =	strace $0xD0000000  }
0x3: {  	_ = 	snop  }
0x4: {  	_ = 	snop  }
0x5: {  	_ = 	snop  }
0x6: {  	_ = 	snop  }
0x7: {  	_ = 	snop  }
__scs_overlays_trampoline_lowered:
0x8: {  	[smem:$0x3FA1] =	sst s0  }
0x9: {  	[smem:$0x3FA2] =	sst s1  }
0xa: {  	[smem:$0x3FA3] =	sst s2  }
0xb: {  	[smem:$0x3FA4] =	sst s3  }
0xc: {  	[smem:$0x3FA5] =	sst s4  }
0xd: {  	[smem:$0x3FA6] =	sst s5  }
0xe: {  	[smem:$0x3FA7] =	sst s6  }
0xf: {  	[smem:$0x3FA8] =	sst s7  }
0x10: {  	[smem:$0x3FA9] =	sst s8  }
0x11: {  	[smem:$0x3FAA] =	sst s9;
	s0 =	simm.s32 @!p0 $0x0  }
0x12: {  	s1 =	sld [smem:$0x3F90];
	s0 =	simm.s32 @p0 $0x1  }
0x13: {  	[smem:$0x3FAB] =	sst s0;
	s0 =	simm.s32 @!p1 $0x0  }
0x14: {  	s2 =	sld [smem:$0x3F8F];
	s0 =	simm.s32 @p1 $0x1  }
0x15: {  	[smem:$0x3FAC] =	sst s0;
	s0 =	simm.s32 @!p2 $0x0  }
0x16: {  	s3 =	sld [smem:$0x3FDB];
	s0 =	simm.s32 @p2 $0x1  }
0x17: {  	s4 =	simm.s32 $0x1BF5;
	[smem:$0x3FAE] =	sst s0  }
0x18: {  	s0 =	sld [smem:$0x3F91];
	_ =	swait.ge [sflag:s4], $0x0  }
0x19: {  	s7 =	sld [smem:$0x3F92]  }
0x1a: {  	s8 =	sadd.s32 $0xFFFFE003, lr  }
0x1b: {  	s9 =	sadd.s32 $0xFFFFFEF7, lr;
	s5 =	simm.s32 $0xFFFFFFFF;
	p2 =	slt.u32 s8, $0xFFFFF086  }
0x1c: {  	p1 =	slt.u32 s9, $0xF7A;
	s5 =	simm.s32 @!p2 $0x0  }
0x1d: {  	s5 =	simm.s32 @p1 $0x1;
	p0 =	seq.s32 s7, s2  }
0x1e: {  	s7 =	smul.u32 @!p0 $0xF7A, s2;
	p2 =	seq.s32 @!p0 s5, $0x0  }
0x1f: {  	s9 =	smul.u32 $0xF7A, s1;
	s8 =	simm.s32 @!p0 $0x1BF5;
	p2 =	por !p2, p0  }
0x20: {  	[sflag:s8] =	ssyncset.s32 @!p0 $0xFFFFF086;
	s6 =	sadd.s32 @!p0 s3, s7;
	s7 =	simm.s32 @!p0 $0x108  }
0x21: {  	s3 =	sadd.s32 s3, s9;
	s6 =	sadd.s32 @!p0 $0x88, s6;
	s7 =	simm.s32 @p2 $0x1082  }
0x22: {  	[simem:s7], [sflag:s8] =	dma.local @!p0 [hbm:s6], $0xF7A  }
0x23: {  	s9 =	sor.u32 $0xD0000000, s2;
	s6 =	simm.s32 $0x108;
	_ =	swait.ge @!p0 [sflag:s8], $0x0  }
0x24: {  	s3 =	sadd.s32 $0x88, s3;
	s6 =	simm.s32 @!p1 $0x1082;
	[sflag:s4] =	ssyncset.s32 $0xFFFFF086  }
0x25: {  	[simem:s6], [sflag:s4] =	dma.local [hbm:s3], $0xF7A  }
0x26: {  	[smem:$0x3F92] =	sst s1;
	(tag) =	ssettag s2;
	_ =	strace s9  }
0x27: {  	s1 =	sld [smem:$0x3FA2]  }
0x28: {  	s2 =	sld [smem:$0x3FA3]  }
0x29: {  	s4 =	sld [smem:$0x3FA5]  }
0x2a: {  	p0 =	seq.s32 s5, $0x0;
	s5 =	sld [smem:$0x3FA6]  }
0x2b: {  	s6 =	sld [smem:$0x3FA7]  }
0x2c: {  	s7 =	sld [smem:$0x3FA8]  }
0x2d: {  	s3 =	simm.s32 $0x108;
	s8 =	sld [smem:$0x3FA9]  }
0x2e: {  	s3 =	simm.s32 @!p0 $0x1082;
	s9 =	sld [smem:$0x3FAA]  }
0x2f: {  	lr =	sadd.s32 s0, s3;
	s0 =	sld [smem:$0x3FA1]  }
0x30: {  	s3 =	sld [smem:$0x3FA4]  }
0x31: {  	[smem:$0x3FAD] =	sst s10  }
0x32: {  	s10 =	sld [smem:$0x3FAB];
	_ =	sdelay $0x3  }
0x33: {  	p0 =	seq.s32 s10, $0x1;
	s10 =	sld [smem:$0x3FAD];
	_ =	sdelay $0x3  }
0x34: {  	[smem:$0x3FAD] =	sst s10  }
0x35: {  	s10 =	sld [smem:$0x3FAC];
	_ =	sdelay $0x3  }
0x36: {  	p1 =	seq.s32 s10, $0x1;
	s10 =	sld [smem:$0x3FAD];
	_ =	sdelay $0x3  }
0x37: {  	[smem:$0x3FAD] =	sst s10  }
0x38: {  	s10 =	sld [smem:$0x3FAE]  }
0x39: {  	_ = 	snop;
	(pc) =	sbr.ind lr, $3  }
0x3a: {  	_ = 	snop  }
0x3b: {  	_ = 	snop  }
0x3c: {  	p2 =	seq.s32 s10, $0x1;
	s10 =	sld [smem:$0x3FAD]  }
0x3d: {  	_ =	shalt  }
0x3e: {  	_ =	shalt  }
0x3f: {  	_ =	shalt  }
0x40: {  	_ =	shalt  }
0x41: {  	_ =	shalt  }
0x42: {  	_ =	shalt  }
0x43: {  	_ =	shalt  }
0x44: {  	_ =	shalt  }
0x45: {  	_ =	shalt  }
0x46: {  	_ =	shalt  }
0x47: {  	_ =	shalt  }
0x48: {  	_ =	shalt  }
0x49: {  	_ =	shalt  }
0x4a: {  	_ =	shalt  }
0x4b: {  	_ =	shalt  }
0x4c: {  	_ =	shalt  }
0x4d: {  	_ =	shalt  }
0x4e: {  	_ =	shalt  }
0x4f: {  	_ =	shalt  }
0x50: {  	_ =	shalt  }
0x51: {  	_ =	shalt  }
0x52: {  	_ =	shalt  }
0x53: {  	_ =	shalt  }
0x54: {  	_ =	shalt  }
0x55: {  	_ =	shalt  }
0x56: {  	_ =	shalt  }
0x57: {  	_ =	shalt  }
0x58: {  	_ =	shalt  }
0x59: {  	_ =	shalt  }
0x5a: {  	_ =	shalt  }
0x5b: {  	_ =	shalt  }
0x5c: {  	_ =	shalt  }
0x5d: {  	_ =	shalt  }
0x5e: {  	_ =	shalt  }
0x5f: {  	_ =	shalt  }
0x60: {  	_ =	shalt  }
0x61: {  	_ =	shalt  }
0x62: {  	_ =	shalt  }
0x63: {  	_ =	shalt  }
0x64: {  	_ =	shalt  }
0x65: {  	_ =	shalt  }
0x66: {  	_ =	shalt  }
0x67: {  	_ =	shalt  }
0x68: {  	_ =	shalt  }
0x69: {  	_ =	shalt  }
0x6a: {  	_ =	shalt  }
0x6b: {  	_ =	shalt  }
0x6c: {  	_ =	shalt  }
0x6d: {  	_ =	shalt  }
0x6e: {  	_ =	shalt  }
0x6f: {  	_ =	shalt  }
0x70: {  	_ =	shalt  }
0x71: {  	_ =	shalt  }
0x72: {  	_ =	shalt  }
0x73: {  	_ =	shalt  }
0x74: {  	_ =	shalt  }
0x75: {  	_ =	shalt  }
0x76: {  	_ =	shalt  }
0x77: {  	_ =	shalt  }
0x78: {  	_ =	shalt  }
0x79: {  	_ =	shalt  }
0x7a: {  	_ =	shalt  }
0x7b: {  	_ =	shalt  }
0x7c: {  	_ =	shalt  }
0x7d: {  	_ =	shalt  }
0x7e: {  	_ =	shalt  }
0x7f: {  	_ =	shalt  }
0x80: {  	_ =	shalt  }
0x81: {  	_ =	shalt  }
0x82: {  	_ =	shalt  }
0x83: {  	_ =	shalt  }
0x84: {  	_ =	shalt  }
0x85: {  	_ =	shalt  }
0x86: {  	_ =	shalt  }
0x87: {  	_ =	shalt  }
.Lfunc_end0:
.L_simem_size_0:
called_computation_lowered:
.L_overlay_start_0:
0x88: {  	s2 =	sld [smem:$0x3FD9]  }
0x89: {  	s3 =	sld [smem:$0x3FFE];
	_ =	sdelay $0x1  }
0x8a: {  	s1 =	srdreg.scid  }
0x8b: {  	s0 =	sand.u32 $0x1, s1  }
0x8c: {  	s17 =	sshll.u32 s0, $0xA;
	s2 =	sadd.s32 s3, s2  }
0x8d: {  	s2 =	sadd.s32 s2, s17  }
0x8e: {  	[smem:$0x3FB9] =	sst s2  }
0x8f: {  	_ = 	snop  }
0x90: {  	s2 =	sld [smem:$0x3FD0];
	(tm) =	ssettm $0x1  }
0x91: {  	s18 =	sld [smem:$0x3FFB];
	_ =	sdelay $0x3  }
0x92: {  	_ =	strace s18  }
0x93: {  	s3 =	sld [smem:$0x3FFC];
	_ =	sdelay $0x3  }
0x94: {  	_ =	strace s3  }
0x95: {  	s3 =	sld [smem:$0x3FFD];
	_ =	sdelay $0x3  }
0x96: {  	_ =	strace s3  }
0x97: {  	_ =	strace $0x8FFFFFFF  }
0x98: {  	s19 =	sld [smem:$0x3FDB];
	_ =	sdelay $0x1  }
0x99: {  	s4 =	simm.s32 $_scs_section_size  }
0x9a: {  	s5 =	simm.s32 $_size__tile_overlayer_lowered;
	s6 =	simm.s32 $_tile_overlayer_lowered  }
0x9b: {  	s22 =	simm.s32 $0x1BFF;
	s21 =	sshll.u32 s6, $0x1;
	s3 =	sadd.s32 s4, s19  }
0x9c: {  	s7 =	simm.s32 $0x0;
	s20 =	sshll.u32 s5, $0x1;
	s5 =	sadd.s32 s21, s3  }
0x9d: {  	[timem:s7], [sflag:s22] =	dma.local [hbm:s5], s20  }
0x9e: {  	_ =	swait.ge [sflag:s22], s20  }
0x9f: {  	s4 =	ssub.s32 $0x0, s20;
	[sflag:s22] =	ssyncset.done $0x0  }
0xa0: {  	[sflag:s22] =	ssyncadd.s32 s4;
	_ =	sdelay $0x1  }
0xa1: {  	s23 =	simm.s32 $0x1B8B  }
0xa2: {  	_ =	swait.ge [sflag:s23], $0x1  }
0xa3: {  	[sflag:s23] =	ssyncset.done $0x0  }
0xa4: {  	s25 =	simm.s32 $0x1B8E;
	s24 =	sld [smem:$0x3FFE];
	[sflag:s23] =	ssyncadd.s32 $0xFFFFFFFF  }
0xa5: {  	s26 =	simm.s32 $execute0_lowered;
	[smem:$0x3FD2] =	sst s25  }
0xa6: {  	s5 =	sshll.u32 s26, $0x1;
	_ =	strace $0x80000046;
	[dreg:$0x1] =	wrdreg $0xFFFFFFFF  }
0xa7: {  	s28 =	simm.s32 $_size_execute0_lowered;
	s3 =	sadd.s32 s3, s5;
	[dreg:$0x0] =	wrdreg $0x0  }
0xa8: {  	s5 =	sshll.u32 s28, $0x1;
	[dreg:$0x2] =	wrdreg s3  }
0xa9: {  	[dreg:$0x3] =	wrdreg s5  }
0xaa: {  	[dreg:$0x4] =	wrdreg $0xC0  }
0xab: {  	_ =	task [dreg:s7], $0x5FFFF  }
0xac: {  	[dreg:$0x1] =	wrdreg $0xFFFFFFFF  }
0xad: {  	[dreg:$0x0] =	wrdreg $0x60  }
0xae: {  	[dreg:$0x2] =	wrdreg s24  }
0xaf: {  	[dreg:$0x3] =	wrdreg s2  }
0xb0: {  	[dreg:$0x4] =	wrdreg $0xAA000  }
0xb1: {  	[dreg:$0x5] =	wrdreg $0x9  }
0xb2: {  	_ =	task.clear_ibuf [dreg:s7], $0x6FFFF;
	_ =	strace $0x90000046  }
0xb3: {  	s29 =	simm.s32 $0x9;
	_ =	strace $0x80000048  }
0xb4: {  	_ =	swait.ge [sflag:s29], $0x1  }
0xb5: {  	[sflag:s29] =	ssyncadd.s32 $0xFFFFFFFF  }
0xb6: {  	_ =	strace $0x90000048  }
0xb7: {  	_ =	sfence  }
0xb8: {  	s30 =	sld [smem:$0x0];
	_ =	sdelay $0x2  }
0xb9: {  	s31 =	sshll.u32 s1, $0xD;
	s1 =	sshrl.u32 s1, $0x2  }
0xba: {  	s3 =	sand.u32 $0x4000, s31;
	s1 =	sadd.s32 s1, s30  }
0xbb: {  	s0 =	sor.u32 s3, s0;
	s1 =	sshll.u32 s1, $0x11  }
0xbc: {  	s0 =	sor.u32 s1, s0  }
0xbd: {  	s0 =	sadd.s32 $0x8F2B, s0  }
0xbe: {  	[sflag:s0] =	ssyncadd.remote.s32 $0x1  }
0xbf: {  	_ =	sfence.sel $0xFFFF  }
0xc0: {  	[dreg:$0x0] =	wrdreg $0xFFFFFFFF;
	(pc) =	sbr.abs _section_cstart, $3  }
0xc1: {  	[dreg:$0x1] =	wrdreg $0xFFFFFFFF  }
0xc2: {  	_ =	task.clear_ibuf [dreg:s7], $0x2FFFF;
	_ =	strace $0x9FFFFFFF  }
0xc3: {  	(tm) =	ssettm $0x7FFFFFFF  }
tec
execute0_lowered:
.L_overlay_start_1:
0x0: {  	(tag) =	ssettag $0x1  }
0x1: {  	s0 =	rddreg [dreg:$0x0]  }
0x2: {  	s2 =	rddreg [dreg:$0x1]  }
0x3: {  	s1 =	rddreg [dreg:$0x2];
	s3 =	srdreg.scid  }
0x4: {  	s11 =	stileid.u32;
	s28 =	simm.s32 $0x3;
	s29 =	simm.s32 $0x2  }
0x5: {  	s30 =	simm.s32 $0x4;
	s31 =	simm.s32 $0x0;
	s7 =	sand.u32 $0x1, s3  }
0x6: {  	s3 =	simm.s32 $0x0;
	s9 =	smul.u32 $0x14000, s11;
	s4 =	sadd.s32 $0x16A00, s0  }
0x7: {  	s16 =	sshll.u32 s11, $0x1;
	s10 =	sshrl.u32 s11, $0x2;
	s11 =	smul.u32 $0x50000, s11  }
0x8: {  	s5 =	sadd.s32 $0x2A00, s0;
	s6 =	sadd.s32 $0xCA00, s0;
	s8 =	smul.u32 $0x140000, s7  }
0x9: {  	[smem:$0x7FF] =	sst s3;
	s17 =	sor.u32 s7, s16;
	s18 =	smul.u32 $0x14000, s10  }
0xa: {  	s7 =	ssub.s32 $0x2, s7;
	_ =	strace $0x80000047;
	s19 =	sshll.u32 s17, $0x7  }
0xb: {  	s12 =	sshrl.u32 s7, $0x1;
	s20 =	sshrl.u32 s11, $0x2;
	s8 =	sadd.s32 s9, s8  }
0xc: {  	s10 =	sand.u32 $0x380, s19;
	s12 =	ssub.s32 s7, s12;
	s9 =	sadd.s32 s20, s1  }
0xd: {  	s19 =	simm.s32 $0x80;
	s20 =	simm.s32 $0x2A00;
	s8 =	sshrl.u32 s8, $0x3  }
0xe: {  	s7 =	sor.u32 s18, s10;
	s23 =	sadd.s32 $0x4000, s9;
	s24 =	sadd.s32 $0x8000, s9  }
0xf: {  	s25 =	sadd.s32 $0xC000, s9;
	s26 =	sadd.s32 $0x10000, s9;
	[dreg:$0x7] =	wrdreg s23  }
0x10: {  	s18 =	simm.s32 $0x5;
	s0 =	sadd.s32 s8, s0;
	[dreg:$0x8] =	wrdreg s24  }
0x11: {  	s8 =	smul.u32 $0x500, s17;
	s21 =	sshrl.u32 s7, $0x3;
	[dreg:$0x9] =	wrdreg s25  }
0x12: {  	[dreg:$0xa] =	wrdreg s26;
	s17 =	smax.u32 s12, $0x1;
	s23 =	simm.s32 $0x6A00  }
0x13: {  	s24 =	simm.s32 $0x2880;
	s25 =	simm.s32 $0x2980;
	s22 =	sadd.s32 s5, s21  }
0x14: {  	s26 =	simm.s32 $0x1;
	s2 =	sadd.s32 s2, s8;
	[dreg:$0x5] =	wrdreg s22  }
0x15: {  	s16 =	sadd.s32 $0x3EA00, s0;
	[dreg:$0x4] =	wrdreg s2;
	s2 =	sadd.s32 s6, s21  }
0x16: {  	v0 =	vimm.f32 $0.0e+00;
	s22 =	simm.s32 $0x2900;
	s21 =	simm.s32 $0x2800;
	[dreg:$0x6] =	wrdreg s2  }
.LBB2_1:
0x17: {  	s0 =	rddreg [dreg:$0x4]  }
0x18: {  	[tilespmem:s3], [sflag:$0x5] =	stream.linear.gather [hbm4b:s0+s3], $0x2800, $0x38;
	[tilespmem:$0x1EA00] =	vst v63  }
0x19: {  	_ =	swait.ge [sflag:s18], $0x2800  }
0x1a: {  	[sflag:s18] =	ssyncset.done $0x0  }
0x1b: {  	[sflag:s18] =	ssyncadd.s32 $0xFFFFD800  }
0x1c: {  	[tilespmem:s20], [sflag:$0x1] =	stream.indirect.gather [hbm4b:s4+s19], $0x80, s3, s19, $0xb8;
	[tilespmem:$0x1EA00] =	vst v63  }
0x1d: {  	s14 =	rddreg [dreg:$0x5]  }
0x1e: {  	[tilespmem:s21], [sflag:$0x3] =	stream.linear.gather [hbm4b:s14+s3], $0x80, $0x38;
	[tilespmem:$0x1EA00] =	vst v63  }
0x1f: {  	s2 =	simm.s32 $0x200;
	s0 =	simm.s32 $0x0;
	s15 =	rddreg [dreg:$0x6]  }
0x20: {  	[tilespmem:s22], [sflag:$0x3] =	stream.linear.gather [hbm4b:s15+s3], $0x80, $0x38;
	[tilespmem:$0x1EA00] =	vst v63  }
.LBB2_2:
0x21: {  	p0 =	sne.s32 s2, $0xFE00;
	[tilespmem:s0+$0x6A70] =	vst v0  }
0x22: {  	[tilespmem:s0+$0x6A00] =	vst v0  }
0x23: {  	[tilespmem:s0+$0x6A10] =	vst v0  }
.Ltmp0:
0x24: {  	[tilespmem:s0+$0x6A20] =	vst v0;
	(pc) =	sbr.rel @p0 .LBB2_2-.Ltmp0, $4  }
0x25: {  	[tilespmem:s0+$0x6A30] =	vst v0  }
0x26: {  	[tilespmem:s0+$0x6A40] =	vst v0  }
0x27: {  	[tilespmem:s0+$0x6A50] =	vst v0  }
0x28: {  	[tilespmem:s0+$0x6A60] =	vst v0;
	s0 =	sshra.s32 s2, $0x2;
	s2 =	sadd.s32 $0x200, s2  }
0x29: {  	[tilespmem:s0+$0x6A70] =	vst v0  }
0x2a: {  	[tilespmem:s0+$0x6A00] =	vst v0  }
0x2b: {  	[tilespmem:s0+$0x6A10] =	vst v0  }
0x2c: {  	[tilespmem:s0+$0x6A20] =	vst v0  }
0x2d: {  	[tilespmem:s0+$0x6A30] =	vst v0  }
0x2e: {  	[tilespmem:s0+$0x6A40] =	vst v0  }
0x2f: {  	[tilespmem:s0+$0x6A50] =	vst v0  }
0x30: {  	[tilespmem:s0+$0x6A60] =	vst v0  }
0x31: {  	[spmem:s9] =	stream.linear.scatter [tilespmem:s23], [sflag:$0x5], $0x4000, $0x38;
	[tilespmem:$0x1EA00] =	vst v63  }
0x32: {  	_ =	swait.ge [sflag:s18], $0x4000  }
0x33: {  	[sflag:s18] =	ssyncset.done $0x0  }
0x34: {  	s12 =	rddreg [dreg:$0x7];
	[sflag:s18] =	ssyncadd.s32 $0xFFFFC000  }
0x35: {  	[spmem:s12] =	stream.linear.scatter [tilespmem:s23], [sflag:$0x5], $0x4000, $0x38;
	[tilespmem:$0x1EA00] =	vst v63  }
0x36: {  	_ =	swait.ge [sflag:s18], $0x4000  }
0x37: {  	[sflag:s18] =	ssyncset.done $0x0  }
0x38: {  	s13 =	rddreg [dreg:$0x8];
	[sflag:s18] =	ssyncadd.s32 $0xFFFFC000  }
0x39: {  	[spmem:s13] =	stream.linear.scatter [tilespmem:s23], [sflag:$0x5], $0x4000, $0x38;
	[tilespmem:$0x1EA00] =	vst v63  }
0x3a: {  	_ =	swait.ge [sflag:s18], $0x4000  }
0x3b: {  	[sflag:s18] =	ssyncset.done $0x0  }
0x3c: {  	s14 =	rddreg [dreg:$0x9];
	[sflag:s18] =	ssyncadd.s32 $0xFFFFC000  }
0x3d: {  	[spmem:s14] =	stream.linear.scatter [tilespmem:s23], [sflag:$0x5], $0x4000, $0x38;
	[tilespmem:$0x1EA00] =	vst v63  }
0x3e: {  	_ =	swait.ge [sflag:s18], $0x4000  }
0x3f: {  	[sflag:s18] =	ssyncset.done $0x0  }
0x40: {  	s15 =	rddreg [dreg:$0xa];
	[sflag:s18] =	ssyncadd.s32 $0xFFFFC000  }
0x41: {  	[spmem:s15] =	stream.linear.scatter [tilespmem:s23], [sflag:$0x5], $0x4000, $0x38;
	[tilespmem:$0x1EA00] =	vst v63  }
0x42: {  	_ =	swait.ge [sflag:s18], $0x4000  }
0x43: {  	[sflag:s18] =	ssyncset.done $0x0  }
0x44: {  	[sflag:s18] =	ssyncadd.s32 $0xFFFFC000  }
0x45: {  	s0 =	simm.s32 $0x0;
	s2 =	simm.s32 $0x0;
	[bflag:$0x0] =	sbarrier.arrive $0xFFFF  }
.LBB2_4:
0x46: {  	s8 =	sshllo.u32 s2, $0x1  }
0x47: {  	s10 =	sshll.u32 s8, $0x7;
	s8 =	sshll.u32 s8, $0xA  }
0x48: {  	s10 =	sand.u32 $0x3FFFFF80, s10;
	s8 =	sadd.s32 s7, s8  }
0x49: {  	[tilespmem:s23], [sflag:$0x2] =	stream.indirect.gather [hbm4b:s4+s19], $0x80, s10, s19, $0xb8;
	[tilespmem:$0x1EA00] =	vst v63  }
0x4a: {  	s8 =	sshrl.u32 s8, $0x3  }
0x4b: {  	s13 =	sadd.s32 s5, s8  }
0x4c: {  	[tilespmem:s24], [sflag:$0x4] =	stream.linear.gather [hbm4b:s13+s0], $0x80, $0x38;
	[tilespmem:$0x1EA00] =	vst v63  }
0x4d: {  	s8 =	sadd.s32 s6, s8  }
0x4e: {  	[tilespmem:s25], [sflag:$0x4] =	stream.linear.gather [hbm4b:s8+s0], $0x80, $0x38;
	[tilespmem:$0x1EA00] =	vst v63  }
0x4f: {  	_ =	swait.ge [sflag:s26], $0x4000  }
0x50: {  	[sflag:s26] =	ssyncset.done $0x0  }
0x51: {  	v1 =	vmov s0;
	[sflag:s26] =	ssyncadd.s32 $0xFFFFC000  }
0x52: {  	v1 =	vand.u32 $0xFFFFFFFC, v1;
	_ =	swait.ge [sflag:s28], $0x80  }
0x53: {  	v1 =	vbroadcast v1, $0x0;
	[sflag:s28] =	ssyncset.done $0x0  }
0x54: {  	[sflag:s28] =	ssyncadd.s32 $0xFFFFFF80  }
0x55: {  	_ =	swait.ge [sflag:s28], $0x80  }
0x56: {  	[sflag:s28] =	ssyncset.done $0x0  }
0x57: {  	s8 =	simm.s32 $0x2B00;
	[sflag:s28] =	ssyncadd.s32 $0xFFFFFF80  }
0x58: {  	v2 =	vld [tilespmem:s8+$0xFFFFFF70]  }
0x59: {  	v1 =	vld.idx.msk [tilespmem:v1+s22+$0x0], $0xffff  }
0x5a: {  	v3 =	vld [tilespmem:s8+$0xFFFFFF00]  }
0x5b: {  	v4 =	vld [tilespmem:s8+$0xFFFFFF20]  }
0x5c: {  	v5 =	vld [tilespmem:s8+$0xFFFFFF50]  }
0x5d: {  	v6 =	vld [tilespmem:s8+$0xFFFFFF40]  }
0x5e: {  	v7 =	vld [tilespmem:s8+$0xFFFFFF60];
	v2 =	vmul.f32 v2, v1  }
0x5f: {  	s14 =	simm.s32 $0x1;
	v8 =	vld [tilespmem:s8+$0xFFFFFF30];
	v3 =	vmul.f32 v3, v1  }
0x60: {  	v9 =	vld [tilespmem:s8+$0xFFFFFF10];
	v4 =	vmul.f32 v4, v1;
	[tilespmem:s8+$0xFFFFFF70] =	vst v2;
	v2 =	vmov s14  }
0x61: {  	v5 =	vmul.f32 v5, v1;
	[tilespmem:s8+$0xFFFFFF00] =	vst v3;
	v2 =	vand.u32 $0xFFFFFFFD, v2  }
0x62: {  	v3 =	vmul.f32 v6, v1;
	[tilespmem:s8+$0xFFFFFF20] =	vst v4;
	v2 =	vbroadcast v2, $0x0  }
0x63: {  	v4 =	vmul.f32 v7, v1;
	[tilespmem:s8+$0xFFFFFF50] =	vst v5  }
0x64: {  	v5 =	vmul.f32 v8, v1;
	[tilespmem:s8+$0xFFFFFF40] =	vst v3  }
0x65: {  	v1 =	vmul.f32 v9, v1;
	[tilespmem:s8+$0xFFFFFF60] =	vst v4  }
0x66: {  	[tilespmem:s8+$0xFFFFFF30] =	vst v5  }
0x67: {  	[tilespmem:s8+$0xFFFFFF10] =	vst v1;
	v1 =	vld [tilespmem:s8+$0xFFFFFF90]  }
0x68: {  	v3 =	vld.idx.msk [tilespmem:v2+s22+$0x0], $0xffff  }
0x69: {  	v2 =	vld [tilespmem:s8+$0xFFFFFFA0]  }
0x6a: {  	v4 =	vld [tilespmem:s8+$0xFFFFFF80]  }
0x6b: {  	v5 =	vld [tilespmem:s8+$0xFFFFFFB0]  }
0x6c: {  	v6 =	vld [tilespmem:s8+$0xFFFFFFC0]  }
0x6d: {  	v7 =	vld [tilespmem:s8+$0xFFFFFFD0];
	v1 =	vmul.f32 v1, v3  }
0x6e: {  	s15 =	simm.s32 $0x2;
	v8 =	vld [tilespmem:s8+$0xFFFFFFF0];
	v2 =	vmul.f32 v2, v3  }
0x6f: {  	v63 =	vld [tilespmem:s8+$0xFFFFFFE0];
	v4 =	vmul.f32 v4, v3;
	[tilespmem:s8+$0xFFFFFF90] =	vst v1;
	v1 =	vmov s15  }
0x70: {  	v5 =	vmul.f32 v5, v3;
	[tilespmem:s8+$0xFFFFFFA0] =	vst v2;
	v1 =	vand.u32 $0xFFFFFFFE, v1  }
0x71: {  	v2 =	vmul.f32 v6, v3;
	[tilespmem:s8+$0xFFFFFF80] =	vst v4;
	v6 =	vld [tilespmem:s8+$0x60];
	v10 =	vbroadcast v1, $0x0  }
0x72: {  	v4 =	vmul.f32 v7, v3;
	[tilespmem:s8+$0xFFFFFFB0] =	vst v5;
	v7 =	vld [tilespmem:s8+$0x0]  }
0x73: {  	v5 =	vmul.f32 v8, v3;
	v1 =	vld [tilespmem:s8+$0x20];
	[tilespmem:s8+$0xFFFFFFC0] =	vst v2  }
0x74: {  	v3 =	vmul.f32 v63, v3;
	v2 =	vld [tilespmem:s8+$0x30];
	[tilespmem:s8+$0xFFFFFFD0] =	vst v4  }
0x75: {  	[tilespmem:s8+$0xFFFFFFF0] =	vst v5;
	v4 =	vld [tilespmem:s8+$0x40]  }
0x76: {  	s12 =	simm.s32 $0x4;
	[tilespmem:s8+$0xFFFFFFE0] =	vst v3;
	v5 =	vld [tilespmem:s8+$0x10]  }
0x77: {  	s11 =	simm.s32 $0x0;
	s10 =	sshll.u32 s2, $0x1;
	s13 =	simm.s32 $0x2B00;
	v3 =	vld.idx.msk [tilespmem:v10+s22+$0x0], $0xffff  }
.LBB2_5:
0x78: {  	p0 =	sne.s32 s12, $0x7C  }
0x79: {  	v8 =	vld [tilespmem:s8+$0x50];
	s13 =	sadd.s32 $0x200, s13;
	s14 =	smov.u32 s12;
	s12 =	sadd.s32 $0x4, s12  }
0x7a: {  	v9 =	vld [tilespmem:s8+$0x70];
	_ =	sdelay $0x1  }
0x7b: {  	v6 =	vmul.f32 v6, v3;
	v7 =	vmul.f32 v7, v3  }
0x7c: {  	v4 =	vmul.f32 v4, v3;
	v5 =	vmul.f32 v5, v3  }
0x7d: {  	v1 =	vmul.f32 v1, v3;
	v2 =	vmul.f32 v2, v3;
	[tilespmem:s8+$0x60] =	vst v6  }
0x7e: {  	[tilespmem:s8+$0x40] =	vst v4;
	v4 =	vmul.f32 v8, v3;
	v3 =	vmul.f32 v9, v3  }
0x7f: {  	s15 =	sadd.s32 $0x3, s11;
	s11 =	smov.u32 s14;
	[tilespmem:s8+$0x20] =	vst v1;
	v6 =	vld [tilespmem:s8+$0x80]  }
0x80: {  	v1 =	vld [tilespmem:s13+$0x20];
	[tilespmem:s8+$0x0] =	vst v7;
	v7 =	vmov s15  }
0x81: {  	[tilespmem:s8+$0x50] =	vst v4;
	v4 =	vld [tilespmem:s8+$0xE0]  }
0x82: {  	[tilespmem:s8+$0x30] =	vst v2;
	v8 =	vld [tilespmem:s8+$0xC0]  }
0x83: {  	v2 =	vld [tilespmem:s13+$0x30];
	[tilespmem:s8+$0x10] =	vst v5  }
0x84: {  	[tilespmem:s8+$0x70] =	vst v3;
	v3 =	vld [tilespmem:s8+$0xA0]  }
0x85: {  	v5 =	vld.idx.msk [tilespmem:v7+s22+$0x0], $0xffff  }
0x86: {  	v7 =	vld [tilespmem:s8+$0x90]  }
0x87: {  	v9 =	vld [tilespmem:s8+$0xB0]  }
0x88: {  	v10 =	vld [tilespmem:s8+$0xD0]  }
0x89: {  	v11 =	vld [tilespmem:s8+$0xF0];
	_ =	sdelay $0x1  }
0x8a: {  	v6 =	vmul.f32 v6, v5;
	v7 =	vmul.f32 v7, v5  }
0x8b: {  	v3 =	vmul.f32 v3, v5;
	v9 =	vmul.f32 v9, v5  }
0x8c: {  	v12 =	vmov s11;
	[tilespmem:s8+$0x80] =	vst v6;
	v6 =	vmul.f32 v8, v5;
	v8 =	vmul.f32 v10, v5  }
0x8d: {  	v10 =	vand.u32 $0xFFFFFFFC, v12;
	[tilespmem:s8+$0xA0] =	vst v3;
	v3 =	vmul.f32 v4, v5;
	v4 =	vmul.f32 v11, v5  }
0x8e: {  	v5 =	vbroadcast v10, $0x0;
	[tilespmem:s8+$0xC0] =	vst v6  }
0x8f: {  	[tilespmem:s8+$0xF0] =	vst v4  }
0x90: {  	v4 =	vld [tilespmem:s13+$0xFFFFFF40];
	[tilespmem:s8+$0xE0] =	vst v3  }
0x91: {  	v3 =	vld [tilespmem:s13+$0xFFFFFF50];
	[tilespmem:s8+$0x90] =	vst v7  }
0x92: {  	v6 =	vld [tilespmem:s13+$0xFFFFFF60];
	[tilespmem:s8+$0xB0] =	vst v9  }
0x93: {  	v7 =	vld [tilespmem:s13+$0xFFFFFF70];
	[tilespmem:s8+$0xD0] =	vst v8;
	s8 =	smov.u32 s13  }
0x94: {  	v5 =	vld.idx.msk [tilespmem:v5+s22+$0x0], $0xffff  }
0x95: {  	v8 =	vld [tilespmem:s13+$0xFFFFFF00]  }
0x96: {  	v9 =	vld [tilespmem:s13+$0xFFFFFF20]  }
0x97: {  	v10 =	vld [tilespmem:s13+$0xFFFFFF10]  }
0x98: {  	v11 =	vld [tilespmem:s13+$0xFFFFFF30];
	_ =	sdelay $0x1  }
0x99: {  	v7 =	vmul.f32 v7, v5;
	v8 =	vmul.f32 v8, v5  }
0x9a: {  	s14 =	sadd.s32 $0x1, s11;
	v6 =	vmul.f32 v6, v5;
	v9 =	vmul.f32 v9, v5  }
0x9b: {  	v3 =	vmul.f32 v3, v5;
	v10 =	vmul.f32 v10, v5;
	[tilespmem:s13+$0xFFFFFF70] =	vst v7;
	v7 =	vmov s14  }
0x9c: {  	v4 =	vmul.f32 v4, v5;
	[tilespmem:s13+$0xFFFFFF00] =	vst v8;
	v8 =	vmul.f32 v11, v5;
	v5 =	vand.u32 $0xFFFFFFFD, v7  }
0x9d: {  	[tilespmem:s13+$0xFFFFFF20] =	vst v9;
	v5 =	vbroadcast v5, $0x0  }
0x9e: {  	[tilespmem:s13+$0xFFFFFF50] =	vst v3  }
0x9f: {  	[tilespmem:s13+$0xFFFFFF40] =	vst v4;
	v3 =	vld [tilespmem:s13+$0xFFFFFFF0]  }
0xa0: {  	[tilespmem:s13+$0xFFFFFF60] =	vst v6;
	v4 =	vld [tilespmem:s13+$0xFFFFFFC0]  }
0xa1: {  	[tilespmem:s13+$0xFFFFFF30] =	vst v8;
	v6 =	vld [tilespmem:s13+$0xFFFFFFD0]  }
0xa2: {  	[tilespmem:s13+$0xFFFFFF10] =	vst v10;
	v7 =	vld [tilespmem:s13+$0xFFFFFF90]  }
0xa3: {  	v5 =	vld.idx.msk [tilespmem:v5+s22+$0x0], $0xffff  }
0xa4: {  	v8 =	vld [tilespmem:s13+$0xFFFFFF80]  }
0xa5: {  	v9 =	vld [tilespmem:s13+$0xFFFFFFA0]  }
0xa6: {  	v10 =	vld [tilespmem:s13+$0xFFFFFFB0]  }
0xa7: {  	v11 =	vld [tilespmem:s13+$0xFFFFFFE0];
	_ =	sdelay $0x1  }
0xa8: {  	v7 =	vmul.f32 v7, v5;
	v8 =	vmul.f32 v8, v5  }
0xa9: {  	s14 =	sadd.s32 $0x2, s11;
	v6 =	vmul.f32 v6, v5;
	v9 =	vmul.f32 v9, v5  }
0xaa: {  	v4 =	vmul.f32 v4, v5;
	[tilespmem:s13+$0xFFFFFF90] =	vst v7;
	v7 =	vmul.f32 v10, v5;
	v10 =	vmov s14  }
0xab: {  	v3 =	vmul.f32 v3, v5;
	[tilespmem:s13+$0xFFFFFFA0] =	vst v9;
	v9 =	vmul.f32 v11, v5;
	v5 =	vand.u32 $0xFFFFFFFE, v10  }
0xac: {  	[tilespmem:s13+$0xFFFFFF80] =	vst v8;
	v5 =	vbroadcast v5, $0x0  }
0xad: {  	[tilespmem:s13+$0xFFFFFFB0] =	vst v7  }
0xae: {  	[tilespmem:s13+$0xFFFFFFC0] =	vst v4  }
0xaf: {  	[tilespmem:s13+$0xFFFFFFD0] =	vst v6  }
.Ltmp1:
0xb0: {  	[tilespmem:s13+$0xFFFFFFF0] =	vst v3;
	v4 =	vld [tilespmem:s13+$0x40];
	(pc) =	sbr.rel @p0 .LBB2_5-.Ltmp1, $4  }
0xb1: {  	[tilespmem:s13+$0xFFFFFFE0] =	vst v9;
	v6 =	vld [tilespmem:s13+$0x60]  }
0xb2: {  	v3 =	vld.idx.msk [tilespmem:v5+s22+$0x0], $0xffff  }
0xb3: {  	v7 =	vld [tilespmem:s13+$0x0]  }
0xb4: {  	v5 =	vld [tilespmem:s13+$0x10]  }
0xb5: {  	_ =	sdelay $0x1  }
0xb6: {  	v6 =	vmul.f32 v6, v3  }
0xb7: {  	v8 =	vld [tilespmem:s8+$0x50];
	v4 =	vmul.f32 v4, v3  }
0xb8: {  	v9 =	vld [tilespmem:s8+$0x70];
	v1 =	vmul.f32 v1, v3;
	[tilespmem:s8+$0x60] =	vst v6  }
0xb9: {  	v6 =	vmul.f32 v7, v3;
	[tilespmem:s8+$0x40] =	vst v4  }
0xba: {  	s11 =	sadd.s32 $0x3, s11;
	[tilespmem:s8+$0x20] =	vst v1;
	v1 =	vmul.f32 v2, v3  }
0xbb: {  	v5 =	vmul.f32 v5, v3;
	[tilespmem:s8+$0x0] =	vst v6;
	v6 =	vmov s11  }
0xbc: {  	v4 =	vmul.f32 v8, v3;
	[tilespmem:s8+$0x30] =	vst v1  }
0xbd: {  	v3 =	vmul.f32 v9, v3;
	[tilespmem:s8+$0x10] =	vst v5  }
0xbe: {  	[tilespmem:s8+$0x50] =	vst v4  }
0xbf: {  	v2 =	vld [tilespmem:s8+$0x80];
	[tilespmem:s8+$0x70] =	vst v3  }
0xc0: {  	v1 =	vld.idx.msk [tilespmem:v6+s22+$0x0], $0xffff  }
0xc1: {  	v3 =	vld [tilespmem:s8+$0xA0]  }
0xc2: {  	v4 =	vld [tilespmem:s8+$0xC0]  }
0xc3: {  	v5 =	vld [tilespmem:s8+$0xF0]  }
0xc4: {  	v6 =	vld [tilespmem:s8+$0xE0]  }
0xc5: {  	v7 =	vld [tilespmem:s8+$0x90];
	v2 =	vmul.f32 v2, v1  }
0xc6: {  	v8 =	vld [tilespmem:s8+$0xB0];
	v3 =	vmul.f32 v3, v1  }
0xc7: {  	v61 =	vld [tilespmem:s8+$0xD0];
	[tilespmem:s8+$0x80] =	vst v2;
	v2 =	vmul.f32 v4, v1  }
0xc8: {  	[tilespmem:s8+$0xA0] =	vst v3;
	v3 =	vmul.f32 v5, v1  }
0xc9: {  	v4 =	vmul.f32 v6, v1;
	[tilespmem:s8+$0xC0] =	vst v2  }
0xca: {  	v2 =	vmul.f32 v7, v1;
	[tilespmem:s8+$0xF0] =	vst v3  }
0xcb: {  	v3 =	vmul.f32 v8, v1;
	[tilespmem:s8+$0xE0] =	vst v4  }
0xcc: {  	v1 =	vmul.f32 v61, v1;
	[tilespmem:s8+$0x90] =	vst v2  }
0xcd: {  	[tilespmem:s8+$0xB0] =	vst v3  }
0xce: {  	[tilespmem:s8+$0xD0] =	vst v1;
	s8 =	sadd.s32 $0x2, s10  }
0xcf: {  	[spmem:s1] =	stream.indirect.scatter.add.f32 [tilespmem:s20], [sflag:$0x5], $0x80, s21, s19, $0xb8;
	[tilespmem:$0x1EA00] =	vst v63  }
0xd0: {  	p0 =	seq.s32 s8, $0x50  }
0xd1: {  	_ =	swait.ge [sflag:s18], $0x4000;
	s8 =	simm.s32 @p0 $0x0  }
0xd2: {  	[sflag:s18] =	ssyncset.done $0x0;
	s12 =	sshll.u32 s8, $0x7;
	s8 =	sshll.u32 s8, $0xA  }
0xd3: {  	[sflag:s18] =	ssyncadd.s32 $0xFFFFC000;
	s10 =	sand.u32 $0x3FFFFF80, s12;
	s8 =	sadd.s32 s7, s8  }
0xd4: {  	[tilespmem:s20], [sflag:$0x1] =	stream.indirect.gather [hbm4b:s4+s19], $0x80, s10, s19, $0xb8;
	[tilespmem:$0x1EA00] =	vst v63  }
0xd5: {  	s8 =	sshrl.u32 s8, $0x3  }
0xd6: {  	s10 =	simm.s32 $0x0;
	s13 =	sadd.s32 s5, s8  }
0xd7: {  	[tilespmem:s21], [sflag:$0x3] =	stream.linear.gather [hbm4b:s13+s10], $0x80, $0x38;
	[tilespmem:$0x1EA00] =	vst v63  }
0xd8: {  	s8 =	sadd.s32 s6, s8  }
0xd9: {  	[tilespmem:s22], [sflag:$0x3] =	stream.linear.gather [hbm4b:s8+s10], $0x80, $0x38;
	[tilespmem:$0x1EA00] =	vst v63  }
0xda: {  	_ =	swait.ge [sflag:s29], $0x4000  }
0xdb: {  	[sflag:s29] =	ssyncset.done $0x0  }
0xdc: {  	v1 =	vmov s10;
	[sflag:s29] =	ssyncadd.s32 $0xFFFFC000  }
0xdd: {  	v1 =	vand.u32 $0xFFFFFFFC, v1;
	_ =	swait.ge [sflag:s30], $0x80  }
0xde: {  	v1 =	vbroadcast v1, $0x0;
	[sflag:s30] =	ssyncset.done $0x0  }
0xdf: {  	[sflag:s30] =	ssyncadd.s32 $0xFFFFFF80  }
0xe0: {  	_ =	swait.ge [sflag:s30], $0x80  }
0xe1: {  	[sflag:s30] =	ssyncset.done $0x0  }
0xe2: {  	s8 =	simm.s32 $0x6B00;
	[sflag:s30] =	ssyncadd.s32 $0xFFFFFF80  }
0xe3: {  	v2 =	vld [tilespmem:s8+$0xFFFFFF70]  }
0xe4: {  	v1 =	vld.idx.msk [tilespmem:v1+s25+$0x0], $0xffff  }
0xe5: {  	v3 =	vld [tilespmem:s8+$0xFFFFFF00]  }
0xe6: {  	v4 =	vld [tilespmem:s8+$0xFFFFFF20]  }
0xe7: {  	v5 =	vld [tilespmem:s8+$0xFFFFFF50]  }
0xe8: {  	v6 =	vld [tilespmem:s8+$0xFFFFFF40]  }
0xe9: {  	v7 =	vld [tilespmem:s8+$0xFFFFFF60];
	v2 =	vmul.f32 v2, v1  }
0xea: {  	s14 =	simm.s32 $0x1;
	v8 =	vld [tilespmem:s8+$0xFFFFFF30];
	v3 =	vmul.f32 v3, v1  }
0xeb: {  	v62 =	vld [tilespmem:s8+$0xFFFFFF10];
	v4 =	vmul.f32 v4, v1;
	[tilespmem:s8+$0xFFFFFF70] =	vst v2;
	v2 =	vmov s14  }
0xec: {  	v5 =	vmul.f32 v5, v1;
	[tilespmem:s8+$0xFFFFFF00] =	vst v3;
	v2 =	vand.u32 $0xFFFFFFFD, v2  }
0xed: {  	v3 =	vmul.f32 v6, v1;
	[tilespmem:s8+$0xFFFFFF20] =	vst v4;
	v2 =	vbroadcast v2, $0x0  }
0xee: {  	v4 =	vmul.f32 v7, v1;
	[tilespmem:s8+$0xFFFFFF50] =	vst v5  }
0xef: {  	v5 =	vmul.f32 v8, v1;
	[tilespmem:s8+$0xFFFFFF40] =	vst v3  }
0xf0: {  	v1 =	vmul.f32 v62, v1;
	[tilespmem:s8+$0xFFFFFF60] =	vst v4  }
0xf1: {  	[tilespmem:s8+$0xFFFFFF30] =	vst v5  }
0xf2: {  	[tilespmem:s8+$0xFFFFFF10] =	vst v1;
	v1 =	vld [tilespmem:s8+$0xFFFFFF90]  }
0xf3: {  	v3 =	vld.idx.msk [tilespmem:v2+s25+$0x0], $0xffff  }
0xf4: {  	v2 =	vld [tilespmem:s8+$0xFFFFFFA0]  }
0xf5: {  	v4 =	vld [tilespmem:s8+$0xFFFFFF80]  }
0xf6: {  	v5 =	vld [tilespmem:s8+$0xFFFFFFB0]  }
0xf7: {  	v6 =	vld [tilespmem:s8+$0xFFFFFFC0]  }
0xf8: {  	v7 =	vld [tilespmem:s8+$0xFFFFFFD0];
	v1 =	vmul.f32 v1, v3  }
0xf9: {  	s15 =	simm.s32 $0x2;
	v8 =	vld [tilespmem:s8+$0xFFFFFFF0];
	v2 =	vmul.f32 v2, v3  }
0xfa: {  	v63 =	vld [tilespmem:s8+$0xFFFFFFE0];
	v4 =	vmul.f32 v4, v3;
	[tilespmem:s8+$0xFFFFFF90] =	vst v1;
	v1 =	vmov s15  }
0xfb: {  	v5 =	vmul.f32 v5, v3;
	[tilespmem:s8+$0xFFFFFFA0] =	vst v2;
	v1 =	vand.u32 $0xFFFFFFFE, v1  }
0xfc: {  	v2 =	vmul.f32 v6, v3;
	[tilespmem:s8+$0xFFFFFF80] =	vst v4;
	v6 =	vld [tilespmem:s8+$0x60];
	v10 =	vbroadcast v1, $0x0  }
0xfd: {  	v4 =	vmul.f32 v7, v3;
	[tilespmem:s8+$0xFFFFFFB0] =	vst v5;
	v7 =	vld [tilespmem:s8+$0x0]  }
0xfe: {  	v5 =	vmul.f32 v8, v3;
	v1 =	vld [tilespmem:s8+$0x20];
	[tilespmem:s8+$0xFFFFFFC0] =	vst v2  }
0xff: {  	v3 =	vmul.f32 v63, v3;
	v2 =	vld [tilespmem:s8+$0x30];
	[tilespmem:s8+$0xFFFFFFD0] =	vst v4  }
0x100: {  	[tilespmem:s8+$0xFFFFFFF0] =	vst v5;
	v4 =	vld [tilespmem:s8+$0x40]  }
0x101: {  	[tilespmem:s8+$0xFFFFFFE0] =	vst v3;
	v5 =	vld [tilespmem:s8+$0x10]  }
0x102: {  	s11 =	simm.s32 $0x4;
	s12 =	simm.s32 $0x6B00;
	v3 =	vld.idx.msk [tilespmem:v10+s25+$0x0], $0xffff  }
.LBB2_7:
0x103: {  	p0 =	sne.s32 s11, $0x7C  }
0x104: {  	v8 =	vld [tilespmem:s8+$0x50];
	s12 =	sadd.s32 $0x200, s12;
	s13 =	smov.u32 s11;
	s11 =	sadd.s32 $0x4, s11  }
0x105: {  	v9 =	vld [tilespmem:s8+$0x70];
	_ =	sdelay $0x1  }
0x106: {  	v6 =	vmul.f32 v6, v3;
	v7 =	vmul.f32 v7, v3  }
0x107: {  	v4 =	vmul.f32 v4, v3;
	v5 =	vmul.f32 v5, v3  }
0x108: {  	v1 =	vmul.f32 v1, v3;
	v2 =	vmul.f32 v2, v3;
	[tilespmem:s8+$0x60] =	vst v6  }
0x109: {  	[tilespmem:s8+$0x40] =	vst v4;
	v4 =	vmul.f32 v8, v3;
	v3 =	vmul.f32 v9, v3  }
0x10a: {  	s14 =	sadd.s32 $0x3, s10;
	s10 =	smov.u32 s13;
	[tilespmem:s8+$0x20] =	vst v1;
	v6 =	vld [tilespmem:s8+$0x80]  }
0x10b: {  	v1 =	vld [tilespmem:s12+$0x20];
	[tilespmem:s8+$0x0] =	vst v7;
	v7 =	vmov s14  }
0x10c: {  	[tilespmem:s8+$0x50] =	vst v4;
	v4 =	vld [tilespmem:s8+$0xE0]  }
0x10d: {  	[tilespmem:s8+$0x30] =	vst v2;
	v8 =	vld [tilespmem:s8+$0xC0]  }
0x10e: {  	v2 =	vld [tilespmem:s12+$0x30];
	[tilespmem:s8+$0x10] =	vst v5  }
0x10f: {  	[tilespmem:s8+$0x70] =	vst v3;
	v3 =	vld [tilespmem:s8+$0xA0]  }
0x110: {  	v5 =	vld.idx.msk [tilespmem:v7+s25+$0x0], $0xffff  }
0x111: {  	v7 =	vld [tilespmem:s8+$0x90]  }
0x112: {  	v9 =	vld [tilespmem:s8+$0xB0]  }
0x113: {  	v10 =	vld [tilespmem:s8+$0xD0]  }
0x114: {  	v11 =	vld [tilespmem:s8+$0xF0];
	_ =	sdelay $0x1  }
0x115: {  	v6 =	vmul.f32 v6, v5;
	v7 =	vmul.f32 v7, v5  }
0x116: {  	v3 =	vmul.f32 v3, v5;
	v9 =	vmul.f32 v9, v5  }
0x117: {  	v12 =	vmov s10;
	[tilespmem:s8+$0x80] =	vst v6;
	v6 =	vmul.f32 v8, v5;
	v8 =	vmul.f32 v10, v5  }
0x118: {  	v10 =	vand.u32 $0xFFFFFFFC, v12;
	[tilespmem:s8+$0xA0] =	vst v3;
	v3 =	vmul.f32 v4, v5;
	v4 =	vmul.f32 v11, v5  }
0x119: {  	v5 =	vbroadcast v10, $0x0;
	[tilespmem:s8+$0xC0] =	vst v6  }
0x11a: {  	[tilespmem:s8+$0xF0] =	vst v4  }
0x11b: {  	v4 =	vld [tilespmem:s12+$0xFFFFFF40];
	[tilespmem:s8+$0xE0] =	vst v3  }
0x11c: {  	v3 =	vld [tilespmem:s12+$0xFFFFFF50];
	[tilespmem:s8+$0x90] =	vst v7  }
0x11d: {  	v6 =	vld [tilespmem:s12+$0xFFFFFF60];
	[tilespmem:s8+$0xB0] =	vst v9  }
0x11e: {  	v7 =	vld [tilespmem:s12+$0xFFFFFF70];
	[tilespmem:s8+$0xD0] =	vst v8;
	s8 =	smov.u32 s12  }
0x11f: {  	v5 =	vld.idx.msk [tilespmem:v5+s25+$0x0], $0xffff  }
0x120: {  	v8 =	vld [tilespmem:s12+$0xFFFFFF00]  }
0x121: {  	v9 =	vld [tilespmem:s12+$0xFFFFFF20]  }
0x122: {  	v10 =	vld [tilespmem:s12+$0xFFFFFF10]  }
0x123: {  	v11 =	vld [tilespmem:s12+$0xFFFFFF30];
	_ =	sdelay $0x1  }
0x124: {  	v7 =	vmul.f32 v7, v5;
	v8 =	vmul.f32 v8, v5  }
0x125: {  	s13 =	sadd.s32 $0x1, s10;
	v6 =	vmul.f32 v6, v5;
	v9 =	vmul.f32 v9, v5  }
0x126: {  	v3 =	vmul.f32 v3, v5;
	v10 =	vmul.f32 v10, v5;
	[tilespmem:s12+$0xFFFFFF70] =	vst v7;
	v7 =	vmov s13  }
0x127: {  	v4 =	vmul.f32 v4, v5;
	[tilespmem:s12+$0xFFFFFF00] =	vst v8;
	v8 =	vmul.f32 v11, v5;
	v5 =	vand.u32 $0xFFFFFFFD, v7  }
0x128: {  	[tilespmem:s12+$0xFFFFFF20] =	vst v9;
	v5 =	vbroadcast v5, $0x0  }
0x129: {  	[tilespmem:s12+$0xFFFFFF50] =	vst v3  }
0x12a: {  	[tilespmem:s12+$0xFFFFFF40] =	vst v4;
	v3 =	vld [tilespmem:s12+$0xFFFFFFF0]  }
0x12b: {  	[tilespmem:s12+$0xFFFFFF60] =	vst v6;
	v4 =	vld [tilespmem:s12+$0xFFFFFFC0]  }
0x12c: {  	[tilespmem:s12+$0xFFFFFF30] =	vst v8;
	v6 =	vld [tilespmem:s12+$0xFFFFFFD0]  }
0x12d: {  	[tilespmem:s12+$0xFFFFFF10] =	vst v10;
	v7 =	vld [tilespmem:s12+$0xFFFFFF90]  }
0x12e: {  	v5 =	vld.idx.msk [tilespmem:v5+s25+$0x0], $0xffff  }
0x12f: {  	v8 =	vld [tilespmem:s12+$0xFFFFFF80]  }
0x130: {  	v9 =	vld [tilespmem:s12+$0xFFFFFFA0]  }
0x131: {  	v10 =	vld [tilespmem:s12+$0xFFFFFFB0]  }
0x132: {  	v11 =	vld [tilespmem:s12+$0xFFFFFFE0];
	_ =	sdelay $0x1  }
0x133: {  	v7 =	vmul.f32 v7, v5;
	v8 =	vmul.f32 v8, v5  }
0x134: {  	s13 =	sadd.s32 $0x2, s10;
	v6 =	vmul.f32 v6, v5;
	v9 =	vmul.f32 v9, v5  }
0x135: {  	v4 =	vmul.f32 v4, v5;
	[tilespmem:s12+$0xFFFFFF90] =	vst v7;
	v7 =	vmul.f32 v10, v5;
	v10 =	vmov s13  }
0x136: {  	v3 =	vmul.f32 v3, v5;
	[tilespmem:s12+$0xFFFFFFA0] =	vst v9;
	v9 =	vmul.f32 v11, v5;
	v5 =	vand.u32 $0xFFFFFFFE, v10  }
0x137: {  	[tilespmem:s12+$0xFFFFFF80] =	vst v8;
	v5 =	vbroadcast v5, $0x0  }
0x138: {  	[tilespmem:s12+$0xFFFFFFB0] =	vst v7  }
0x139: {  	[tilespmem:s12+$0xFFFFFFC0] =	vst v4  }
0x13a: {  	[tilespmem:s12+$0xFFFFFFD0] =	vst v6  }
.Ltmp2:
0x13b: {  	[tilespmem:s12+$0xFFFFFFF0] =	vst v3;
	v4 =	vld [tilespmem:s12+$0x40];
	(pc) =	sbr.rel @p0 .LBB2_7-.Ltmp2, $4  }
0x13c: {  	[tilespmem:s12+$0xFFFFFFE0] =	vst v9;
	v6 =	vld [tilespmem:s12+$0x60]  }
0x13d: {  	v3 =	vld.idx.msk [tilespmem:v5+s25+$0x0], $0xffff  }
0x13e: {  	v7 =	vld [tilespmem:s12+$0x0]  }
0x13f: {  	v5 =	vld [tilespmem:s12+$0x10]  }
0x140: {  	_ =	sdelay $0x1  }
0x141: {  	v6 =	vmul.f32 v6, v3  }
0x142: {  	v8 =	vld [tilespmem:s8+$0x50];
	v4 =	vmul.f32 v4, v3  }
0x143: {  	v9 =	vld [tilespmem:s8+$0x70];
	v1 =	vmul.f32 v1, v3;
	[tilespmem:s8+$0x60] =	vst v6  }
0x144: {  	v54 =	vmul.f32 v7, v3;
	[tilespmem:s8+$0x40] =	vst v4  }
0x145: {  	s10 =	sadd.s32 $0x3, s10;
	[tilespmem:s8+$0x20] =	vst v1;
	v1 =	vmul.f32 v2, v3  }
0x146: {  	v56 =	vmov s10;
	v5 =	vmul.f32 v5, v3;
	[tilespmem:s8+$0x0] =	vst v54  }
0x147: {  	v55 =	vmul.f32 v8, v3;
	[tilespmem:s8+$0x30] =	vst v1  }
0x148: {  	v3 =	vmul.f32 v9, v3;
	[tilespmem:s8+$0x10] =	vst v5  }
0x149: {  	[tilespmem:s8+$0x50] =	vst v55  }
0x14a: {  	v2 =	vld [tilespmem:s8+$0x80];
	[tilespmem:s8+$0x70] =	vst v3  }
0x14b: {  	v1 =	vld.idx.msk [tilespmem:v56+s25+$0x0], $0xffff  }
0x14c: {  	v3 =	vld [tilespmem:s8+$0xA0]  }
0x14d: {  	v59 =	vld [tilespmem:s8+$0xE0]  }
0x14e: {  	v57 =	vld [tilespmem:s8+$0xC0]  }
0x14f: {  	v58 =	vld [tilespmem:s8+$0xF0]  }
0x150: {  	v60 =	vld [tilespmem:s8+$0x90];
	v2 =	vmul.f32 v2, v1  }
0x151: {  	v61 =	vld [tilespmem:s8+$0xB0];
	v3 =	vmul.f32 v3, v1  }
0x152: {  	v62 =	vld [tilespmem:s8+$0xD0];
	v63 =	vmul.f32 v59, v1;
	[tilespmem:s8+$0x80] =	vst v2  }
0x153: {  	v2 =	vmul.f32 v57, v1;
	[tilespmem:s8+$0xA0] =	vst v3  }
0x154: {  	v3 =	vmul.f32 v58, v1;
	[tilespmem:s8+$0xE0] =	vst v63  }
0x155: {  	[tilespmem:s8+$0xC0] =	vst v2;
	v2 =	vmul.f32 v60, v1  }
0x156: {  	[tilespmem:s8+$0xF0] =	vst v3;
	v3 =	vmul.f32 v61, v1  }
0x157: {  	s2 =	sadd.s32 $0x1, s2;
	v1 =	vmul.f32 v62, v1;
	[tilespmem:s8+$0x90] =	vst v2  }
0x158: {  	p0 =	sne.s32 s2, $0x28;
	[tilespmem:s8+$0xB0] =	vst v3  }
.Ltmp3:
0x159: {  	[tilespmem:s8+$0xD0] =	vst v1;
	(pc) =	sbr.rel @p0 .LBB2_4-.Ltmp3, $4  }
0x15a: {  	[spmem:s1] =	stream.indirect.scatter.add.f32 [tilespmem:s23], [sflag:$0x5], $0x80, s24, s19, $0xb8;
	[tilespmem:$0x1EA00] =	vst v63  }
0x15b: {  	_ =	swait.ge [sflag:s18], $0x4000  }
0x15c: {  	[sflag:s18] =	ssyncset.done $0x0  }
0x15d: {  	[sflag:s18] =	ssyncadd.s32 $0xFFFFC000  }
0x15e: {  	_ =	swait.ge [sflag:s26], $0x4000  }
0x15f: {  	[sflag:s26] =	ssyncset.done $0x0  }
0x160: {  	[sflag:s26] =	ssyncadd.s32 $0xFFFFC000  }
0x161: {  	_ =	swait.ge [sflag:s28], $0x80  }
0x162: {  	[sflag:s28] =	ssyncset.done $0x0  }
0x163: {  	[sflag:s28] =	ssyncadd.s32 $0xFFFFFF80  }
0x164: {  	s0 =	stileid.u32;
	_ =	swait.ge [sflag:s28], $0x80  }
0x165: {  	s2 =	sshrl.u32 s9, $0x3;
	s31 =	sadd.s32 $0x1, s31;
	[sflag:s28] =	ssyncset.done $0x0  }
0x166: {  	s0 =	sshll.u32 s0, $0x6;
	p0 =	sne.s32 s31, s17;
	[sflag:s28] =	ssyncadd.s32 $0xFFFFFF80  }
.Ltmp4:
0x167: {  	s0 =	sor.u32 $0x1C05, s0;
	[bflag:$0x0] =	sbarrier.arrive $0xFFFF;
	(pc) =	sbr.rel @p0 .LBB2_1-.Ltmp4, $4  }
0x168: {  	[hbm:s16], [sflag:s0] =	dma.local [spmem:s2], $0x2800  }
0x169: {  	_ =	swait.ge [sflag:s18], $0x2800  }
0x16a: {  	[sflag:s18] =	ssyncset.done $0x0  }
0x16b: {  	[sflag:s18] =	ssyncadd.s32 $0xFFFFD800  }
0x16c: {  	_ =	sfence.sel $0x180000  }
0x16d: {  	[bflag:$0x0] =	sbarrier.arrive $0xFFFF  }
0x16e: {  	_ =	strace $0x90000047  }
0x16f: {  	s0 =	stileid.u32;
	[bflag:$0x2] =	sbarrier.arrive $0xFFFF  }
0x170: {  	p0 =	sne.s32 s0, $0x0;
	s0 =	rddreg [dreg:$0x3]  }
0x171: {  	s0 =	sadd.s32 @!p0 $0x100000, s0  }
0x172: {  	[sflag:s0] =	ssyncadd.tile.s32 @!p0 $0x1;
	_ =	shalt  }
.Lfunc_end2:
_tile_overlayer_lowered:
.L_overlay_start_2:
0x173: {  	(tag) =	ssettag $0x2  }
0x174: {  	s0 =	rddreg [dreg:$0x0];
	s2 =	stileid.u32  }
0x175: {  	s1 =	rddreg [dreg:$0x1];
	p0 =	sne.s32 s2, $0x0  }
0x176: {  	s3 =	rddreg [dreg:$0x2];
	[bflag:$0x3] =	sbarrier.arrive $0xFFFF;
	s2 =	simm.s32 @!p0 $0x1C05  }
0x177: {  	[timem:s3], [sflag:s2] =	dma.local @!p0 [hbm:s0], s1  }
0x178: {  	s0 =	simm.s32 @!p0 $0x5  }
0x179: {  	_ =	swait.ge @!p0 [sflag:s0], s1  }
0x17a: {  	s1 =	ssub.s32 @!p0 $0x0, s1;
	[sflag:s0] =	ssyncset.done @!p0 $0x0  }
0x17b: {  	[sflag:s0] =	ssyncadd.s32 @!p0 s1  }
0x17c: {  	[bflag:$0x3] =	sbarrier.arrive $0xFFFF  }
0x17d: {  	_ =	shalt  }

</sc_bundles>
